<compile_context>
chip_gen: v7x
topology: tpu7x:2x2x1
jax: 0.10.2.dev20260603
libtpu: 0.0.44.dev20260713+nightly
codegen_flags: <defaults>
</compile_context>

<pallas_src>
import jax
import jax.numpy as jnp
from jax import lax
from jax.experimental import pallas as pl
from jax.experimental.pallas import tpu as pltpu
from jax.experimental.pallas import tpu_sc as plsc

B = 16384
D = 64
K = 8
TAIL = 3.0
MIN_W = 0.001
MIN_H = 0.001
MIN_D = 0.001
CW = 2 * TAIL - K * MIN_W
CH = 2 * TAIL - K * MIN_H
LN2 = 0.6931471805599453
SQRTH = 1.4142135381698608
L1P = (0.010243828, -0.05326748, 0.13198966, -0.2239669,
       0.32751173, -0.49933395, 0.99997026, 2.2159765e-07)
PLOG = (-1.1514610310e-1, 1.1676998740e-1, -1.2420140846e-1,
        1.4249322787e-1, -1.6668057665e-1, 2.0000714765e-1,
        -2.4999993993e-1, 3.3333331174e-1)

NW = 32
B_SC = 4096
B_TC = B - B_SC
BT = 1024
OFF = B_SC // BT
BW = B_SC // NW
NG = BW // 16


def _plog(v):
    bits = plsc.bitcast(v, jnp.int32)
    e = lax.shift_right_logical(bits, 23) - 127
    m = plsc.bitcast((bits & 0x007FFFFF) | 0x3F800000, jnp.float32)
    big = m > SQRTH
    m = jnp.where(big, m * 0.5, m)
    e = e + jnp.where(big, 1, 0)
    r = m - 1.0
    z = r * r
    p = jnp.float32(7.0376836292e-2)
    for c in PLOG:
        p = p * r + c
    return r + (r * z * p - 0.5 * z) + e.astype(jnp.float32) * LN2


def _softplus(u):
    t = jnp.exp(-jnp.abs(u))
    p = jnp.float32(L1P[0])
    for c in L1P[1:]:
        p = p * t + c
    return jnp.maximum(u, 0.0) + p


def _sc_body(x_hbm, uw_hbm, uh_hbm, ud_hbm, out_hbm, ld_hbm,
             xv, uwv, uhv, udv, outv, ldv,
             in_sem0, in_sem1, out_sem0, out_sem1):
    wid = lax.axis_index("s") * 2 + lax.axis_index("c")
    b0 = pl.multiple_of(wid * BW, BW)
    bsl = pl.ds(b0, BW)
    in_sems = (in_sem0, in_sem1)
    out_sems = (out_sem0, out_sem1)

    @plsc.parallel_loop(0, NG)
    def _zero(g):
        ldv[pl.ds(g * 16, 16)] = jnp.zeros((16,), jnp.float32)

    def in_copies(d, slot):
        sem = in_sems[slot]
        ssl = pl.ds(slot * BW, BW)
        return [
            pltpu.make_async_copy(x_hbm.at[d, bsl], xv.at[ssl], sem),
            pltpu.make_async_copy(uw_hbm.at[d, :, bsl], uwv.at[:, ssl], sem),
            pltpu.make_async_copy(uh_hbm.at[d, :, bsl], uhv.at[:, ssl], sem),
            pltpu.make_async_copy(ud_hbm.at[:, d, bsl], udv.at[:, ssl], sem),
        ]

    def issue_in(d, slot):
        for cp in in_copies(d, slot):
            cp.start()

    def wait_in(d, slot):
        for cp in in_copies(d, slot):
            cp.wait()

    issue_in(0, 0)
    issue_in(1, 1)

    def process(d, slot):
        wait_in(d, slot)

        @pl.when(d >= 2)
        def _():
            pltpu.make_async_copy(outv.at[pl.ds(slot * BW, BW)],
                                  out_hbm.at[d, bsl], out_sems[slot]).wait()

        @plsc.parallel_loop(0, NG)
        def _grp(g):
            o = g * 16
            sl = pl.ds(slot * BW + o, 16)
            x = xv[sl]
            tw = [jnp.exp(uwv[k, sl]) for k in range(K)]
            th = [jnp.exp(uhv[k, sl]) for k in range(K)]
            u = [udv[k, sl] for k in range(K + 1)]

            sw = tw[0]
            for k in range(1, K):
                sw = sw + tw[k]
            fw = CW / sw
            cwk = [tw[k] * fw for k in range(K)]
            kx = [jnp.full((16,), -TAIL, jnp.float32)]
            for k in range(K):
                kx.append(kx[k] + (MIN_W + cwk[k]))

            sh = th[0]
            for k in range(1, K):
                sh = sh + th[k]
            fh = CH / sh
            chk = [th[k] * fh for k in range(K)]
            ky = [jnp.full((16,), -TAIL, jnp.float32)]
            for k in range(K):
                ky.append(ky[k] + (MIN_H + chk[k]))

            m = [kx[k] <= x for k in range(1, K)]

            def ladder(vals, shift=0):
                r = vals[shift]
                for j in range(1, len(vals) - shift):
                    r = jnp.where(m[j - 1], vals[j + shift], r)
                return r

            x_k = ladder(kx[:K])
            y_k = ladder(ky[:K])
            w_b = MIN_W + ladder(cwk)
            h_b = MIN_H + ladder(chk)
            d_k = MIN_D + _softplus(ladder(u[:K]))
            d_k1 = MIN_D + _softplus(ladder(u, shift=1))

            inv_w = 1.0 / w_b
            xi = (x - x_k) * inv_w
            s_k = h_b * inv_w
            omx = 1.0 - xi
            ximx = xi * omx
            xi2 = xi * xi
            num = h_b * (s_k * xi2 + d_k * ximx)
            den = s_k + (d_k1 - s_k + d_k - s_k) * ximx
            r_den = 1.0 / den
            y = y_k + num * r_den
            num_g = (s_k * s_k) * (d_k1 * xi2 + (s_k + s_k) * ximx
                                   + d_k * omx * omx)
            dy_dx = num_g * r_den * r_den * inv_w
            log_det = _plog(jnp.abs(dy_dx))

            outside = (x <= -TAIL) | (x >= TAIL)
            outv[sl] = jnp.where(outside, x, y)
            lsl = pl.ds(o, 16)
            ldv[lsl] = ldv[lsl] + jnp.where(outside, 0.0, log_det)

        pltpu.async_copy(outv.at[pl.ds(slot * BW, BW)], out_hbm.at[d, bsl],
                         out_sems[slot])

        @pl.when(d + 2 < D)
        def _():
            issue_in(d + 2, slot)

    def col_pair(dp, _):
        process(dp * 2, 0)
        process(dp * 2 + 1, 1)
        return 0

    lax.fori_loop(0, D // 2, col_pair, 0)

    pltpu.make_async_copy(outv.at[pl.ds(0, BW)], out_hbm.at[D - 2, bsl],
                          out_sem0).wait()
    pltpu.make_async_copy(outv.at[pl.ds(BW, BW)], out_hbm.at[D - 1, bsl],
                          out_sem1).wait()
    pltpu.sync_copy(ldv, ld_hbm.at[bsl])


def _tc_body(xr, uwr, uhr, udr, outr, ldr):
    x = xr[...]
    tw = [jnp.exp(uwr[:, k, :]) for k in range(K)]
    th = [jnp.exp(uhr[:, k, :]) for k in range(K)]
    u = [udr[k, :, :] for k in range(K + 1)]

    sw = tw[0]
    for k in range(1, K):
        sw = sw + tw[k]
    fw = CW / sw
    cwk = [tw[k] * fw for k in range(K)]
    kx = [jnp.full(x.shape, -TAIL, jnp.float32)]
    for k in range(K):
        kx.append(kx[k] + (MIN_W + cwk[k]))

    sh = th[0]
    for k in range(1, K):
        sh = sh + th[k]
    fh = CH / sh
    chk = [th[k] * fh for k in range(K)]
    ky = [jnp.full(x.shape, -TAIL, jnp.float32)]
    for k in range(K):
        ky.append(ky[k] + (MIN_H + chk[k]))

    m = [kx[k] <= x for k in range(1, K)]

    def ladder(vals, shift=0):
        r = vals[shift]
        for j in range(1, len(vals) - shift):
            r = jnp.where(m[j - 1], vals[j + shift], r)
        return r

    def softplus(v):
        return jnp.maximum(v, 0.0) + jnp.log1p(jnp.exp(-jnp.abs(v)))

    x_k = ladder(kx[:K])
    y_k = ladder(ky[:K])
    w_b = MIN_W + ladder(cwk)
    h_b = MIN_H + ladder(chk)
    d_k = MIN_D + softplus(ladder(u[:K]))
    d_k1 = MIN_D + softplus(ladder(u, shift=1))

    inv_w = 1.0 / w_b
    xi = (x - x_k) * inv_w
    s_k = h_b * inv_w
    omx = 1.0 - xi
    ximx = xi * omx
    xi2 = xi * xi
    num = h_b * (s_k * xi2 + d_k * ximx)
    den = s_k + (d_k1 - s_k + d_k - s_k) * ximx
    r_den = 1.0 / den
    y = y_k + num * r_den
    num_g = (s_k * s_k) * (d_k1 * xi2 + (s_k + s_k) * ximx + d_k * omx * omx)
    dy_dx = num_g * r_den * r_den * inv_w
    log_det = jnp.log(jnp.abs(dy_dx))

    outside = (x <= -TAIL) | (x >= TAIL)
    outr[...] = jnp.where(outside, x, y)
    ldr[...] = jnp.sum(jnp.where(outside, 0.0, log_det), axis=0)


@jax.jit
def _run(x, uw, uh, ud):
    mesh = plsc.VectorSubcoreMesh(core_axis_name="c", subcore_axis_name="s")
    f = pl.kernel(
        _sc_body,
        mesh=mesh,
        compiler_params=pltpu.CompilerParams(needs_layout_passes=False),
        out_type=(
            jax.ShapeDtypeStruct((D, B_SC), jnp.float32),
            jax.ShapeDtypeStruct((B_SC,), jnp.float32),
        ),
        scratch_types=[
            pltpu.VMEM((2 * BW,), jnp.float32),
            pltpu.VMEM((K, 2 * BW), jnp.float32),
            pltpu.VMEM((K, 2 * BW), jnp.float32),
            pltpu.VMEM((K + 1, 2 * BW), jnp.float32),
            pltpu.VMEM((2 * BW,), jnp.float32),
            pltpu.VMEM((BW,), jnp.float32),
            pltpu.SemaphoreType.DMA,
            pltpu.SemaphoreType.DMA,
            pltpu.SemaphoreType.DMA,
            pltpu.SemaphoreType.DMA,
        ],
    )
    x_t = x.T
    uw_t = uw.transpose(1, 2, 0)
    uh_t = uh.transpose(1, 2, 0)
    ud_t = ud.transpose(2, 1, 0)
    out_sc, ld_sc = f(x_t, uw_t, uh_t, ud_t)

    out_tc, ld_tc = pl.pallas_call(
        _tc_body,
        grid=(B_TC // BT,),
        in_specs=[
            pl.BlockSpec((D, BT), lambda i: (0, OFF + i)),
            pl.BlockSpec((D, K, BT), lambda i: (0, 0, OFF + i)),
            pl.BlockSpec((D, K, BT), lambda i: (0, 0, OFF + i)),
            pl.BlockSpec((K + 1, D, BT), lambda i: (0, 0, OFF + i)),
        ],
        out_specs=[
            pl.BlockSpec((D, BT), lambda i: (0, i)),
            pl.BlockSpec((BT,), lambda i: (i,)),
        ],
        out_shape=[
            jax.ShapeDtypeStruct((D, B_TC), jnp.float32),
            jax.ShapeDtypeStruct((B_TC,), jnp.float32),
        ],
    )(x_t, uw_t, uh_t, ud_t)

    out_t = jnp.concatenate([out_sc, out_tc], axis=1)
    ld = jnp.concatenate([ld_sc, ld_tc])
    return out_t.T, ld


def kernel(x, unnormalized_widths, unnormalized_heights, unnormalized_derivatives):
    return _run(x, unnormalized_widths, unnormalized_heights,
                unnormalized_derivatives)

# --- scband reference (transcript-rebuilt; emitter-appended) ---
"""Pipeline reference for scband-rational-quadratic-spline-transform-49409303773680 (READ-ONLY COPY).

The authoritative reference and input builder live on the scoring server;
editing this copy changes nothing except your own understanding.
"""

import jax, jax.numpy as jnp
import numpy as np

B = 16384
D = 64
NUM_BINS = 8
TAIL_BOUND = 3.0
MIN_BIN_WIDTH = 0.001
MIN_BIN_HEIGHT = 0.001
MIN_DERIVATIVE = 0.001


def setup_inputs(seed: int = 0) -> dict:
    key = jax.random.key(seed)
    k1, k2, k3, k4 = jax.random.split(key, 4)
    x = jax.random.normal(k1, (B, D), dtype=jnp.float32)
    uw = jax.random.normal(k2, (B, D, NUM_BINS), dtype=jnp.float32)
    uh = jax.random.normal(k3, (B, D, NUM_BINS), dtype=jnp.float32)
    ud = jax.random.normal(k4, (B, D, NUM_BINS + 1), dtype=jnp.float32)
    return {
        "x": x,
        "unnormalized_widths": uw,
        "unnormalized_heights": uh,
        "unnormalized_derivatives": ud,
    }


def _gather(a, i):
    return jnp.take_along_axis(a, i[..., None], axis=-1)[..., 0]


def _spline(x, uw, uh, ud):
    # _constrain_parameters
    widths = jax.nn.softmax(uw, axis=-1)
    widths = MIN_BIN_WIDTH + (2 * TAIL_BOUND - NUM_BINS * MIN_BIN_WIDTH) * widths
    heights = jax.nn.softmax(uh, axis=-1)
    heights = MIN_BIN_HEIGHT + (2 * TAIL_BOUND - NUM_BINS * MIN_BIN_HEIGHT) * heights
    derivatives = MIN_DERIVATIVE + jax.nn.softplus(ud)
    # _compute_knots
    cw = jnp.cumsum(widths, axis=-1)
    ch = jnp.cumsum(heights, axis=-1)
    knots_x = jnp.concatenate(
        [jnp.full((*cw.shape[:-1], 1), -TAIL_BOUND), -TAIL_BOUND + cw], axis=-1
    )
    knots_y = jnp.concatenate(
        [jnp.full((*ch.shape[:-1], 1), -TAIL_BOUND), -TAIL_BOUND + ch], axis=-1
    )
    outside_domain = (x <= -TAIL_BOUND) | (x >= TAIL_BOUND)
    # _search_sorted (histogram binning)
    bin_indices = jnp.sum(knots_x[..., :-1] <= x[..., None], axis=-1) - 1
    bin_indices = jnp.clip(bin_indices, 0, NUM_BINS - 1)
    # _rational_quadratic_spline_forward
    x_k = _gather(knots_x, bin_indices)
    x_k1 = _gather(knots_x, bin_indices + 1)
    y_k = _gather(knots_y, bin_indices)
    y_k1 = _gather(knots_y, bin_indices + 1)
    delta_k = _gather(derivatives, bin_indices)
    delta_k1 = _gather(derivatives, bin_indices + 1)
    xi = (x - x_k) / (x_k1 - x_k)
    s_k = (y_k1 - y_k) / (x_k1 - x_k)
    numerator = (y_k1 - y_k) * (s_k * xi ** 2 + delta_k * xi * (1 - xi))
    denominator = s_k + (delta_k1 + delta_k - 2 * s_k) * xi * (1 - xi)
    y = y_k + numerator / denominator
    numerator_grad = s_k ** 2 * (
        delta_k1 * xi ** 2 + 2 * s_k * xi * (1 - xi) + delta_k * (1 - xi) ** 2
    )
    denominator_grad = (s_k + (delta_k1 + delta_k - 2 * s_k) * xi * (1 - xi)) ** 2
    dy_dx = numerator_grad / denominator_grad / (x_k1 - x_k)
    log_det = jnp.log(jnp.abs(dy_dx))
    outputs = jnp.where(outside_domain, x, y)
    log_det_inside = jnp.where(outside_domain, 0.0, log_det)
    log_abs_det_total = jnp.sum(log_det_inside, axis=-1)
    return outputs, log_abs_det_total


def reference(x, unnormalized_widths, unnormalized_heights, unnormalized_derivatives):
    return _spline(x, unnormalized_widths, unnormalized_heights, unnormalized_derivatives)

if __name__ == "__main__":
    import jax
    _d = setup_inputs()
    print(jax.jit(kernel)(*tuple(_d.values())))

</pallas_src>

<mosaic_0001>
#map = affine_map<(d0, d1) -> (0, 0)>
#map1 = affine_map<(d0, d1) -> (0, 0, 0)>
#map2 = affine_map<(d0, d1) -> (0)>
module attributes {stable_mosaic.version = 14 : i64} {
  func.func @_sc_body(%arg0: i32, %arg1: i32, %arg2: memref<64x16384xf32, #tpu.memory_space<hbm>>, %arg3: memref<64x8x16384xf32, #tpu.memory_space<hbm>>, %arg4: memref<64x8x16384xf32, #tpu.memory_space<hbm>>, %arg5: memref<9x64x16384xf32, #tpu.memory_space<hbm>>, %arg6: memref<64x4096xf32, #tpu.memory_space<hbm>>, %arg7: memref<4096xf32, #tpu.memory_space<hbm>>, %arg8: memref<256xf32, #tpu.memory_space<vmem>>, %arg9: memref<8x256xf32, #tpu.memory_space<vmem>>, %arg10: memref<8x256xf32, #tpu.memory_space<vmem>>, %arg11: memref<9x256xf32, #tpu.memory_space<vmem>>, %arg12: memref<256xf32, #tpu.memory_space<vmem>>, %arg13: memref<128xf32, #tpu.memory_space<vmem>>, %arg14: memref<!tpu.dma_semaphore, #tpu.memory_space<semaphore_mem>>, %arg15: memref<!tpu.dma_semaphore, #tpu.memory_space<semaphore_mem>>, %arg16: memref<!tpu.dma_semaphore, #tpu.memory_space<semaphore_mem>>, %arg17: memref<!tpu.dma_semaphore, #tpu.memory_space<semaphore_mem>>) attributes {dimension_semantics = [#tpu.dimension_semantics<core_parallel>, #tpu.dimension_semantics<subcore_parallel>], iteration_bounds = array<i64: 2, 16>, scalar_prefetch = 0 : i64, scratch_operands = 10 : i64, tpu.core_type = #tpu.core_type<sc_vector_subcore>, window_params = [{transform_indices = #map}, {transform_indices = #map1}, {transform_indices = #map1}, {transform_indices = #map1}, {transform_indices = #map}, {transform_indices = #map2}]} {
    %mul3A = arith.constant 2 : i32
    %mul3A_0 = arith.muli %arg1, %mul3A : i32
    %add3A = arith.addi %mul3A_0, %arg0 : i32
    %mul3A_1 = arith.constant 128 : i32
    %mul3A_2 = arith.muli %add3A, %mul3A_1 : i32
    %multiple_of3A = tpu.assume_multiple %mul3A_2, 128 : i32
    %parallel_loop3A = arith.constant 0 : i32
    %parallel_loop3A_3 = arith.constant 8 : i32
    %parallel_loop3A_4 = arith.constant 1 : i32
    scf.for %parallel_loop3A_123 = %parallel_loop3A to %parallel_loop3A_3 step %parallel_loop3A_4  : i32 {
      %parallel_loop3A_124 = arith.constant 0.000000e+00 : f32
      %parallel_loop3A_125 = vector.broadcast %parallel_loop3A_124 : f32 to vector<16xf32>
      %parallel_loop3A_126 = arith.constant 16 : i32
      %parallel_loop3A_127 = arith.muli %parallel_loop3A_123, %parallel_loop3A_126 : i32
      %parallel_loop3A_128 = arith.index_cast %parallel_loop3A_127 : i32 to index
      %parallel_loop3A_129 = tpu.vector_load %arg13[%parallel_loop3A_128] {strides = array<i32>} : memref<128xf32, #tpu.memory_space<vmem>>, vector<16xf32>,
      tpu.vector_store %arg13[%parallel_loop3A_128], %parallel_loop3A_125 {strides = array<i32>} : memref<128xf32, #tpu.memory_space<vmem>>, vector<16xf32>,
    } {sc.loop_unroll_factor = 1 : i64, sc.parallel_access}
    %dma_start3A = arith.constant 0 : i32
    %dma_start3A_5 = arith.constant 0 : i32
    %dma_start3A_6 = tpu.memref_slice %arg8[%dma_start3A_5] : memref<256xf32, #tpu.memory_space<vmem>> -> memref<128xf32, #tpu.memory_space<vmem>>
    %dma_start3A_7 = tpu.memref_slice %arg2[%dma_start3A, %multiple_of3A] : memref<64x16384xf32, #tpu.memory_space<hbm>> -> memref<1x128xf32, #tpu.memory_space<hbm>>
    %dma_start3A_8 = tpu.memref_squeeze %dma_start3A_7 : memref<1x128xf32, #tpu.memory_space<hbm>> -> memref<128xf32, #tpu.memory_space<hbm>>
    %dma_start3A_9 = arith.constant 0 : i32
    %dma_start3A_10 = tpu.memref_slice %arg8[%dma_start3A_9] : memref<256xf32, #tpu.memory_space<vmem>> -> memref<128xf32, #tpu.memory_space<vmem>>
    %dma_start3A_11 = tpu.memref_slice %arg2[%dma_start3A, %multiple_of3A] : memref<64x16384xf32, #tpu.memory_space<hbm>> -> memref<1x128xf32, #tpu.memory_space<hbm>>
    %dma_start3A_12 = tpu.memref_squeeze %dma_start3A_11 : memref<1x128xf32, #tpu.memory_space<hbm>> -> memref<128xf32, #tpu.memory_space<hbm>>
    tpu.enqueue_dma source(%dma_start3A_12 : memref<128xf32, #tpu.memory_space<hbm>>) target(%dma_start3A_10 : memref<128xf32, #tpu.memory_space<vmem>>) target_semaphore(%arg14 : memref<!tpu.dma_semaphore, #tpu.memory_space<semaphore_mem>>)
    %dma_start3A_13 = arith.constant 0 : i32
    %dma_start3A_14 = arith.constant 0 : i32
    %dma_start3A_15 = arith.constant 0 : i32
    %dma_start3A_16 = tpu.memref_slice %arg9[%dma_start3A_14, %dma_start3A_15] : memref<8x256xf32, #tpu.memory_space<vmem>> -> memref<8x128xf32, #tpu.memory_space<vmem>>
    %dma_start3A_17 = arith.constant 0 : i32
    %dma_start3A_18 = tpu.memref_slice %arg3[%dma_start3A_13, %dma_start3A_17, %multiple_of3A] : memref<64x8x16384xf32, #tpu.memory_space<hbm>> -> memref<1x8x128xf32, #tpu.memory_space<hbm>>
    %dma_start3A_19 = tpu.memref_squeeze %dma_start3A_18 : memref<1x8x128xf32, #tpu.memory_space<hbm>> -> memref<8x128xf32, #tpu.memory_space<hbm>>
    %dma_start3A_20 = arith.constant 0 : i32
    %dma_start3A_21 = arith.constant 0 : i32
    %dma_start3A_22 = tpu.memref_slice %arg9[%dma_start3A_20, %dma_start3A_21] : memref<8x256xf32, #tpu.memory_space<vmem>> -> memref<8x128xf32, #tpu.memory_space<vmem>>
    %dma_start3A_23 = arith.constant 0 : i32
    %dma_start3A_24 = tpu.memref_slice %arg3[%dma_start3A_13, %dma_start3A_23, %multiple_of3A] : memref<64x8x16384xf32, #tpu.memory_space<hbm>> -> memref<1x8x128xf32, #tpu.memory_space<hbm>>
    %dma_start3A_25 = tpu.memref_squeeze %dma_start3A_24 : memref<1x8x128xf32, #tpu.memory_space<hbm>> -> memref<8x128xf32, #tpu.memory_space<hbm>>
    tpu.enqueue_dma source(%dma_start3A_25 : memref<8x128xf32, #tpu.memory_space<hbm>>) target(%dma_start3A_22 : memref<8x128xf32, #tpu.memory_space<vmem>>) target_semaphore(%arg14 : memref<!tpu.dma_semaphore, #tpu.memory_space<semaphore_mem>>)
    %dma_start3A_26 = arith.constant 0 : i32
    %dma_start3A_27 = arith.constant 0 : i32
    %dma_start3A_28 = arith.constant 0 : i32
    %dma_start3A_29 = tpu.memref_slice %arg10[%dma_start3A_27, %dma_start3A_28] : memref<8x256xf32, #tpu.memory_space<vmem>> -> memref<8x128xf32, #tpu.memory_space<vmem>>
    %dma_start3A_30 = arith.constant 0 : i32
    %dma_start3A_31 = tpu.memref_slice %arg4[%dma_start3A_26, %dma_start3A_30, %multiple_of3A] : memref<64x8x16384xf32, #tpu.memory_space<hbm>> -> memref<1x8x128xf32, #tpu.memory_space<hbm>>
    %dma_start3A_32 = tpu.memref_squeeze %dma_start3A_31 : memref<1x8x128xf32, #tpu.memory_space<hbm>> -> memref<8x128xf32, #tpu.memory_space<hbm>>
    %dma_start3A_33 = arith.constant 0 : i32
    %dma_start3A_34 = arith.constant 0 : i32
    %dma_start3A_35 = tpu.memref_slice %arg10[%dma_start3A_33, %dma_start3A_34] : memref<8x256xf32, #tpu.memory_space<vmem>> -> memref<8x128xf32, #tpu.memory_space<vmem>>
    %dma_start3A_36 = arith.constant 0 : i32
    %dma_start3A_37 = tpu.memref_slice %arg4[%dma_start3A_26, %dma_start3A_36, %multiple_of3A] : memref<64x8x16384xf32, #tpu.memory_space<hbm>> -> memref<1x8x128xf32, #tpu.memory_space<hbm>>
    %dma_start3A_38 = tpu.memref_squeeze %dma_start3A_37 : memref<1x8x128xf32, #tpu.memory_space<hbm>> -> memref<8x128xf32, #tpu.memory_space<hbm>>
    tpu.enqueue_dma source(%dma_start3A_38 : memref<8x128xf32, #tpu.memory_space<hbm>>) target(%dma_start3A_35 : memref<8x128xf32, #tpu.memory_space<vmem>>) target_semaphore(%arg14 : memref<!tpu.dma_semaphore, #tpu.memory_space<semaphore_mem>>)
    %dma_start3A_39 = arith.constant 0 : i32
    %dma_start3A_40 = arith.constant 0 : i32
    %dma_start3A_41 = arith.constant 0 : i32
    %dma_start3A_42 = tpu.memref_slice %arg11[%dma_start3A_40, %dma_start3A_41] : memref<9x256xf32, #tpu.memory_space<vmem>> -> memref<9x128xf32, #tpu.memory_space<vmem>>
    %dma_start3A_43 = arith.constant 0 : i32
    %dma_start3A_44 = tpu.memref_slice %arg5[%dma_start3A_43, %dma_start3A_39, %multiple_of3A] : memref<9x64x16384xf32, #tpu.memory_space<hbm>> -> memref<9x1x128xf32, #tpu.memory_space<hbm>>
    %dma_start3A_45 = tpu.memref_squeeze %dma_start3A_44 : memref<9x1x128xf32, #tpu.memory_space<hbm>> -> memref<9x128xf32, #tpu.memory_space<hbm>>
    %dma_start3A_46 = arith.constant 0 : i32
    %dma_start3A_47 = arith.constant 0 : i32
    %dma_start3A_48 = tpu.memref_slice %arg11[%dma_start3A_46, %dma_start3A_47] : memref<9x256xf32, #tpu.memory_space<vmem>> -> memref<9x128xf32, #tpu.memory_space<vmem>>
    %dma_start3A_49 = arith.constant 0 : i32
    %dma_start3A_50 = tpu.memref_slice %arg5[%dma_start3A_49, %dma_start3A_39, %multiple_of3A] : memref<9x64x16384xf32, #tpu.memory_space<hbm>> -> memref<9x1x128xf32, #tpu.memory_space<hbm>>
    %dma_start3A_51 = tpu.memref_squeeze %dma_start3A_50 : memref<9x1x128xf32, #tpu.memory_space<hbm>> -> memref<9x128xf32, #tpu.memory_space<hbm>>
    tpu.enqueue_dma source(%dma_start3A_51 : memref<9x128xf32, #tpu.memory_space<hbm>>) target(%dma_start3A_48 : memref<9x128xf32, #tpu.memory_space<vmem>>) target_semaphore(%arg14 : memref<!tpu.dma_semaphore, #tpu.memory_space<semaphore_mem>>)
    %dma_start3A_52 = arith.constant 1 : i32
    %dma_start3A_53 = arith.constant 128 : i32
    %dma_start3A_54 = tpu.memref_slice %arg8[%dma_start3A_53] : memref<256xf32, #tpu.memory_space<vmem>> -> memref<128xf32, #tpu.memory_space<vmem>>
    %dma_start3A_55 = tpu.memref_slice %arg2[%dma_start3A_52, %multiple_of3A] : memref<64x16384xf32, #tpu.memory_space<hbm>> -> memref<1x128xf32, #tpu.memory_space<hbm>>
    %dma_start3A_56 = tpu.memref_squeeze %dma_start3A_55 : memref<1x128xf32, #tpu.memory_space<hbm>> -> memref<128xf32, #tpu.memory_space<hbm>>
    %dma_start3A_57 = arith.constant 128 : i32
    %dma_start3A_58 = tpu.memref_slice %arg8[%dma_start3A_57] : memref<256xf32, #tpu.memory_space<vmem>> -> memref<128xf32, #tpu.memory_space<vmem>>
    %dma_start3A_59 = tpu.memref_slice %arg2[%dma_start3A_52, %multiple_of3A] : memref<64x16384xf32, #tpu.memory_space<hbm>> -> memref<1x128xf32, #tpu.memory_space<hbm>>
    %dma_start3A_60 = tpu.memref_squeeze %dma_start3A_59 : memref<1x128xf32, #tpu.memory_space<hbm>> -> memref<128xf32, #tpu.memory_space<hbm>>
    tpu.enqueue_dma source(%dma_start3A_60 : memref<128xf32, #tpu.memory_space<hbm>>) target(%dma_start3A_58 : memref<128xf32, #tpu.memory_space<vmem>>) target_semaphore(%arg15 : memref<!tpu.dma_semaphore, #tpu.memory_space<semaphore_mem>>)
    %dma_start3A_61 = arith.constant 1 : i32
    %dma_start3A_62 = arith.constant 0 : i32
    %dma_start3A_63 = arith.constant 128 : i32
    %dma_start3A_64 = tpu.memref_slice %arg9[%dma_start3A_62, %dma_start3A_63] : memref<8x256xf32, #tpu.memory_space<vmem>> -> memref<8x128xf32, #tpu.memory_space<vmem>>
    %dma_start3A_65 = arith.constant 0 : i32
    %dma_start3A_66 = tpu.memref_slice %arg3[%dma_start3A_61, %dma_start3A_65, %multiple_of3A] : memref<64x8x16384xf32, #tpu.memory_space<hbm>> -> memref<1x8x128xf32, #tpu.memory_space<hbm>>
    %dma_start3A_67 = tpu.memref_squeeze %dma_start3A_66 : memref<1x8x128xf32, #tpu.memory_space<hbm>> -> memref<8x128xf32, #tpu.memory_space<hbm>>
    %dma_start3A_68 = arith.constant 0 : i32
    %dma_start3A_69 = arith.constant 128 : i32
    %dma_start3A_70 = tpu.memref_slice %arg9[%dma_start3A_68, %dma_start3A_69] : memref<8x256xf32, #tpu.memory_space<vmem>> -> memref<8x128xf32, #tpu.memory_space<vmem>>
    %dma_start3A_71 = arith.constant 0 : i32
    %dma_start3A_72 = tpu.memref_slice %arg3[%dma_start3A_61, %dma_start3A_71, %multiple_of3A] : memref<64x8x16384xf32, #tpu.memory_space<hbm>> -> memref<1x8x128xf32, #tpu.memory_space<hbm>>
    %dma_start3A_73 = tpu.memref_squeeze %dma_start3A_72 : memref<1x8x128xf32, #tpu.memory_space<hbm>> -> memref<8x128xf32, #tpu.memory_space<hbm>>
    tpu.enqueue_dma source(%dma_start3A_73 : memref<8x128xf32, #tpu.memory_space<hbm>>) target(%dma_start3A_70 : memref<8x128xf32, #tpu.memory_space<vmem>>) target_semaphore(%arg15 : memref<!tpu.dma_semaphore, #tpu.memory_space<semaphore_mem>>)
    %dma_start3A_74 = arith.constant 1 : i32
    %dma_start3A_75 = arith.constant 0 : i32
    %dma_start3A_76 = arith.constant 128 : i32
    %dma_start3A_77 = tpu.memref_slice %arg10[%dma_start3A_75, %dma_start3A_76] : memref<8x256xf32, #tpu.memory_space<vmem>> -> memref<8x128xf32, #tpu.memory_space<vmem>>
    %dma_start3A_78 = arith.constant 0 : i32
    %dma_start3A_79 = tpu.memref_slice %arg4[%dma_start3A_74, %dma_start3A_78, %multiple_of3A] : memref<64x8x16384xf32, #tpu.memory_space<hbm>> -> memref<1x8x128xf32, #tpu.memory_space<hbm>>
    %dma_start3A_80 = tpu.memref_squeeze %dma_start3A_79 : memref<1x8x128xf32, #tpu.memory_space<hbm>> -> memref<8x128xf32, #tpu.memory_space<hbm>>
    %dma_start3A_81 = arith.constant 0 : i32
    %dma_start3A_82 = arith.constant 128 : i32
    %dma_start3A_83 = tpu.memref_slice %arg10[%dma_start3A_81, %dma_start3A_82] : memref<8x256xf32, #tpu.memory_space<vmem>> -> memref<8x128xf32, #tpu.memory_space<vmem>>
    %dma_start3A_84 = arith.constant 0 : i32
    %dma_start3A_85 = tpu.memref_slice %arg4[%dma_start3A_74, %dma_start3A_84, %multiple_of3A] : memref<64x8x16384xf32, #tpu.memory_space<hbm>> -> memref<1x8x128xf32, #tpu.memory_space<hbm>>
    %dma_start3A_86 = tpu.memref_squeeze %dma_start3A_85 : memref<1x8x128xf32, #tpu.memory_space<hbm>> -> memref<8x128xf32, #tpu.memory_space<hbm>>
    tpu.enqueue_dma source(%dma_start3A_86 : memref<8x128xf32, #tpu.memory_space<hbm>>) target(%dma_start3A_83 : memref<8x128xf32, #tpu.memory_space<vmem>>) target_semaphore(%arg15 : memref<!tpu.dma_semaphore, #tpu.memory_space<semaphore_mem>>)
    %dma_start3A_87 = arith.constant 1 : i32
    %dma_start3A_88 = arith.constant 0 : i32
    %dma_start3A_89 = arith.constant 128 : i32
    %dma_start3A_90 = tpu.memref_slice %arg11[%dma_start3A_88, %dma_start3A_89] : memref<9x256xf32, #tpu.memory_space<vmem>> -> memref<9x128xf32, #tpu.memory_space<vmem>>
    %dma_start3A_91 = arith.constant 0 : i32
    %dma_start3A_92 = tpu.memref_slice %arg5[%dma_start3A_91, %dma_start3A_87, %multiple_of3A] : memref<9x64x16384xf32, #tpu.memory_space<hbm>> -> memref<9x1x128xf32, #tpu.memory_space<hbm>>
    %dma_start3A_93 = tpu.memref_squeeze %dma_start3A_92 : memref<9x1x128xf32, #tpu.memory_space<hbm>> -> memref<9x128xf32, #tpu.memory_space<hbm>>
    %dma_start3A_94 = arith.constant 0 : i32
    %dma_start3A_95 = arith.constant 128 : i32
    %dma_start3A_96 = tpu.memref_slice %arg11[%dma_start3A_94, %dma_start3A_95] : memref<9x256xf32, #tpu.memory_space<vmem>> -> memref<9x128xf32, #tpu.memory_space<vmem>>
    %dma_start3A_97 = arith.constant 0 : i32
    %dma_start3A_98 = tpu.memref_slice %arg5[%dma_start3A_97, %dma_start3A_87, %multiple_of3A] : memref<9x64x16384xf32, #tpu.memory_space<hbm>> -> memref<9x1x128xf32, #tpu.memory_space<hbm>>
    %dma_start3A_99 = tpu.memref_squeeze %dma_start3A_98 : memref<9x1x128xf32, #tpu.memory_space<hbm>> -> memref<9x128xf32, #tpu.memory_space<hbm>>
    tpu.enqueue_dma source(%dma_start3A_99 : memref<9x128xf32, #tpu.memory_space<hbm>>) target(%dma_start3A_96 : memref<9x128xf32, #tpu.memory_space<vmem>>) target_semaphore(%arg15 : memref<!tpu.dma_semaphore, #tpu.memory_space<semaphore_mem>>)
    %scan3A = arith.constant 0 : i32
    %scan3A_100 = arith.constant 0 : i32
    %scan3A_101 = arith.constant 32 : i32
    %scan3A_102 = arith.addi %scan3A_100, %scan3A_101 : i32
    %scan3A_103 = arith.constant 1 : i32
    %scan3A_104 = scf.for %scan3A_123 = %scan3A_100 to %scan3A_102 step %scan3A_103 iter_args(%scan3A_124 = %scan3A) -> (i32)  : i32 {
      %mul3A_125 = arith.constant 2 : i32
      %mul3A_126 = arith.muli %scan3A_123, %mul3A_125 : i32
      %dma_wait3A_127 = arith.constant 0 : i32
      %dma_wait3A_128 = tpu.memref_slice %arg8[%dma_wait3A_127] : memref<256xf32, #tpu.memory_space<vmem>> -> memref<128xf32, #tpu.memory_space<vmem>>
      %dma_wait3A_129 = tpu.memref_slice %arg2[%mul3A_126, %multiple_of3A] : memref<64x16384xf32, #tpu.memory_space<hbm>> -> memref<1x128xf32, #tpu.memory_space<hbm>>
      %dma_wait3A_130 = tpu.memref_squeeze %dma_wait3A_129 : memref<1x128xf32, #tpu.memory_space<hbm>> -> memref<128xf32, #tpu.memory_space<hbm>>
      %dma_wait3A_131 = arith.constant 0 : i32
      %dma_wait3A_132 = tpu.memref_slice %arg8[%dma_wait3A_131] : memref<256xf32, #tpu.memory_space<vmem>> -> memref<128xf32, #tpu.memory_space<vmem>>
      %dma_wait3A_133 = tpu.memref_slice %arg2[%mul3A_126, %multiple_of3A] : memref<64x16384xf32, #tpu.memory_space<hbm>> -> memref<1x128xf32, #tpu.memory_space<hbm>>
      %dma_wait3A_134 = tpu.memref_squeeze %dma_wait3A_133 : memref<1x128xf32, #tpu.memory_space<hbm>> -> memref<128xf32, #tpu.memory_space<hbm>>
      tpu.wait_dma2 semaphore(%arg14 : memref<!tpu.dma_semaphore, #tpu.memory_space<semaphore_mem>>) src(%dma_wait3A_134 : memref<128xf32, #tpu.memory_space<hbm>>) dst(%dma_wait3A_132 : memref<128xf32, #tpu.memory_space<vmem>>)
      %dma_wait3A_135 = arith.constant 0 : i32
      %dma_wait3A_136 = arith.constant 0 : i32
      %dma_wait3A_137 = tpu.memref_slice %arg9[%dma_wait3A_135, %dma_wait3A_136] : memref<8x256xf32, #tpu.memory_space<vmem>> -> memref<8x128xf32, #tpu.memory_space<vmem>>
      %dma_wait3A_138 = arith.constant 0 : i32
      %dma_wait3A_139 = tpu.memref_slice %arg3[%mul3A_126, %dma_wait3A_138, %multiple_of3A] : memref<64x8x16384xf32, #tpu.memory_space<hbm>> -> memref<1x8x128xf32, #tpu.memory_space<hbm>>
      %dma_wait3A_140 = tpu.memref_squeeze %dma_wait3A_139 : memref<1x8x128xf32, #tpu.memory_space<hbm>> -> memref<8x128xf32, #tpu.memory_space<hbm>>
      %dma_wait3A_141 = arith.constant 0 : i32
      %dma_wait3A_142 = arith.constant 0 : i32
      %dma_wait3A_143 = tpu.memref_slice %arg9[%dma_wait3A_141, %dma_wait3A_142] : memref<8x256xf32, #tpu.memory_space<vmem>> -> memref<8x128xf32, #tpu.memory_space<vmem>>
      %dma_wait3A_144 = arith.constant 0 : i32
      %dma_wait3A_145 = tpu.memref_slice %arg3[%mul3A_126, %dma_wait3A_144, %multiple_of3A] : memref<64x8x16384xf32, #tpu.memory_space<hbm>> -> memref<1x8x128xf32, #tpu.memory_space<hbm>>
      %dma_wait3A_146 = tpu.memref_squeeze %dma_wait3A_145 : memref<1x8x128xf32, #tpu.memory_space<hbm>> -> memref<8x128xf32, #tpu.memory_space<hbm>>
      tpu.wait_dma2 semaphore(%arg14 : memref<!tpu.dma_semaphore, #tpu.memory_space<semaphore_mem>>) src(%dma_wait3A_146 : memref<8x128xf32, #tpu.memory_space<hbm>>) dst(%dma_wait3A_143 : memref<8x128xf32, #tpu.memory_space<vmem>>)
      %dma_wait3A_147 = arith.constant 0 : i32
      %dma_wait3A_148 = arith.constant 0 : i32
      %dma_wait3A_149 = tpu.memref_slice %arg10[%dma_wait3A_147, %dma_wait3A_148] : memref<8x256xf32, #tpu.memory_space<vmem>> -> memref<8x128xf32, #tpu.memory_space<vmem>>
      %dma_wait3A_150 = arith.constant 0 : i32
      %dma_wait3A_151 = tpu.memref_slice %arg4[%mul3A_126, %dma_wait3A_150, %multiple_of3A] : memref<64x8x16384xf32, #tpu.memory_space<hbm>> -> memref<1x8x128xf32, #tpu.memory_space<hbm>>
      %dma_wait3A_152 = tpu.memref_squeeze %dma_wait3A_151 : memref<1x8x128xf32, #tpu.memory_space<hbm>> -> memref<8x128xf32, #tpu.memory_space<hbm>>
      %dma_wait3A_153 = arith.constant 0 : i32
      %dma_wait3A_154 = arith.constant 0 : i32
      %dma_wait3A_155 = tpu.memref_slice %arg10[%dma_wait3A_153, %dma_wait3A_154] : memref<8x256xf32, #tpu.memory_space<vmem>> -> memref<8x128xf32, #tpu.memory_space<vmem>>
      %dma_wait3A_156 = arith.constant 0 : i32
      %dma_wait3A_157 = tpu.memref_slice %arg4[%mul3A_126, %dma_wait3A_156, %multiple_of3A] : memref<64x8x16384xf32, #tpu.memory_space<hbm>> -> memref<1x8x128xf32, #tpu.memory_space<hbm>>
      %dma_wait3A_158 = tpu.memref_squeeze %dma_wait3A_157 : memref<1x8x128xf32, #tpu.memory_space<hbm>> -> memref<8x128xf32, #tpu.memory_space<hbm>>
      tpu.wait_dma2 semaphore(%arg14 : memref<!tpu.dma_semaphore, #tpu.memory_space<semaphore_mem>>) src(%dma_wait3A_158 : memref<8x128xf32, #tpu.memory_space<hbm>>) dst(%dma_wait3A_155 : memref<8x128xf32, #tpu.memory_space<vmem>>)
      %dma_wait3A_159 = arith.constant 0 : i32
      %dma_wait3A_160 = arith.constant 0 : i32
      %dma_wait3A_161 = tpu.memref_slice %arg11[%dma_wait3A_159, %dma_wait3A_160] : memref<9x256xf32, #tpu.memory_space<vmem>> -> memref<9x128xf32, #tpu.memory_space<vmem>>
      %dma_wait3A_162 = arith.constant 0 : i32
      %dma_wait3A_163 = tpu.memref_slice %arg5[%dma_wait3A_162, %mul3A_126, %multiple_of3A] : memref<9x64x16384xf32, #tpu.memory_space<hbm>> -> memref<9x1x128xf32, #tpu.memory_space<hbm>>
      %dma_wait3A_164 = tpu.memref_squeeze %dma_wait3A_163 : memref<9x1x128xf32, #tpu.memory_space<hbm>> -> memref<9x128xf32, #tpu.memory_space<hbm>>
      %dma_wait3A_165 = arith.constant 0 : i32
      %dma_wait3A_166 = arith.constant 0 : i32
      %dma_wait3A_167 = tpu.memref_slice %arg11[%dma_wait3A_165, %dma_wait3A_166] : memref<9x256xf32, #tpu.memory_space<vmem>> -> memref<9x128xf32, #tpu.memory_space<vmem>>
      %dma_wait3A_168 = arith.constant 0 : i32
      %dma_wait3A_169 = tpu.memref_slice %arg5[%dma_wait3A_168, %mul3A_126, %multiple_of3A] : memref<9x64x16384xf32, #tpu.memory_space<hbm>> -> memref<9x1x128xf32, #tpu.memory_space<hbm>>
      %dma_wait3A_170 = tpu.memref_squeeze %dma_wait3A_169 : memref<9x1x128xf32, #tpu.memory_space<hbm>> -> memref<9x128xf32, #tpu.memory_space<hbm>>
      tpu.wait_dma2 semaphore(%arg14 : memref<!tpu.dma_semaphore, #tpu.memory_space<semaphore_mem>>) src(%dma_wait3A_170 : memref<9x128xf32, #tpu.memory_space<hbm>>) dst(%dma_wait3A_167 : memref<9x128xf32, #tpu.memory_space<vmem>>)
      %ge3A = arith.constant 2 : i32
      %ge3A_171 = arith.cmpi sge, %mul3A_126, %ge3A : i32
      %convert_element_type3A = arith.extui %ge3A_171 : i1 to i32
      %cond3A = arith.constant 0 : i32
      %cond3A_172 = arith.cmpi ne, %convert_element_type3A, %cond3A : i32
      scf.if %cond3A_172 {
        %dma_wait3A_262 = arith.constant 0 : i32
        %dma_wait3A_263 = tpu.memref_slice %arg12[%dma_wait3A_262] : memref<256xf32, #tpu.memory_space<vmem>> -> memref<128xf32, #tpu.memory_space<vmem>>
        %dma_wait3A_264 = tpu.memref_slice %arg6[%mul3A_126, %multiple_of3A] : memref<64x4096xf32, #tpu.memory_space<hbm>> -> memref<1x128xf32, #tpu.memory_space<hbm>>
        %dma_wait3A_265 = tpu.memref_squeeze %dma_wait3A_264 : memref<1x128xf32, #tpu.memory_space<hbm>> -> memref<128xf32, #tpu.memory_space<hbm>>
        %dma_wait3A_266 = tpu.memref_slice %arg6[%mul3A_126, %multiple_of3A] : memref<64x4096xf32, #tpu.memory_space<hbm>> -> memref<1x128xf32, #tpu.memory_space<hbm>>
        %dma_wait3A_267 = tpu.memref_squeeze %dma_wait3A_266 : memref<1x128xf32, #tpu.memory_space<hbm>> -> memref<128xf32, #tpu.memory_space<hbm>>
        %dma_wait3A_268 = arith.constant 0 : i32
        %dma_wait3A_269 = tpu.memref_slice %arg12[%dma_wait3A_268] : memref<256xf32, #tpu.memory_space<vmem>> -> memref<128xf32, #tpu.memory_space<vmem>>
        tpu.wait_dma2 semaphore(%arg16 : memref<!tpu.dma_semaphore, #tpu.memory_space<semaphore_mem>>) src(%dma_wait3A_269 : memref<128xf32, #tpu.memory_space<vmem>>) dst(%dma_wait3A_267 : memref<128xf32, #tpu.memory_space<hbm>>)
      } else {
      }
      %parallel_loop3A_173 = arith.constant 0 : i32
      %parallel_loop3A_174 = arith.constant 8 : i32
      %parallel_loop3A_175 = arith.constant 1 : i32
      scf.for %parallel_loop3A_262 = %parallel_loop3A_173 to %parallel_loop3A_174 step %parallel_loop3A_175  : i32 {
        %parallel_loop3A_263 = arith.constant 16 : i32
        %parallel_loop3A_264 = arith.muli %parallel_loop3A_262, %parallel_loop3A_263 : i32
        %parallel_loop3A_265 = arith.constant 0 : i32
        %parallel_loop3A_266 = arith.addi %parallel_loop3A_265, %parallel_loop3A_264 : i32
        %parallel_loop3A_267 = arith.index_cast %parallel_loop3A_266 : i32 to index
        %parallel_loop3A_268 = tpu.vector_load %arg8[%parallel_loop3A_267] {strides = array<i32>} : memref<256xf32, #tpu.memory_space<vmem>>, vector<16xf32>,
        %parallel_loop3A_269 = arith.constant 0 : i32
        %parallel_loop3A_270 = arith.index_cast %parallel_loop3A_269 : i32 to index
        %parallel_loop3A_271 = arith.index_cast %parallel_loop3A_266 : i32 to index
        %parallel_loop3A_272 = tpu.vector_load %arg9[%parallel_loop3A_270, %parallel_loop3A_271] {strides = array<i32>} : memref<8x256xf32, #tpu.memory_space<vmem>>, vector<16xf32>,
        %parallel_loop3A_273 = math.exp %parallel_loop3A_272 : vector<16xf32>
        %parallel_loop3A_274 = arith.constant 1 : i32
        %parallel_loop3A_275 = arith.index_cast %parallel_loop3A_274 : i32 to index
        %parallel_loop3A_276 = arith.index_cast %parallel_loop3A_266 : i32 to index
        %parallel_loop3A_277 = tpu.vector_load %arg9[%parallel_loop3A_275, %parallel_loop3A_276] {strides = array<i32>} : memref<8x256xf32, #tpu.memory_space<vmem>>, vector<16xf32>,
        %parallel_loop3A_278 = math.exp %parallel_loop3A_277 : vector<16xf32>
        %parallel_loop3A_279 = arith.constant 2 : i32
        %parallel_loop3A_280 = arith.index_cast %parallel_loop3A_279 : i32 to index
        %parallel_loop3A_281 = arith.index_cast %parallel_loop3A_266 : i32 to index
        %parallel_loop3A_282 = tpu.vector_load %arg9[%parallel_loop3A_280, %parallel_loop3A_281] {strides = array<i32>} : memref<8x256xf32, #tpu.memory_space<vmem>>, vector<16xf32>,
        %parallel_loop3A_283 = math.exp %parallel_loop3A_282 : vector<16xf32>
        %parallel_loop3A_284 = arith.constant 3 : i32
        %parallel_loop3A_285 = arith.index_cast %parallel_loop3A_284 : i32 to index
        %parallel_loop3A_286 = arith.index_cast %parallel_loop3A_266 : i32 to index
        %parallel_loop3A_287 = tpu.vector_load %arg9[%parallel_loop3A_285, %parallel_loop3A_286] {strides = array<i32>} : memref<8x256xf32, #tpu.memory_space<vmem>>, vector<16xf32>,
        %parallel_loop3A_288 = math.exp %parallel_loop3A_287 : vector<16xf32>
        %parallel_loop3A_289 = arith.constant 4 : i32
        %parallel_loop3A_290 = arith.index_cast %parallel_loop3A_289 : i32 to index
        %parallel_loop3A_291 = arith.index_cast %parallel_loop3A_266 : i32 to index
        %parallel_loop3A_292 = tpu.vector_load %arg9[%parallel_loop3A_290, %parallel_loop3A_291] {strides = array<i32>} : memref<8x256xf32, #tpu.memory_space<vmem>>, vector<16xf32>,
        %parallel_loop3A_293 = math.exp %parallel_loop3A_292 : vector<16xf32>
        %parallel_loop3A_294 = arith.constant 5 : i32
        %parallel_loop3A_295 = arith.index_cast %parallel_loop3A_294 : i32 to index
        %parallel_loop3A_296 = arith.index_cast %parallel_loop3A_266 : i32 to index
        %parallel_loop3A_297 = tpu.vector_load %arg9[%parallel_loop3A_295, %parallel_loop3A_296] {strides = array<i32>} : memref<8x256xf32, #tpu.memory_space<vmem>>, vector<16xf32>,
        %parallel_loop3A_298 = math.exp %parallel_loop3A_297 : vector<16xf32>
        %parallel_loop3A_299 = arith.constant 6 : i32
        %parallel_loop3A_300 = arith.index_cast %parallel_loop3A_299 : i32 to index
        %parallel_loop3A_301 = arith.index_cast %parallel_loop3A_266 : i32 to index
        %parallel_loop3A_302 = tpu.vector_load %arg9[%parallel_loop3A_300, %parallel_loop3A_301] {strides = array<i32>} : memref<8x256xf32, #tpu.memory_space<vmem>>, vector<16xf32>,
        %parallel_loop3A_303 = math.exp %parallel_loop3A_302 : vector<16xf32>
        %parallel_loop3A_304 = arith.constant 7 : i32
        %parallel_loop3A_305 = arith.index_cast %parallel_loop3A_304 : i32 to index
        %parallel_loop3A_306 = arith.index_cast %parallel_loop3A_266 : i32 to index
        %parallel_loop3A_307 = tpu.vector_load %arg9[%parallel_loop3A_305, %parallel_loop3A_306] {strides = array<i32>} : memref<8x256xf32, #tpu.memory_space<vmem>>, vector<16xf32>,
        %parallel_loop3A_308 = math.exp %parallel_loop3A_307 : vector<16xf32>
        %parallel_loop3A_309 = arith.constant 0 : i32
        %parallel_loop3A_310 = arith.index_cast %parallel_loop3A_309 : i32 to index
        %parallel_loop3A_311 = arith.index_cast %parallel_loop3A_266 : i32 to index
        %parallel_loop3A_312 = tpu.vector_load %arg10[%parallel_loop3A_310, %parallel_loop3A_311] {strides = array<i32>} : memref<8x256xf32, #tpu.memory_space<vmem>>, vector<16xf32>,
        %parallel_loop3A_313 = math.exp %parallel_loop3A_312 : vector<16xf32>
        %parallel_loop3A_314 = arith.constant 1 : i32
        %parallel_loop3A_315 = arith.index_cast %parallel_loop3A_314 : i32 to index
        %parallel_loop3A_316 = arith.index_cast %parallel_loop3A_266 : i32 to index
        %parallel_loop3A_317 = tpu.vector_load %arg10[%parallel_loop3A_315, %parallel_loop3A_316] {strides = array<i32>} : memref<8x256xf32, #tpu.memory_space<vmem>>, vector<16xf32>,
        %parallel_loop3A_318 = math.exp %parallel_loop3A_317 : vector<16xf32>
        %parallel_loop3A_319 = arith.constant 2 : i32
        %parallel_loop3A_320 = arith.index_cast %parallel_loop3A_319 : i32 to index
        %parallel_loop3A_321 = arith.index_cast %parallel_loop3A_266 : i32 to index
        %parallel_loop3A_322 = tpu.vector_load %arg10[%parallel_loop3A_320, %parallel_loop3A_321] {strides = array<i32>} : memref<8x256xf32, #tpu.memory_space<vmem>>, vector<16xf32>,
        %parallel_loop3A_323 = math.exp %parallel_loop3A_322 : vector<16xf32>
        %parallel_loop3A_324 = arith.constant 3 : i32
        %parallel_loop3A_325 = arith.index_cast %parallel_loop3A_324 : i32 to index
        %parallel_loop3A_326 = arith.index_cast %parallel_loop3A_266 : i32 to index
        %parallel_loop3A_327 = tpu.vector_load %arg10[%parallel_loop3A_325, %parallel_loop3A_326] {strides = array<i32>} : memref<8x256xf32, #tpu.memory_space<vmem>>, vector<16xf32>,
        %parallel_loop3A_328 = math.exp %parallel_loop3A_327 : vector<16xf32>
        %parallel_loop3A_329 = arith.constant 4 : i32
        %parallel_loop3A_330 = arith.index_cast %parallel_loop3A_329 : i32 to index
        %parallel_loop3A_331 = arith.index_cast %parallel_loop3A_266 : i32 to index
        %parallel_loop3A_332 = tpu.vector_load %arg10[%parallel_loop3A_330, %parallel_loop3A_331] {strides = array<i32>} : memref<8x256xf32, #tpu.memory_space<vmem>>, vector<16xf32>,
        %parallel_loop3A_333 = math.exp %parallel_loop3A_332 : vector<16xf32>
        %parallel_loop3A_334 = arith.constant 5 : i32
        %parallel_loop3A_335 = arith.index_cast %parallel_loop3A_334 : i32 to index
        %parallel_loop3A_336 = arith.index_cast %parallel_loop3A_266 : i32 to index
        %parallel_loop3A_337 = tpu.vector_load %arg10[%parallel_loop3A_335, %parallel_loop3A_336] {strides = array<i32>} : memref<8x256xf32, #tpu.memory_space<vmem>>, vector<16xf32>,
        %parallel_loop3A_338 = math.exp %parallel_loop3A_337 : vector<16xf32>
        %parallel_loop3A_339 = arith.constant 6 : i32
        %parallel_loop3A_340 = arith.index_cast %parallel_loop3A_339 : i32 to index
        %parallel_loop3A_341 = arith.index_cast %parallel_loop3A_266 : i32 to index
        %parallel_loop3A_342 = tpu.vector_load %arg10[%parallel_loop3A_340, %parallel_loop3A_341] {strides = array<i32>} : memref<8x256xf32, #tpu.memory_space<vmem>>, vector<16xf32>,
        %parallel_loop3A_343 = math.exp %parallel_loop3A_342 : vector<16xf32>
        %parallel_loop3A_344 = arith.constant 7 : i32
        %parallel_loop3A_345 = arith.index_cast %parallel_loop3A_344 : i32 to index
        %parallel_loop3A_346 = arith.index_cast %parallel_loop3A_266 : i32 to index
        %parallel_loop3A_347 = tpu.vector_load %arg10[%parallel_loop3A_345, %parallel_loop3A_346] {strides = array<i32>} : memref<8x256xf32, #tpu.memory_space<vmem>>, vector<16xf32>,
        %parallel_loop3A_348 = math.exp %parallel_loop3A_347 : vector<16xf32>
        %parallel_loop3A_349 = arith.constant 0 : i32
        %parallel_loop3A_350 = arith.index_cast %parallel_loop3A_349 : i32 to index
        %parallel_loop3A_351 = arith.index_cast %parallel_loop3A_266 : i32 to index
        %parallel_loop3A_352 = tpu.vector_load %arg11[%parallel_loop3A_350, %parallel_loop3A_351] {strides = array<i32>} : memref<9x256xf32, #tpu.memory_space<vmem>>, vector<16xf32>,
        %parallel_loop3A_353 = arith.constant 1 : i32
        %parallel_loop3A_354 = arith.index_cast %parallel_loop3A_353 : i32 to index
        %parallel_loop3A_355 = arith.index_cast %parallel_loop3A_266 : i32 to index
        %parallel_loop3A_356 = tpu.vector_load %arg11[%parallel_loop3A_354, %parallel_loop3A_355] {strides = array<i32>} : memref<9x256xf32, #tpu.memory_space<vmem>>, vector<16xf32>,
        %parallel_loop3A_357 = arith.constant 2 : i32
        %parallel_loop3A_358 = arith.index_cast %parallel_loop3A_357 : i32 to index
        %parallel_loop3A_359 = arith.index_cast %parallel_loop3A_266 : i32 to index
        %parallel_loop3A_360 = tpu.vector_load %arg11[%parallel_loop3A_358, %parallel_loop3A_359] {strides = array<i32>} : memref<9x256xf32, #tpu.memory_space<vmem>>, vector<16xf32>,
        %parallel_loop3A_361 = arith.constant 3 : i32
        %parallel_loop3A_362 = arith.index_cast %parallel_loop3A_361 : i32 to index
        %parallel_loop3A_363 = arith.index_cast %parallel_loop3A_266 : i32 to index
        %parallel_loop3A_364 = tpu.vector_load %arg11[%parallel_loop3A_362, %parallel_loop3A_363] {strides = array<i32>} : memref<9x256xf32, #tpu.memory_space<vmem>>, vector<16xf32>,
        %parallel_loop3A_365 = arith.constant 4 : i32
        %parallel_loop3A_366 = arith.index_cast %parallel_loop3A_365 : i32 to index
        %parallel_loop3A_367 = arith.index_cast %parallel_loop3A_266 : i32 to index
        %parallel_loop3A_368 = tpu.vector_load %arg11[%parallel_loop3A_366, %parallel_loop3A_367] {strides = array<i32>} : memref<9x256xf32, #tpu.memory_space<vmem>>, vector<16xf32>,
        %parallel_loop3A_369 = arith.constant 5 : i32
        %parallel_loop3A_370 = arith.index_cast %parallel_loop3A_369 : i32 to index
        %parallel_loop3A_371 = arith.index_cast %parallel_loop3A_266 : i32 to index
        %parallel_loop3A_372 = tpu.vector_load %arg11[%parallel_loop3A_370, %parallel_loop3A_371] {strides = array<i32>} : memref<9x256xf32, #tpu.memory_space<vmem>>, vector<16xf32>,
        %parallel_loop3A_373 = arith.constant 6 : i32
        %parallel_loop3A_374 = arith.index_cast %parallel_loop3A_373 : i32 to index
        %parallel_loop3A_375 = arith.index_cast %parallel_loop3A_266 : i32 to index
        %parallel_loop3A_376 = tpu.vector_load %arg11[%parallel_loop3A_374, %parallel_loop3A_375] {strides = array<i32>} : memref<9x256xf32, #tpu.memory_space<vmem>>, vector<16xf32>,
        %parallel_loop3A_377 = arith.constant 7 : i32
        %parallel_loop3A_378 = arith.index_cast %parallel_loop3A_377 : i32 to index
        %parallel_loop3A_379 = arith.index_cast %parallel_loop3A_266 : i32 to index
        %parallel_loop3A_380 = tpu.vector_load %arg11[%parallel_loop3A_378, %parallel_loop3A_379] {strides = array<i32>} : memref<9x256xf32, #tpu.memory_space<vmem>>, vector<16xf32>,
        %parallel_loop3A_381 = arith.constant 8 : i32
        %parallel_loop3A_382 = arith.index_cast %parallel_loop3A_381 : i32 to index
        %parallel_loop3A_383 = arith.index_cast %parallel_loop3A_266 : i32 to index
        %parallel_loop3A_384 = tpu.vector_load %arg11[%parallel_loop3A_382, %parallel_loop3A_383] {strides = array<i32>} : memref<9x256xf32, #tpu.memory_space<vmem>>, vector<16xf32>,
        %parallel_loop3A_385 = arith.addf %parallel_loop3A_273, %parallel_loop3A_278 : vector<16xf32>
        %parallel_loop3A_386 = arith.addf %parallel_loop3A_385, %parallel_loop3A_283 : vector<16xf32>
        %parallel_loop3A_387 = arith.addf %parallel_loop3A_386, %parallel_loop3A_288 : vector<16xf32>
        %parallel_loop3A_388 = arith.addf %parallel_loop3A_387, %parallel_loop3A_293 : vector<16xf32>
        %parallel_loop3A_389 = arith.addf %parallel_loop3A_388, %parallel_loop3A_298 : vector<16xf32>
        %parallel_loop3A_390 = arith.addf %parallel_loop3A_389, %parallel_loop3A_303 : vector<16xf32>
        %parallel_loop3A_391 = arith.addf %parallel_loop3A_390, %parallel_loop3A_308 : vector<16xf32>
        %parallel_loop3A_392 = arith.constant 5.992000e+00 : f32
        %parallel_loop3A_393 = vector.broadcast %parallel_loop3A_392 : f32 to vector<16xf32>
        %parallel_loop3A_394 = arith.divf %parallel_loop3A_393, %parallel_loop3A_391 : vector<16xf32>
        %parallel_loop3A_395 = arith.mulf %parallel_loop3A_273, %parallel_loop3A_394 : vector<16xf32>
        %parallel_loop3A_396 = arith.mulf %parallel_loop3A_278, %parallel_loop3A_394 : vector<16xf32>
        %parallel_loop3A_397 = arith.mulf %parallel_loop3A_283, %parallel_loop3A_394 : vector<16xf32>
        %parallel_loop3A_398 = arith.mulf %parallel_loop3A_288, %parallel_loop3A_394 : vector<16xf32>
        %parallel_loop3A_399 = arith.mulf %parallel_loop3A_293, %parallel_loop3A_394 : vector<16xf32>
        %parallel_loop3A_400 = arith.mulf %parallel_loop3A_298, %parallel_loop3A_394 : vector<16xf32>
        %parallel_loop3A_401 = arith.mulf %parallel_loop3A_303, %parallel_loop3A_394 : vector<16xf32>
        %parallel_loop3A_402 = arith.mulf %parallel_loop3A_308, %parallel_loop3A_394 : vector<16xf32>
        %parallel_loop3A_403 = arith.constant -3.000000e+00 : f32
        %parallel_loop3A_404 = vector.broadcast %parallel_loop3A_403 : f32 to vector<16xf32>
        %parallel_loop3A_405 = arith.constant 1.000000e-03 : f32
        %parallel_loop3A_406 = vector.broadcast %parallel_loop3A_405 : f32 to vector<16xf32>
        %parallel_loop3A_407 = arith.addf %parallel_loop3A_406, %parallel_loop3A_395 : vector<16xf32>
        %parallel_loop3A_408 = arith.addf %parallel_loop3A_404, %parallel_loop3A_407 : vector<16xf32>
        %parallel_loop3A_409 = arith.constant 1.000000e-03 : f32
        %parallel_loop3A_410 = vector.broadcast %parallel_loop3A_409 : f32 to vector<16xf32>
        %parallel_loop3A_411 = arith.addf %parallel_loop3A_410, %parallel_loop3A_396 : vector<16xf32>
        %parallel_loop3A_412 = arith.addf %parallel_loop3A_408, %parallel_loop3A_411 : vector<16xf32>
        %parallel_loop3A_413 = arith.constant 1.000000e-03 : f32
        %parallel_loop3A_414 = vector.broadcast %parallel_loop3A_413 : f32 to vector<16xf32>
        %parallel_loop3A_415 = arith.addf %parallel_loop3A_414, %parallel_loop3A_397 : vector<16xf32>
        %parallel_loop3A_416 = arith.addf %parallel_loop3A_412, %parallel_loop3A_415 : vector<16xf32>
        %parallel_loop3A_417 = arith.constant 1.000000e-03 : f32
        %parallel_loop3A_418 = vector.broadcast %parallel_loop3A_417 : f32 to vector<16xf32>
        %parallel_loop3A_419 = arith.addf %parallel_loop3A_418, %parallel_loop3A_398 : vector<16xf32>
        %parallel_loop3A_420 = arith.addf %parallel_loop3A_416, %parallel_loop3A_419 : vector<16xf32>
        %parallel_loop3A_421 = arith.constant 1.000000e-03 : f32
        %parallel_loop3A_422 = vector.broadcast %parallel_loop3A_421 : f32 to vector<16xf32>
        %parallel_loop3A_423 = arith.addf %parallel_loop3A_422, %parallel_loop3A_399 : vector<16xf32>
        %parallel_loop3A_424 = arith.addf %parallel_loop3A_420, %parallel_loop3A_423 : vector<16xf32>
        %parallel_loop3A_425 = arith.constant 1.000000e-03 : f32
        %parallel_loop3A_426 = vector.broadcast %parallel_loop3A_425 : f32 to vector<16xf32>
        %parallel_loop3A_427 = arith.addf %parallel_loop3A_426, %parallel_loop3A_400 : vector<16xf32>
        %parallel_loop3A_428 = arith.addf %parallel_loop3A_424, %parallel_loop3A_427 : vector<16xf32>
        %parallel_loop3A_429 = arith.constant 1.000000e-03 : f32
        %parallel_loop3A_430 = vector.broadcast %parallel_loop3A_429 : f32 to vector<16xf32>
        %parallel_loop3A_431 = arith.addf %parallel_loop3A_430, %parallel_loop3A_401 : vector<16xf32>
        %parallel_loop3A_432 = arith.addf %parallel_loop3A_428, %parallel_loop3A_431 : vector<16xf32>
        %parallel_loop3A_433 = arith.constant 1.000000e-03 : f32
        %parallel_loop3A_434 = vector.broadcast %parallel_loop3A_433 : f32 to vector<16xf32>
        %parallel_loop3A_435 = arith.addf %parallel_loop3A_434, %parallel_loop3A_402 : vector<16xf32>
        %parallel_loop3A_436 = arith.addf %parallel_loop3A_432, %parallel_loop3A_435 : vector<16xf32>
        %parallel_loop3A_437 = arith.addf %parallel_loop3A_313, %parallel_loop3A_318 : vector<16xf32>
        %parallel_loop3A_438 = arith.addf %parallel_loop3A_437, %parallel_loop3A_323 : vector<16xf32>
        %parallel_loop3A_439 = arith.addf %parallel_loop3A_438, %parallel_loop3A_328 : vector<16xf32>
        %parallel_loop3A_440 = arith.addf %parallel_loop3A_439, %parallel_loop3A_333 : vector<16xf32>
        %parallel_loop3A_441 = arith.addf %parallel_loop3A_440, %parallel_loop3A_338 : vector<16xf32>
        %parallel_loop3A_442 = arith.addf %parallel_loop3A_441, %parallel_loop3A_343 : vector<16xf32>
        %parallel_loop3A_443 = arith.addf %parallel_loop3A_442, %parallel_loop3A_348 : vector<16xf32>
        %parallel_loop3A_444 = arith.constant 5.992000e+00 : f32
        %parallel_loop3A_445 = vector.broadcast %parallel_loop3A_444 : f32 to vector<16xf32>
        %parallel_loop3A_446 = arith.divf %parallel_loop3A_445, %parallel_loop3A_443 : vector<16xf32>
        %parallel_loop3A_447 = arith.mulf %parallel_loop3A_313, %parallel_loop3A_446 : vector<16xf32>
        %parallel_loop3A_448 = arith.mulf %parallel_loop3A_318, %parallel_loop3A_446 : vector<16xf32>
        %parallel_loop3A_449 = arith.mulf %parallel_loop3A_323, %parallel_loop3A_446 : vector<16xf32>
        %parallel_loop3A_450 = arith.mulf %parallel_loop3A_328, %parallel_loop3A_446 : vector<16xf32>
        %parallel_loop3A_451 = arith.mulf %parallel_loop3A_333, %parallel_loop3A_446 : vector<16xf32>
        %parallel_loop3A_452 = arith.mulf %parallel_loop3A_338, %parallel_loop3A_446 : vector<16xf32>
        %parallel_loop3A_453 = arith.mulf %parallel_loop3A_343, %parallel_loop3A_446 : vector<16xf32>
        %parallel_loop3A_454 = arith.mulf %parallel_loop3A_348, %parallel_loop3A_446 : vector<16xf32>
        %parallel_loop3A_455 = arith.constant -3.000000e+00 : f32
        %parallel_loop3A_456 = vector.broadcast %parallel_loop3A_455 : f32 to vector<16xf32>
        %parallel_loop3A_457 = arith.constant 1.000000e-03 : f32
        %parallel_loop3A_458 = vector.broadcast %parallel_loop3A_457 : f32 to vector<16xf32>
        %parallel_loop3A_459 = arith.addf %parallel_loop3A_458, %parallel_loop3A_447 : vector<16xf32>
        %parallel_loop3A_460 = arith.addf %parallel_loop3A_456, %parallel_loop3A_459 : vector<16xf32>
        %parallel_loop3A_461 = arith.constant 1.000000e-03 : f32
        %parallel_loop3A_462 = vector.broadcast %parallel_loop3A_461 : f32 to vector<16xf32>
        %parallel_loop3A_463 = arith.addf %parallel_loop3A_462, %parallel_loop3A_448 : vector<16xf32>
        %parallel_loop3A_464 = arith.addf %parallel_loop3A_460, %parallel_loop3A_463 : vector<16xf32>
        %parallel_loop3A_465 = arith.constant 1.000000e-03 : f32
        %parallel_loop3A_466 = vector.broadcast %parallel_loop3A_465 : f32 to vector<16xf32>
        %parallel_loop3A_467 = arith.addf %parallel_loop3A_466, %parallel_loop3A_449 : vector<16xf32>
        %parallel_loop3A_468 = arith.addf %parallel_loop3A_464, %parallel_loop3A_467 : vector<16xf32>
        %parallel_loop3A_469 = arith.constant 1.000000e-03 : f32
        %parallel_loop3A_470 = vector.broadcast %parallel_loop3A_469 : f32 to vector<16xf32>
        %parallel_loop3A_471 = arith.addf %parallel_loop3A_470, %parallel_loop3A_450 : vector<16xf32>
        %parallel_loop3A_472 = arith.addf %parallel_loop3A_468, %parallel_loop3A_471 : vector<16xf32>
        %parallel_loop3A_473 = arith.constant 1.000000e-03 : f32
        %parallel_loop3A_474 = vector.broadcast %parallel_loop3A_473 : f32 to vector<16xf32>
        %parallel_loop3A_475 = arith.addf %parallel_loop3A_474, %parallel_loop3A_451 : vector<16xf32>
        %parallel_loop3A_476 = arith.addf %parallel_loop3A_472, %parallel_loop3A_475 : vector<16xf32>
        %parallel_loop3A_477 = arith.constant 1.000000e-03 : f32
        %parallel_loop3A_478 = vector.broadcast %parallel_loop3A_477 : f32 to vector<16xf32>
        %parallel_loop3A_479 = arith.addf %parallel_loop3A_478, %parallel_loop3A_452 : vector<16xf32>
        %parallel_loop3A_480 = arith.addf %parallel_loop3A_476, %parallel_loop3A_479 : vector<16xf32>
        %parallel_loop3A_481 = arith.constant 1.000000e-03 : f32
        %parallel_loop3A_482 = vector.broadcast %parallel_loop3A_481 : f32 to vector<16xf32>
        %parallel_loop3A_483 = arith.addf %parallel_loop3A_482, %parallel_loop3A_453 : vector<16xf32>
        %parallel_loop3A_484 = arith.addf %parallel_loop3A_480, %parallel_loop3A_483 : vector<16xf32>
        %parallel_loop3A_485 = arith.constant 1.000000e-03 : f32
        %parallel_loop3A_486 = vector.broadcast %parallel_loop3A_485 : f32 to vector<16xf32>
        %parallel_loop3A_487 = arith.addf %parallel_loop3A_486, %parallel_loop3A_454 : vector<16xf32>
        %parallel_loop3A_488 = arith.addf %parallel_loop3A_484, %parallel_loop3A_487 : vector<16xf32>
        %parallel_loop3A_489 = arith.cmpf ole, %parallel_loop3A_408, %parallel_loop3A_268 : vector<16xf32>
        %parallel_loop3A_490 = arith.cmpf ole, %parallel_loop3A_412, %parallel_loop3A_268 : vector<16xf32>
        %parallel_loop3A_491 = arith.cmpf ole, %parallel_loop3A_416, %parallel_loop3A_268 : vector<16xf32>
        %parallel_loop3A_492 = arith.cmpf ole, %parallel_loop3A_420, %parallel_loop3A_268 : vector<16xf32>
        %parallel_loop3A_493 = arith.cmpf ole, %parallel_loop3A_424, %parallel_loop3A_268 : vector<16xf32>
        %parallel_loop3A_494 = arith.cmpf ole, %parallel_loop3A_428, %parallel_loop3A_268 : vector<16xf32>
        %parallel_loop3A_495 = arith.cmpf ole, %parallel_loop3A_432, %parallel_loop3A_268 : vector<16xf32>
        %parallel_loop3A_496 = arith.select %parallel_loop3A_489, %parallel_loop3A_408, %parallel_loop3A_404 : vector<16xi1>, vector<16xf32>
        %parallel_loop3A_497 = arith.select %parallel_loop3A_490, %parallel_loop3A_412, %parallel_loop3A_496 : vector<16xi1>, vector<16xf32>
        %parallel_loop3A_498 = arith.select %parallel_loop3A_491, %parallel_loop3A_416, %parallel_loop3A_497 : vector<16xi1>, vector<16xf32>
        %parallel_loop3A_499 = arith.select %parallel_loop3A_492, %parallel_loop3A_420, %parallel_loop3A_498 : vector<16xi1>, vector<16xf32>
        %parallel_loop3A_500 = arith.select %parallel_loop3A_493, %parallel_loop3A_424, %parallel_loop3A_499 : vector<16xi1>, vector<16xf32>
        %parallel_loop3A_501 = arith.select %parallel_loop3A_494, %parallel_loop3A_428, %parallel_loop3A_500 : vector<16xi1>, vector<16xf32>
        %parallel_loop3A_502 = arith.select %parallel_loop3A_495, %parallel_loop3A_432, %parallel_loop3A_501 : vector<16xi1>, vector<16xf32>
        %parallel_loop3A_503 = arith.select %parallel_loop3A_489, %parallel_loop3A_460, %parallel_loop3A_456 : vector<16xi1>, vector<16xf32>
        %parallel_loop3A_504 = arith.select %parallel_loop3A_490, %parallel_loop3A_464, %parallel_loop3A_503 : vector<16xi1>, vector<16xf32>
        %parallel_loop3A_505 = arith.select %parallel_loop3A_491, %parallel_loop3A_468, %parallel_loop3A_504 : vector<16xi1>, vector<16xf32>
        %parallel_loop3A_506 = arith.select %parallel_loop3A_492, %parallel_loop3A_472, %parallel_loop3A_505 : vector<16xi1>, vector<16xf32>
        %parallel_loop3A_507 = arith.select %parallel_loop3A_493, %parallel_loop3A_476, %parallel_loop3A_506 : vector<16xi1>, vector<16xf32>
        %parallel_loop3A_508 = arith.select %parallel_loop3A_494, %parallel_loop3A_480, %parallel_loop3A_507 : vector<16xi1>, vector<16xf32>
        %parallel_loop3A_509 = arith.select %parallel_loop3A_495, %parallel_loop3A_484, %parallel_loop3A_508 : vector<16xi1>, vector<16xf32>
        %parallel_loop3A_510 = arith.select %parallel_loop3A_489, %parallel_loop3A_396, %parallel_loop3A_395 : vector<16xi1>, vector<16xf32>
        %parallel_loop3A_511 = arith.select %parallel_loop3A_490, %parallel_loop3A_397, %parallel_loop3A_510 : vector<16xi1>, vector<16xf32>
        %parallel_loop3A_512 = arith.select %parallel_loop3A_491, %parallel_loop3A_398, %parallel_loop3A_511 : vector<16xi1>, vector<16xf32>
        %parallel_loop3A_513 = arith.select %parallel_loop3A_492, %parallel_loop3A_399, %parallel_loop3A_512 : vector<16xi1>, vector<16xf32>
        %parallel_loop3A_514 = arith.select %parallel_loop3A_493, %parallel_loop3A_400, %parallel_loop3A_513 : vector<16xi1>, vector<16xf32>
        %parallel_loop3A_515 = arith.select %parallel_loop3A_494, %parallel_loop3A_401, %parallel_loop3A_514 : vector<16xi1>, vector<16xf32>
        %parallel_loop3A_516 = arith.select %parallel_loop3A_495, %parallel_loop3A_402, %parallel_loop3A_515 : vector<16xi1>, vector<16xf32>
        %parallel_loop3A_517 = arith.constant 1.000000e-03 : f32
        %parallel_loop3A_518 = vector.broadcast %parallel_loop3A_517 : f32 to vector<16xf32>
        %parallel_loop3A_519 = arith.addf %parallel_loop3A_518, %parallel_loop3A_516 : vector<16xf32>
        %parallel_loop3A_520 = arith.select %parallel_loop3A_489, %parallel_loop3A_448, %parallel_loop3A_447 : vector<16xi1>, vector<16xf32>
        %parallel_loop3A_521 = arith.select %parallel_loop3A_490, %parallel_loop3A_449, %parallel_loop3A_520 : vector<16xi1>, vector<16xf32>
        %parallel_loop3A_522 = arith.select %parallel_loop3A_491, %parallel_loop3A_450, %parallel_loop3A_521 : vector<16xi1>, vector<16xf32>
        %parallel_loop3A_523 = arith.select %parallel_loop3A_492, %parallel_loop3A_451, %parallel_loop3A_522 : vector<16xi1>, vector<16xf32>
        %parallel_loop3A_524 = arith.select %parallel_loop3A_493, %parallel_loop3A_452, %parallel_loop3A_523 : vector<16xi1>, vector<16xf32>
        %parallel_loop3A_525 = arith.select %parallel_loop3A_494, %parallel_loop3A_453, %parallel_loop3A_524 : vector<16xi1>, vector<16xf32>
        %parallel_loop3A_526 = arith.select %parallel_loop3A_495, %parallel_loop3A_454, %parallel_loop3A_525 : vector<16xi1>, vector<16xf32>
        %parallel_loop3A_527 = arith.constant 1.000000e-03 : f32
        %parallel_loop3A_528 = vector.broadcast %parallel_loop3A_527 : f32 to vector<16xf32>
        %parallel_loop3A_529 = arith.addf %parallel_loop3A_528, %parallel_loop3A_526 : vector<16xf32>
        %parallel_loop3A_530 = arith.select %parallel_loop3A_489, %parallel_loop3A_356, %parallel_loop3A_352 : vector<16xi1>, vector<16xf32>
        %parallel_loop3A_531 = arith.select %parallel_loop3A_490, %parallel_loop3A_360, %parallel_loop3A_530 : vector<16xi1>, vector<16xf32>
        %parallel_loop3A_532 = arith.select %parallel_loop3A_491, %parallel_loop3A_364, %parallel_loop3A_531 : vector<16xi1>, vector<16xf32>
        %parallel_loop3A_533 = arith.select %parallel_loop3A_492, %parallel_loop3A_368, %parallel_loop3A_532 : vector<16xi1>, vector<16xf32>
        %parallel_loop3A_534 = arith.select %parallel_loop3A_493, %parallel_loop3A_372, %parallel_loop3A_533 : vector<16xi1>, vector<16xf32>
        %parallel_loop3A_535 = arith.select %parallel_loop3A_494, %parallel_loop3A_376, %parallel_loop3A_534 : vector<16xi1>, vector<16xf32>
        %parallel_loop3A_536 = arith.select %parallel_loop3A_495, %parallel_loop3A_380, %parallel_loop3A_535 : vector<16xi1>, vector<16xf32>
        %parallel_loop3A_537 = math.absf %parallel_loop3A_536 : vector<16xf32>
        %parallel_loop3A_538 = arith.constant 0.000000e+00 : f32
        %parallel_loop3A_539 = vector.broadcast %parallel_loop3A_538 : f32 to vector<16xf32>
        %parallel_loop3A_540 = arith.subf %parallel_loop3A_539, %parallel_loop3A_537 : vector<16xf32>
        %parallel_loop3A_541 = math.exp %parallel_loop3A_540 : vector<16xf32>
        %parallel_loop3A_542 = arith.constant 0.0102438284 : f32
        %parallel_loop3A_543 = vector.broadcast %parallel_loop3A_542 : f32 to vector<16xf32>
        %parallel_loop3A_544 = arith.mulf %parallel_loop3A_543, %parallel_loop3A_541 : vector<16xf32>
        %parallel_loop3A_545 = arith.constant -0.0532674789 : f32
        %parallel_loop3A_546 = vector.broadcast %parallel_loop3A_545 : f32 to vector<16xf32>
        %parallel_loop3A_547 = arith.addf %parallel_loop3A_544, %parallel_loop3A_546 : vector<16xf32>
        %parallel_loop3A_548 = arith.mulf %parallel_loop3A_547, %parallel_loop3A_541 : vector<16xf32>
        %parallel_loop3A_549 = arith.constant 0.131989658 : f32
        %parallel_loop3A_550 = vector.broadcast %parallel_loop3A_549 : f32 to vector<16xf32>
        %parallel_loop3A_551 = arith.addf %parallel_loop3A_548, %parallel_loop3A_550 : vector<16xf32>
        %parallel_loop3A_552 = arith.mulf %parallel_loop3A_551, %parallel_loop3A_541 : vector<16xf32>
        %parallel_loop3A_553 = arith.constant -0.223966897 : f32
        %parallel_loop3A_554 = vector.broadcast %parallel_loop3A_553 : f32 to vector<16xf32>
        %parallel_loop3A_555 = arith.addf %parallel_loop3A_552, %parallel_loop3A_554 : vector<16xf32>
        %parallel_loop3A_556 = arith.mulf %parallel_loop3A_555, %parallel_loop3A_541 : vector<16xf32>
        %parallel_loop3A_557 = arith.constant 0.327511728 : f32
        %parallel_loop3A_558 = vector.broadcast %parallel_loop3A_557 : f32 to vector<16xf32>
        %parallel_loop3A_559 = arith.addf %parallel_loop3A_556, %parallel_loop3A_558 : vector<16xf32>
        %parallel_loop3A_560 = arith.mulf %parallel_loop3A_559, %parallel_loop3A_541 : vector<16xf32>
        %parallel_loop3A_561 = arith.constant -0.499333948 : f32
        %parallel_loop3A_562 = vector.broadcast %parallel_loop3A_561 : f32 to vector<16xf32>
        %parallel_loop3A_563 = arith.addf %parallel_loop3A_560, %parallel_loop3A_562 : vector<16xf32>
        %parallel_loop3A_564 = arith.mulf %parallel_loop3A_563, %parallel_loop3A_541 : vector<16xf32>
        %parallel_loop3A_565 = arith.constant 0.999970257 : f32
        %parallel_loop3A_566 = vector.broadcast %parallel_loop3A_565 : f32 to vector<16xf32>
        %parallel_loop3A_567 = arith.addf %parallel_loop3A_564, %parallel_loop3A_566 : vector<16xf32>
        %parallel_loop3A_568 = arith.mulf %parallel_loop3A_567, %parallel_loop3A_541 : vector<16xf32>
        %parallel_loop3A_569 = arith.constant 2.21597645E-7 : f32
        %parallel_loop3A_570 = vector.broadcast %parallel_loop3A_569 : f32 to vector<16xf32>
        %parallel_loop3A_571 = arith.addf %parallel_loop3A_568, %parallel_loop3A_570 : vector<16xf32>
        %parallel_loop3A_572 = arith.constant 0.000000e+00 : f32
        %parallel_loop3A_573 = vector.broadcast %parallel_loop3A_572 : f32 to vector<16xf32>
        %parallel_loop3A_574 = arith.maximumf %parallel_loop3A_536, %parallel_loop3A_573 : vector<16xf32>
        %parallel_loop3A_575 = arith.addf %parallel_loop3A_574, %parallel_loop3A_571 : vector<16xf32>
        %parallel_loop3A_576 = arith.constant 1.000000e-03 : f32
        %parallel_loop3A_577 = vector.broadcast %parallel_loop3A_576 : f32 to vector<16xf32>
        %parallel_loop3A_578 = arith.addf %parallel_loop3A_577, %parallel_loop3A_575 : vector<16xf32>
        %parallel_loop3A_579 = arith.select %parallel_loop3A_489, %parallel_loop3A_360, %parallel_loop3A_356 : vector<16xi1>, vector<16xf32>
        %parallel_loop3A_580 = arith.select %parallel_loop3A_490, %parallel_loop3A_364, %parallel_loop3A_579 : vector<16xi1>, vector<16xf32>
        %parallel_loop3A_581 = arith.select %parallel_loop3A_491, %parallel_loop3A_368, %parallel_loop3A_580 : vector<16xi1>, vector<16xf32>
        %parallel_loop3A_582 = arith.select %parallel_loop3A_492, %parallel_loop3A_372, %parallel_loop3A_581 : vector<16xi1>, vector<16xf32>
        %parallel_loop3A_583 = arith.select %parallel_loop3A_493, %parallel_loop3A_376, %parallel_loop3A_582 : vector<16xi1>, vector<16xf32>
        %parallel_loop3A_584 = arith.select %parallel_loop3A_494, %parallel_loop3A_380, %parallel_loop3A_583 : vector<16xi1>, vector<16xf32>
        %parallel_loop3A_585 = arith.select %parallel_loop3A_495, %parallel_loop3A_384, %parallel_loop3A_584 : vector<16xi1>, vector<16xf32>
        %parallel_loop3A_586 = math.absf %parallel_loop3A_585 : vector<16xf32>
        %parallel_loop3A_587 = arith.constant 0.000000e+00 : f32
        %parallel_loop3A_588 = vector.broadcast %parallel_loop3A_587 : f32 to vector<16xf32>
        %parallel_loop3A_589 = arith.subf %parallel_loop3A_588, %parallel_loop3A_586 : vector<16xf32>
        %parallel_loop3A_590 = math.exp %parallel_loop3A_589 : vector<16xf32>
        %parallel_loop3A_591 = arith.constant 0.0102438284 : f32
        %parallel_loop3A_592 = vector.broadcast %parallel_loop3A_591 : f32 to vector<16xf32>
        %parallel_loop3A_593 = arith.mulf %parallel_loop3A_592, %parallel_loop3A_590 : vector<16xf32>
        %parallel_loop3A_594 = arith.constant -0.0532674789 : f32
        %parallel_loop3A_595 = vector.broadcast %parallel_loop3A_594 : f32 to vector<16xf32>
        %parallel_loop3A_596 = arith.addf %parallel_loop3A_593, %parallel_loop3A_595 : vector<16xf32>
        %parallel_loop3A_597 = arith.mulf %parallel_loop3A_596, %parallel_loop3A_590 : vector<16xf32>
        %parallel_loop3A_598 = arith.constant 0.131989658 : f32
        %parallel_loop3A_599 = vector.broadcast %parallel_loop3A_598 : f32 to vector<16xf32>
        %parallel_loop3A_600 = arith.addf %parallel_loop3A_597, %parallel_loop3A_599 : vector<16xf32>
        %parallel_loop3A_601 = arith.mulf %parallel_loop3A_600, %parallel_loop3A_590 : vector<16xf32>
        %parallel_loop3A_602 = arith.constant -0.223966897 : f32
        %parallel_loop3A_603 = vector.broadcast %parallel_loop3A_602 : f32 to vector<16xf32>
        %parallel_loop3A_604 = arith.addf %parallel_loop3A_601, %parallel_loop3A_603 : vector<16xf32>
        %parallel_loop3A_605 = arith.mulf %parallel_loop3A_604, %parallel_loop3A_590 : vector<16xf32>
        %parallel_loop3A_606 = arith.constant 0.327511728 : f32
        %parallel_loop3A_607 = vector.broadcast %parallel_loop3A_606 : f32 to vector<16xf32>
        %parallel_loop3A_608 = arith.addf %parallel_loop3A_605, %parallel_loop3A_607 : vector<16xf32>
        %parallel_loop3A_609 = arith.mulf %parallel_loop3A_608, %parallel_loop3A_590 : vector<16xf32>
        %parallel_loop3A_610 = arith.constant -0.499333948 : f32
        %parallel_loop3A_611 = vector.broadcast %parallel_loop3A_610 : f32 to vector<16xf32>
        %parallel_loop3A_612 = arith.addf %parallel_loop3A_609, %parallel_loop3A_611 : vector<16xf32>
        %parallel_loop3A_613 = arith.mulf %parallel_loop3A_612, %parallel_loop3A_590 : vector<16xf32>
        %parallel_loop3A_614 = arith.constant 0.999970257 : f32
        %parallel_loop3A_615 = vector.broadcast %parallel_loop3A_614 : f32 to vector<16xf32>
        %parallel_loop3A_616 = arith.addf %parallel_loop3A_613, %parallel_loop3A_615 : vector<16xf32>
        %parallel_loop3A_617 = arith.mulf %parallel_loop3A_616, %parallel_loop3A_590 : vector<16xf32>
        %parallel_loop3A_618 = arith.constant 2.21597645E-7 : f32
        %parallel_loop3A_619 = vector.broadcast %parallel_loop3A_618 : f32 to vector<16xf32>
        %parallel_loop3A_620 = arith.addf %parallel_loop3A_617, %parallel_loop3A_619 : vector<16xf32>
        %parallel_loop3A_621 = arith.constant 0.000000e+00 : f32
        %parallel_loop3A_622 = vector.broadcast %parallel_loop3A_621 : f32 to vector<16xf32>
        %parallel_loop3A_623 = arith.maximumf %parallel_loop3A_585, %parallel_loop3A_622 : vector<16xf32>
        %parallel_loop3A_624 = arith.addf %parallel_loop3A_623, %parallel_loop3A_620 : vector<16xf32>
        %parallel_loop3A_625 = arith.constant 1.000000e-03 : f32
        %parallel_loop3A_626 = vector.broadcast %parallel_loop3A_625 : f32 to vector<16xf32>
        %parallel_loop3A_627 = arith.addf %parallel_loop3A_626, %parallel_loop3A_624 : vector<16xf32>
        %parallel_loop3A_628 = arith.constant 1.000000e+00 : f32
        %parallel_loop3A_629 = vector.broadcast %parallel_loop3A_628 : f32 to vector<16xf32>
        %parallel_loop3A_630 = arith.divf %parallel_loop3A_629, %parallel_loop3A_519 : vector<16xf32>
        %parallel_loop3A_631 = arith.subf %parallel_loop3A_268, %parallel_loop3A_502 : vector<16xf32>
        %parallel_loop3A_632 = arith.mulf %parallel_loop3A_631, %parallel_loop3A_630 : vector<16xf32>
        %parallel_loop3A_633 = arith.mulf %parallel_loop3A_529, %parallel_loop3A_630 : vector<16xf32>
        %parallel_loop3A_634 = arith.constant 1.000000e+00 : f32
        %parallel_loop3A_635 = vector.broadcast %parallel_loop3A_634 : f32 to vector<16xf32>
        %parallel_loop3A_636 = arith.subf %parallel_loop3A_635, %parallel_loop3A_632 : vector<16xf32>
        %parallel_loop3A_637 = arith.mulf %parallel_loop3A_632, %parallel_loop3A_636 : vector<16xf32>
        %parallel_loop3A_638 = arith.mulf %parallel_loop3A_632, %parallel_loop3A_632 : vector<16xf32>
        %parallel_loop3A_639 = arith.mulf %parallel_loop3A_633, %parallel_loop3A_638 : vector<16xf32>
        %parallel_loop3A_640 = arith.mulf %parallel_loop3A_578, %parallel_loop3A_637 : vector<16xf32>
        %parallel_loop3A_641 = arith.addf %parallel_loop3A_639, %parallel_loop3A_640 : vector<16xf32>
        %parallel_loop3A_642 = arith.mulf %parallel_loop3A_529, %parallel_loop3A_641 : vector<16xf32>
        %parallel_loop3A_643 = arith.subf %parallel_loop3A_627, %parallel_loop3A_633 : vector<16xf32>
        %parallel_loop3A_644 = arith.addf %parallel_loop3A_643, %parallel_loop3A_578 : vector<16xf32>
        %parallel_loop3A_645 = arith.subf %parallel_loop3A_644, %parallel_loop3A_633 : vector<16xf32>
        %parallel_loop3A_646 = arith.mulf %parallel_loop3A_645, %parallel_loop3A_637 : vector<16xf32>
        %parallel_loop3A_647 = arith.addf %parallel_loop3A_633, %parallel_loop3A_646 : vector<16xf32>
        %parallel_loop3A_648 = arith.constant 1.000000e+00 : f32
        %parallel_loop3A_649 = vector.broadcast %parallel_loop3A_648 : f32 to vector<16xf32>
        %parallel_loop3A_650 = arith.divf %parallel_loop3A_649, %parallel_loop3A_647 : vector<16xf32>
        %parallel_loop3A_651 = arith.mulf %parallel_loop3A_642, %parallel_loop3A_650 : vector<16xf32>
        %parallel_loop3A_652 = arith.addf %parallel_loop3A_509, %parallel_loop3A_651 : vector<16xf32>
        %parallel_loop3A_653 = arith.mulf %parallel_loop3A_633, %parallel_loop3A_633 : vector<16xf32>
        %parallel_loop3A_654 = arith.mulf %parallel_loop3A_627, %parallel_loop3A_638 : vector<16xf32>
        %parallel_loop3A_655 = arith.addf %parallel_loop3A_633, %parallel_loop3A_633 : vector<16xf32>
        %parallel_loop3A_656 = arith.mulf %parallel_loop3A_655, %parallel_loop3A_637 : vector<16xf32>
        %parallel_loop3A_657 = arith.addf %parallel_loop3A_654, %parallel_loop3A_656 : vector<16xf32>
        %parallel_loop3A_658 = arith.mulf %parallel_loop3A_578, %parallel_loop3A_636 : vector<16xf32>
        %parallel_loop3A_659 = arith.mulf %parallel_loop3A_658, %parallel_loop3A_636 : vector<16xf32>
        %parallel_loop3A_660 = arith.addf %parallel_loop3A_657, %parallel_loop3A_659 : vector<16xf32>
        %parallel_loop3A_661 = arith.mulf %parallel_loop3A_653, %parallel_loop3A_660 : vector<16xf32>
        %parallel_loop3A_662 = arith.mulf %parallel_loop3A_661, %parallel_loop3A_650 : vector<16xf32>
        %parallel_loop3A_663 = arith.mulf %parallel_loop3A_662, %parallel_loop3A_650 : vector<16xf32>
        %parallel_loop3A_664 = arith.mulf %parallel_loop3A_663, %parallel_loop3A_630 : vector<16xf32>
        %parallel_loop3A_665 = math.absf %parallel_loop3A_664 : vector<16xf32>
        %parallel_loop3A_666 = vector.bitcast %parallel_loop3A_665 : vector<16xf32> to vector<16xi32>
        %parallel_loop3A_667 = arith.constant 23 : i32
        %parallel_loop3A_668 = vector.broadcast %parallel_loop3A_667 : i32 to vector<16xi32>
        %parallel_loop3A_669 = arith.shrui %parallel_loop3A_666, %parallel_loop3A_668 : vector<16xi32>
        %parallel_loop3A_670 = arith.constant 127 : i32
        %parallel_loop3A_671 = vector.broadcast %parallel_loop3A_670 : i32 to vector<16xi32>
        %parallel_loop3A_672 = arith.subi %parallel_loop3A_669, %parallel_loop3A_671 : vector<16xi32>
        %parallel_loop3A_673 = arith.constant 8388607 : i32
        %parallel_loop3A_674 = vector.broadcast %parallel_loop3A_673 : i32 to vector<16xi32>
        %parallel_loop3A_675 = arith.andi %parallel_loop3A_666, %parallel_loop3A_674 : vector<16xi32>
        %parallel_loop3A_676 = arith.constant 1065353216 : i32
        %parallel_loop3A_677 = vector.broadcast %parallel_loop3A_676 : i32 to vector<16xi32>
        %parallel_loop3A_678 = arith.ori %parallel_loop3A_675, %parallel_loop3A_677 : vector<16xi32>
        %parallel_loop3A_679 = vector.bitcast %parallel_loop3A_678 : vector<16xi32> to vector<16xf32>
        %parallel_loop3A_680 = arith.constant 1.41421354 : f32
        %parallel_loop3A_681 = vector.broadcast %parallel_loop3A_680 : f32 to vector<16xf32>
        %parallel_loop3A_682 = arith.cmpf ogt, %parallel_loop3A_679, %parallel_loop3A_681 : vector<16xf32>
        %parallel_loop3A_683 = arith.constant 5.000000e-01 : f32
        %parallel_loop3A_684 = vector.broadcast %parallel_loop3A_683 : f32 to vector<16xf32>
        %parallel_loop3A_685 = arith.mulf %parallel_loop3A_679, %parallel_loop3A_684 : vector<16xf32>
        %parallel_loop3A_686 = arith.select %parallel_loop3A_682, %parallel_loop3A_685, %parallel_loop3A_679 : vector<16xi1>, vector<16xf32>
        %parallel_loop3A_687 = arith.constant 1 : i32
        %parallel_loop3A_688 = arith.constant 0 : i32
        %parallel_loop3A_689 = vector.broadcast %parallel_loop3A_687 : i32 to vector<16xi32>
        %parallel_loop3A_690 = vector.broadcast %parallel_loop3A_688 : i32 to vector<16xi32>
        %parallel_loop3A_691 = arith.select %parallel_loop3A_682, %parallel_loop3A_689, %parallel_loop3A_690 : vector<16xi1>, vector<16xi32>
        %parallel_loop3A_692 = arith.addi %parallel_loop3A_672, %parallel_loop3A_691 : vector<16xi32>
        %parallel_loop3A_693 = arith.constant 1.000000e+00 : f32
        %parallel_loop3A_694 = vector.broadcast %parallel_loop3A_693 : f32 to vector<16xf32>
        %parallel_loop3A_695 = arith.subf %parallel_loop3A_686, %parallel_loop3A_694 : vector<16xf32>
        %parallel_loop3A_696 = arith.mulf %parallel_loop3A_695, %parallel_loop3A_695 : vector<16xf32>
        %parallel_loop3A_697 = arith.constant 0.0703768358 : f32
        %parallel_loop3A_698 = vector.broadcast %parallel_loop3A_697 : f32 to vector<16xf32>
        %parallel_loop3A_699 = arith.mulf %parallel_loop3A_698, %parallel_loop3A_695 : vector<16xf32>
        %parallel_loop3A_700 = arith.constant -0.115146101 : f32
        %parallel_loop3A_701 = vector.broadcast %parallel_loop3A_700 : f32 to vector<16xf32>
        %parallel_loop3A_702 = arith.addf %parallel_loop3A_699, %parallel_loop3A_701 : vector<16xf32>
        %parallel_loop3A_703 = arith.mulf %parallel_loop3A_702, %parallel_loop3A_695 : vector<16xf32>
        %parallel_loop3A_704 = arith.constant 0.116769984 : f32
        %parallel_loop3A_705 = vector.broadcast %parallel_loop3A_704 : f32 to vector<16xf32>
        %parallel_loop3A_706 = arith.addf %parallel_loop3A_703, %parallel_loop3A_705 : vector<16xf32>
        %parallel_loop3A_707 = arith.mulf %parallel_loop3A_706, %parallel_loop3A_695 : vector<16xf32>
        %parallel_loop3A_708 = arith.constant -0.12420141 : f32
        %parallel_loop3A_709 = vector.broadcast %parallel_loop3A_708 : f32 to vector<16xf32>
        %parallel_loop3A_710 = arith.addf %parallel_loop3A_707, %parallel_loop3A_709 : vector<16xf32>
        %parallel_loop3A_711 = arith.mulf %parallel_loop3A_710, %parallel_loop3A_695 : vector<16xf32>
        %parallel_loop3A_712 = arith.constant 0.142493233 : f32
        %parallel_loop3A_713 = vector.broadcast %parallel_loop3A_712 : f32 to vector<16xf32>
        %parallel_loop3A_714 = arith.addf %parallel_loop3A_711, %parallel_loop3A_713 : vector<16xf32>
        %parallel_loop3A_715 = arith.mulf %parallel_loop3A_714, %parallel_loop3A_695 : vector<16xf32>
        %parallel_loop3A_716 = arith.constant -0.166680574 : f32
        %parallel_loop3A_717 = vector.broadcast %parallel_loop3A_716 : f32 to vector<16xf32>
        %parallel_loop3A_718 = arith.addf %parallel_loop3A_715, %parallel_loop3A_717 : vector<16xf32>
        %parallel_loop3A_719 = arith.mulf %parallel_loop3A_718, %parallel_loop3A_695 : vector<16xf32>
        %parallel_loop3A_720 = arith.constant 0.200007141 : f32
        %parallel_loop3A_721 = vector.broadcast %parallel_loop3A_720 : f32 to vector<16xf32>
        %parallel_loop3A_722 = arith.addf %parallel_loop3A_719, %parallel_loop3A_721 : vector<16xf32>
        %parallel_loop3A_723 = arith.mulf %parallel_loop3A_722, %parallel_loop3A_695 : vector<16xf32>
        %parallel_loop3A_724 = arith.constant -0.24999994 : f32
        %parallel_loop3A_725 = vector.broadcast %parallel_loop3A_724 : f32 to vector<16xf32>
        %parallel_loop3A_726 = arith.addf %parallel_loop3A_723, %parallel_loop3A_725 : vector<16xf32>
        %parallel_loop3A_727 = arith.mulf %parallel_loop3A_726, %parallel_loop3A_695 : vector<16xf32>
        %parallel_loop3A_728 = arith.constant 0.333333313 : f32
        %parallel_loop3A_729 = vector.broadcast %parallel_loop3A_728 : f32 to vector<16xf32>
        %parallel_loop3A_730 = arith.addf %parallel_loop3A_727, %parallel_loop3A_729 : vector<16xf32>
        %parallel_loop3A_731 = arith.mulf %parallel_loop3A_695, %parallel_loop3A_696 : vector<16xf32>
        %parallel_loop3A_732 = arith.mulf %parallel_loop3A_731, %parallel_loop3A_730 : vector<16xf32>
        %parallel_loop3A_733 = arith.constant 5.000000e-01 : f32
        %parallel_loop3A_734 = vector.broadcast %parallel_loop3A_733 : f32 to vector<16xf32>
        %parallel_loop3A_735 = arith.mulf %parallel_loop3A_734, %parallel_loop3A_696 : vector<16xf32>
        %parallel_loop3A_736 = arith.subf %parallel_loop3A_732, %parallel_loop3A_735 : vector<16xf32>
        %parallel_loop3A_737 = arith.addf %parallel_loop3A_695, %parallel_loop3A_736 : vector<16xf32>
        %parallel_loop3A_738 = arith.sitofp %parallel_loop3A_692 : vector<16xi32> to vector<16xf32>
        %parallel_loop3A_739 = arith.constant 0.693147182 : f32
        %parallel_loop3A_740 = vector.broadcast %parallel_loop3A_739 : f32 to vector<16xf32>
        %parallel_loop3A_741 = arith.mulf %parallel_loop3A_738, %parallel_loop3A_740 : vector<16xf32>
        %parallel_loop3A_742 = arith.addf %parallel_loop3A_737, %parallel_loop3A_741 : vector<16xf32>
        %parallel_loop3A_743 = arith.constant -3.000000e+00 : f32
        %parallel_loop3A_744 = vector.broadcast %parallel_loop3A_743 : f32 to vector<16xf32>
        %parallel_loop3A_745 = arith.cmpf ole, %parallel_loop3A_268, %parallel_loop3A_744 : vector<16xf32>
        %parallel_loop3A_746 = arith.constant 3.000000e+00 : f32
        %parallel_loop3A_747 = vector.broadcast %parallel_loop3A_746 : f32 to vector<16xf32>
        %parallel_loop3A_748 = arith.cmpf oge, %parallel_loop3A_268, %parallel_loop3A_747 : vector<16xf32>
        %parallel_loop3A_749 = arith.ori %parallel_loop3A_745, %parallel_loop3A_748 : vector<16xi1>
        %parallel_loop3A_750 = arith.select %parallel_loop3A_749, %parallel_loop3A_268, %parallel_loop3A_652 : vector<16xi1>, vector<16xf32>
        %parallel_loop3A_751 = arith.index_cast %parallel_loop3A_266 : i32 to index
        %parallel_loop3A_752 = tpu.vector_load %arg12[%parallel_loop3A_751] {strides = array<i32>} : memref<256xf32, #tpu.memory_space<vmem>>, vector<16xf32>,
        tpu.vector_store %arg12[%parallel_loop3A_751], %parallel_loop3A_750 {strides = array<i32>} : memref<256xf32, #tpu.memory_space<vmem>>, vector<16xf32>,
        %parallel_loop3A_753 = arith.index_cast %parallel_loop3A_264 : i32 to index
        %parallel_loop3A_754 = tpu.vector_load %arg13[%parallel_loop3A_753] {strides = array<i32>} : memref<128xf32, #tpu.memory_space<vmem>>, vector<16xf32>,
        %parallel_loop3A_755 = arith.constant 0.000000e+00 : f32
        %parallel_loop3A_756 = vector.broadcast %parallel_loop3A_755 : f32 to vector<16xf32>
        %parallel_loop3A_757 = arith.select %parallel_loop3A_749, %parallel_loop3A_756, %parallel_loop3A_742 : vector<16xi1>, vector<16xf32>
        %parallel_loop3A_758 = arith.addf %parallel_loop3A_754, %parallel_loop3A_757 : vector<16xf32>
        %parallel_loop3A_759 = arith.index_cast %parallel_loop3A_264 : i32 to index
        %parallel_loop3A_760 = tpu.vector_load %arg13[%parallel_loop3A_759] {strides = array<i32>} : memref<128xf32, #tpu.memory_space<vmem>>, vector<16xf32>,
        tpu.vector_store %arg13[%parallel_loop3A_759], %parallel_loop3A_758 {strides = array<i32>} : memref<128xf32, #tpu.memory_space<vmem>>, vector<16xf32>,
      } {sc.loop_unroll_factor = 1 : i64, sc.parallel_access}
      %dma_start3A_176 = arith.constant 0 : i32
      %dma_start3A_177 = tpu.memref_slice %arg12[%dma_start3A_176] : memref<256xf32, #tpu.memory_space<vmem>> -> memref<128xf32, #tpu.memory_space<vmem>>
      %dma_start3A_178 = tpu.memref_slice %arg6[%mul3A_126, %multiple_of3A] : memref<64x4096xf32, #tpu.memory_space<hbm>> -> memref<1x128xf32, #tpu.memory_space<hbm>>
      %dma_start3A_179 = tpu.memref_squeeze %dma_start3A_178 : memref<1x128xf32, #tpu.memory_space<hbm>> -> memref<128xf32, #tpu.memory_space<hbm>>
      %dma_start3A_180 = tpu.memref_slice %arg6[%mul3A_126, %multiple_of3A] : memref<64x4096xf32, #tpu.memory_space<hbm>> -> memref<1x128xf32, #tpu.memory_space<hbm>>
      %dma_start3A_181 = tpu.memref_squeeze %dma_start3A_180 : memref<1x128xf32, #tpu.memory_space<hbm>> -> memref<128xf32, #tpu.memory_space<hbm>>
      %dma_start3A_182 = arith.constant 0 : i32
      %dma_start3A_183 = tpu.memref_slice %arg12[%dma_start3A_182] : memref<256xf32, #tpu.memory_space<vmem>> -> memref<128xf32, #tpu.memory_space<vmem>>
      tpu.enqueue_dma source(%dma_start3A_183 : memref<128xf32, #tpu.memory_space<vmem>>) target(%dma_start3A_181 : memref<128xf32, #tpu.memory_space<hbm>>) target_semaphore(%arg16 : memref<!tpu.dma_semaphore, #tpu.memory_space<semaphore_mem>>)
      %add3A_184 = arith.constant 2 : i32
      %add3A_185 = arith.addi %mul3A_126, %add3A_184 : i32
      %lt3A = arith.constant 64 : i32
      %lt3A_186 = arith.cmpi slt, %add3A_185, %lt3A : i32
      %convert_element_type3A_187 = arith.extui %lt3A_186 : i1 to i32
      %cond3A_188 = arith.constant 0 : i32
      %cond3A_189 = arith.cmpi ne, %convert_element_type3A_187, %cond3A_188 : i32
      scf.if %cond3A_189 {
        %add3A_262 = arith.constant 2 : i32
        %add3A_263 = arith.addi %mul3A_126, %add3A_262 : i32
        %dma_start3A_264 = arith.constant 0 : i32
        %dma_start3A_265 = tpu.memref_slice %arg8[%dma_start3A_264] : memref<256xf32, #tpu.memory_space<vmem>> -> memref<128xf32, #tpu.memory_space<vmem>>
        %dma_start3A_266 = tpu.memref_slice %arg2[%add3A_263, %multiple_of3A] : memref<64x16384xf32, #tpu.memory_space<hbm>> -> memref<1x128xf32, #tpu.memory_space<hbm>>
        %dma_start3A_267 = tpu.memref_squeeze %dma_start3A_266 : memref<1x128xf32, #tpu.memory_space<hbm>> -> memref<128xf32, #tpu.memory_space<hbm>>
        %dma_start3A_268 = arith.constant 0 : i32
        %dma_start3A_269 = tpu.memref_slice %arg8[%dma_start3A_268] : memref<256xf32, #tpu.memory_space<vmem>> -> memref<128xf32, #tpu.memory_space<vmem>>
        %dma_start3A_270 = tpu.memref_slice %arg2[%add3A_263, %multiple_of3A] : memref<64x16384xf32, #tpu.memory_space<hbm>> -> memref<1x128xf32, #tpu.memory_space<hbm>>
        %dma_start3A_271 = tpu.memref_squeeze %dma_start3A_270 : memref<1x128xf32, #tpu.memory_space<hbm>> -> memref<128xf32, #tpu.memory_space<hbm>>
        tpu.enqueue_dma source(%dma_start3A_271 : memref<128xf32, #tpu.memory_space<hbm>>) target(%dma_start3A_269 : memref<128xf32, #tpu.memory_space<vmem>>) target_semaphore(%arg14 : memref<!tpu.dma_semaphore, #tpu.memory_space<semaphore_mem>>)
        %dma_start3A_272 = arith.constant 0 : i32
        %dma_start3A_273 = arith.constant 0 : i32
        %dma_start3A_274 = tpu.memref_slice %arg9[%dma_start3A_272, %dma_start3A_273] : memref<8x256xf32, #tpu.memory_space<vmem>> -> memref<8x128xf32, #tpu.memory_space<vmem>>
        %dma_start3A_275 = arith.constant 0 : i32
        %dma_start3A_276 = tpu.memref_slice %arg3[%add3A_263, %dma_start3A_275, %multiple_of3A] : memref<64x8x16384xf32, #tpu.memory_space<hbm>> -> memref<1x8x128xf32, #tpu.memory_space<hbm>>
        %dma_start3A_277 = tpu.memref_squeeze %dma_start3A_276 : memref<1x8x128xf32, #tpu.memory_space<hbm>> -> memref<8x128xf32, #tpu.memory_space<hbm>>
        %dma_start3A_278 = arith.constant 0 : i32
        %dma_start3A_279 = arith.constant 0 : i32
        %dma_start3A_280 = tpu.memref_slice %arg9[%dma_start3A_278, %dma_start3A_279] : memref<8x256xf32, #tpu.memory_space<vmem>> -> memref<8x128xf32, #tpu.memory_space<vmem>>
        %dma_start3A_281 = arith.constant 0 : i32
        %dma_start3A_282 = tpu.memref_slice %arg3[%add3A_263, %dma_start3A_281, %multiple_of3A] : memref<64x8x16384xf32, #tpu.memory_space<hbm>> -> memref<1x8x128xf32, #tpu.memory_space<hbm>>
        %dma_start3A_283 = tpu.memref_squeeze %dma_start3A_282 : memref<1x8x128xf32, #tpu.memory_space<hbm>> -> memref<8x128xf32, #tpu.memory_space<hbm>>
        tpu.enqueue_dma source(%dma_start3A_283 : memref<8x128xf32, #tpu.memory_space<hbm>>) target(%dma_start3A_280 : memref<8x128xf32, #tpu.memory_space<vmem>>) target_semaphore(%arg14 : memref<!tpu.dma_semaphore, #tpu.memory_space<semaphore_mem>>)
        %dma_start3A_284 = arith.constant 0 : i32
        %dma_start3A_285 = arith.constant 0 : i32
        %dma_start3A_286 = tpu.memref_slice %arg10[%dma_start3A_284, %dma_start3A_285] : memref<8x256xf32, #tpu.memory_space<vmem>> -> memref<8x128xf32, #tpu.memory_space<vmem>>
        %dma_start3A_287 = arith.constant 0 : i32
        %dma_start3A_288 = tpu.memref_slice %arg4[%add3A_263, %dma_start3A_287, %multiple_of3A] : memref<64x8x16384xf32, #tpu.memory_space<hbm>> -> memref<1x8x128xf32, #tpu.memory_space<hbm>>
        %dma_start3A_289 = tpu.memref_squeeze %dma_start3A_288 : memref<1x8x128xf32, #tpu.memory_space<hbm>> -> memref<8x128xf32, #tpu.memory_space<hbm>>
        %dma_start3A_290 = arith.constant 0 : i32
        %dma_start3A_291 = arith.constant 0 : i32
        %dma_start3A_292 = tpu.memref_slice %arg10[%dma_start3A_290, %dma_start3A_291] : memref<8x256xf32, #tpu.memory_space<vmem>> -> memref<8x128xf32, #tpu.memory_space<vmem>>
        %dma_start3A_293 = arith.constant 0 : i32
        %dma_start3A_294 = tpu.memref_slice %arg4[%add3A_263, %dma_start3A_293, %multiple_of3A] : memref<64x8x16384xf32, #tpu.memory_space<hbm>> -> memref<1x8x128xf32, #tpu.memory_space<hbm>>
        %dma_start3A_295 = tpu.memref_squeeze %dma_start3A_294 : memref<1x8x128xf32, #tpu.memory_space<hbm>> -> memref<8x128xf32, #tpu.memory_space<hbm>>
        tpu.enqueue_dma source(%dma_start3A_295 : memref<8x128xf32, #tpu.memory_space<hbm>>) target(%dma_start3A_292 : memref<8x128xf32, #tpu.memory_space<vmem>>) target_semaphore(%arg14 : memref<!tpu.dma_semaphore, #tpu.memory_space<semaphore_mem>>)
        %dma_start3A_296 = arith.constant 0 : i32
        %dma_start3A_297 = arith.constant 0 : i32
        %dma_start3A_298 = tpu.memref_slice %arg11[%dma_start3A_296, %dma_start3A_297] : memref<9x256xf32, #tpu.memory_space<vmem>> -> memref<9x128xf32, #tpu.memory_space<vmem>>
        %dma_start3A_299 = arith.constant 0 : i32
        %dma_start3A_300 = tpu.memref_slice %arg5[%dma_start3A_299, %add3A_263, %multiple_of3A] : memref<9x64x16384xf32, #tpu.memory_space<hbm>> -> memref<9x1x128xf32, #tpu.memory_space<hbm>>
        %dma_start3A_301 = tpu.memref_squeeze %dma_start3A_300 : memref<9x1x128xf32, #tpu.memory_space<hbm>> -> memref<9x128xf32, #tpu.memory_space<hbm>>
        %dma_start3A_302 = arith.constant 0 : i32
        %dma_start3A_303 = arith.constant 0 : i32
        %dma_start3A_304 = tpu.memref_slice %arg11[%dma_start3A_302, %dma_start3A_303] : memref<9x256xf32, #tpu.memory_space<vmem>> -> memref<9x128xf32, #tpu.memory_space<vmem>>
        %dma_start3A_305 = arith.constant 0 : i32
        %dma_start3A_306 = tpu.memref_slice %arg5[%dma_start3A_305, %add3A_263, %multiple_of3A] : memref<9x64x16384xf32, #tpu.memory_space<hbm>> -> memref<9x1x128xf32, #tpu.memory_space<hbm>>
        %dma_start3A_307 = tpu.memref_squeeze %dma_start3A_306 : memref<9x1x128xf32, #tpu.memory_space<hbm>> -> memref<9x128xf32, #tpu.memory_space<hbm>>
        tpu.enqueue_dma source(%dma_start3A_307 : memref<9x128xf32, #tpu.memory_space<hbm>>) target(%dma_start3A_304 : memref<9x128xf32, #tpu.memory_space<vmem>>) target_semaphore(%arg14 : memref<!tpu.dma_semaphore, #tpu.memory_space<semaphore_mem>>)
      } else {
      }
      %mul3A_190 = arith.constant 2 : i32
      %mul3A_191 = arith.muli %scan3A_123, %mul3A_190 : i32
      %add3A_192 = arith.constant 1 : i32
      %add3A_193 = arith.addi %mul3A_191, %add3A_192 : i32
      %dma_wait3A_194 = arith.constant 128 : i32
      %dma_wait3A_195 = tpu.memref_slice %arg8[%dma_wait3A_194] : memref<256xf32, #tpu.memory_space<vmem>> -> memref<128xf32, #tpu.memory_space<vmem>>
      %dma_wait3A_196 = tpu.memref_slice %arg2[%add3A_193, %multiple_of3A] : memref<64x16384xf32, #tpu.memory_space<hbm>> -> memref<1x128xf32, #tpu.memory_space<hbm>>
      %dma_wait3A_197 = tpu.memref_squeeze %dma_wait3A_196 : memref<1x128xf32, #tpu.memory_space<hbm>> -> memref<128xf32, #tpu.memory_space<hbm>>
      %dma_wait3A_198 = arith.constant 128 : i32
      %dma_wait3A_199 = tpu.memref_slice %arg8[%dma_wait3A_198] : memref<256xf32, #tpu.memory_space<vmem>> -> memref<128xf32, #tpu.memory_space<vmem>>
      %dma_wait3A_200 = tpu.memref_slice %arg2[%add3A_193, %multiple_of3A] : memref<64x16384xf32, #tpu.memory_space<hbm>> -> memref<1x128xf32, #tpu.memory_space<hbm>>
      %dma_wait3A_201 = tpu.memref_squeeze %dma_wait3A_200 : memref<1x128xf32, #tpu.memory_space<hbm>> -> memref<128xf32, #tpu.memory_space<hbm>>
      tpu.wait_dma2 semaphore(%arg15 : memref<!tpu.dma_semaphore, #tpu.memory_space<semaphore_mem>>) src(%dma_wait3A_201 : memref<128xf32, #tpu.memory_space<hbm>>) dst(%dma_wait3A_199 : memref<128xf32, #tpu.memory_space<vmem>>)
      %dma_wait3A_202 = arith.constant 0 : i32
      %dma_wait3A_203 = arith.constant 128 : i32
      %dma_wait3A_204 = tpu.memref_slice %arg9[%dma_wait3A_202, %dma_wait3A_203] : memref<8x256xf32, #tpu.memory_space<vmem>> -> memref<8x128xf32, #tpu.memory_space<vmem>>
      %dma_wait3A_205 = arith.constant 0 : i32
      %dma_wait3A_206 = tpu.memref_slice %arg3[%add3A_193, %dma_wait3A_205, %multiple_of3A] : memref<64x8x16384xf32, #tpu.memory_space<hbm>> -> memref<1x8x128xf32, #tpu.memory_space<hbm>>
      %dma_wait3A_207 = tpu.memref_squeeze %dma_wait3A_206 : memref<1x8x128xf32, #tpu.memory_space<hbm>> -> memref<8x128xf32, #tpu.memory_space<hbm>>
      %dma_wait3A_208 = arith.constant 0 : i32
      %dma_wait3A_209 = arith.constant 128 : i32
      %dma_wait3A_210 = tpu.memref_slice %arg9[%dma_wait3A_208, %dma_wait3A_209] : memref<8x256xf32, #tpu.memory_space<vmem>> -> memref<8x128xf32, #tpu.memory_space<vmem>>
      %dma_wait3A_211 = arith.constant 0 : i32
      %dma_wait3A_212 = tpu.memref_slice %arg3[%add3A_193, %dma_wait3A_211, %multiple_of3A] : memref<64x8x16384xf32, #tpu.memory_space<hbm>> -> memref<1x8x128xf32, #tpu.memory_space<hbm>>
      %dma_wait3A_213 = tpu.memref_squeeze %dma_wait3A_212 : memref<1x8x128xf32, #tpu.memory_space<hbm>> -> memref<8x128xf32, #tpu.memory_space<hbm>>
      tpu.wait_dma2 semaphore(%arg15 : memref<!tpu.dma_semaphore, #tpu.memory_space<semaphore_mem>>) src(%dma_wait3A_213 : memref<8x128xf32, #tpu.memory_space<hbm>>) dst(%dma_wait3A_210 : memref<8x128xf32, #tpu.memory_space<vmem>>)
      %dma_wait3A_214 = arith.constant 0 : i32
      %dma_wait3A_215 = arith.constant 128 : i32
      %dma_wait3A_216 = tpu.memref_slice %arg10[%dma_wait3A_214, %dma_wait3A_215] : memref<8x256xf32, #tpu.memory_space<vmem>> -> memref<8x128xf32, #tpu.memory_space<vmem>>
      %dma_wait3A_217 = arith.constant 0 : i32
      %dma_wait3A_218 = tpu.memref_slice %arg4[%add3A_193, %dma_wait3A_217, %multiple_of3A] : memref<64x8x16384xf32, #tpu.memory_space<hbm>> -> memref<1x8x128xf32, #tpu.memory_space<hbm>>
      %dma_wait3A_219 = tpu.memref_squeeze %dma_wait3A_218 : memref<1x8x128xf32, #tpu.memory_space<hbm>> -> memref<8x128xf32, #tpu.memory_space<hbm>>
      %dma_wait3A_220 = arith.constant 0 : i32
      %dma_wait3A_221 = arith.constant 128 : i32
      %dma_wait3A_222 = tpu.memref_slice %arg10[%dma_wait3A_220, %dma_wait3A_221] : memref<8x256xf32, #tpu.memory_space<vmem>> -> memref<8x128xf32, #tpu.memory_space<vmem>>
      %dma_wait3A_223 = arith.constant 0 : i32
      %dma_wait3A_224 = tpu.memref_slice %arg4[%add3A_193, %dma_wait3A_223, %multiple_of3A] : memref<64x8x16384xf32, #tpu.memory_space<hbm>> -> memref<1x8x128xf32, #tpu.memory_space<hbm>>
      %dma_wait3A_225 = tpu.memref_squeeze %dma_wait3A_224 : memref<1x8x128xf32, #tpu.memory_space<hbm>> -> memref<8x128xf32, #tpu.memory_space<hbm>>
      tpu.wait_dma2 semaphore(%arg15 : memref<!tpu.dma_semaphore, #tpu.memory_space<semaphore_mem>>) src(%dma_wait3A_225 : memref<8x128xf32, #tpu.memory_space<hbm>>) dst(%dma_wait3A_222 : memref<8x128xf32, #tpu.memory_space<vmem>>)
      %dma_wait3A_226 = arith.constant 0 : i32
      %dma_wait3A_227 = arith.constant 128 : i32
      %dma_wait3A_228 = tpu.memref_slice %arg11[%dma_wait3A_226, %dma_wait3A_227] : memref<9x256xf32, #tpu.memory_space<vmem>> -> memref<9x128xf32, #tpu.memory_space<vmem>>
      %dma_wait3A_229 = arith.constant 0 : i32
      %dma_wait3A_230 = tpu.memref_slice %arg5[%dma_wait3A_229, %add3A_193, %multiple_of3A] : memref<9x64x16384xf32, #tpu.memory_space<hbm>> -> memref<9x1x128xf32, #tpu.memory_space<hbm>>
      %dma_wait3A_231 = tpu.memref_squeeze %dma_wait3A_230 : memref<9x1x128xf32, #tpu.memory_space<hbm>> -> memref<9x128xf32, #tpu.memory_space<hbm>>
      %dma_wait3A_232 = arith.constant 0 : i32
      %dma_wait3A_233 = arith.constant 128 : i32
      %dma_wait3A_234 = tpu.memref_slice %arg11[%dma_wait3A_232, %dma_wait3A_233] : memref<9x256xf32, #tpu.memory_space<vmem>> -> memref<9x128xf32, #tpu.memory_space<vmem>>
      %dma_wait3A_235 = arith.constant 0 : i32
      %dma_wait3A_236 = tpu.memref_slice %arg5[%dma_wait3A_235, %add3A_193, %multiple_of3A] : memref<9x64x16384xf32, #tpu.memory_space<hbm>> -> memref<9x1x128xf32, #tpu.memory_space<hbm>>
      %dma_wait3A_237 = tpu.memref_squeeze %dma_wait3A_236 : memref<9x1x128xf32, #tpu.memory_space<hbm>> -> memref<9x128xf32, #tpu.memory_space<hbm>>
      tpu.wait_dma2 semaphore(%arg15 : memref<!tpu.dma_semaphore, #tpu.memory_space<semaphore_mem>>) src(%dma_wait3A_237 : memref<9x128xf32, #tpu.memory_space<hbm>>) dst(%dma_wait3A_234 : memref<9x128xf32, #tpu.memory_space<vmem>>)
      %ge3A_238 = arith.constant 2 : i32
      %ge3A_239 = arith.cmpi sge, %add3A_193, %ge3A_238 : i32
      %convert_element_type3A_240 = arith.extui %ge3A_239 : i1 to i32
      %cond3A_241 = arith.constant 0 : i32
      %cond3A_242 = arith.cmpi ne, %convert_element_type3A_240, %cond3A_241 : i32
      scf.if %cond3A_242 {
        %dma_wait3A_262 = arith.constant 128 : i32
        %dma_wait3A_263 = tpu.memref_slice %arg12[%dma_wait3A_262] : memref<256xf32, #tpu.memory_space<vmem>> -> memref<128xf32, #tpu.memory_space<vmem>>
        %dma_wait3A_264 = tpu.memref_slice %arg6[%add3A_193, %multiple_of3A] : memref<64x4096xf32, #tpu.memory_space<hbm>> -> memref<1x128xf32, #tpu.memory_space<hbm>>
        %dma_wait3A_265 = tpu.memref_squeeze %dma_wait3A_264 : memref<1x128xf32, #tpu.memory_space<hbm>> -> memref<128xf32, #tpu.memory_space<hbm>>
        %dma_wait3A_266 = tpu.memref_slice %arg6[%add3A_193, %multiple_of3A] : memref<64x4096xf32, #tpu.memory_space<hbm>> -> memref<1x128xf32, #tpu.memory_space<hbm>>
        %dma_wait3A_267 = tpu.memref_squeeze %dma_wait3A_266 : memref<1x128xf32, #tpu.memory_space<hbm>> -> memref<128xf32, #tpu.memory_space<hbm>>
        %dma_wait3A_268 = arith.constant 128 : i32
        %dma_wait3A_269 = tpu.memref_slice %arg12[%dma_wait3A_268] : memref<256xf32, #tpu.memory_space<vmem>> -> memref<128xf32, #tpu.memory_space<vmem>>
        tpu.wait_dma2 semaphore(%arg17 : memref<!tpu.dma_semaphore, #tpu.memory_space<semaphore_mem>>) src(%dma_wait3A_269 : memref<128xf32, #tpu.memory_space<vmem>>) dst(%dma_wait3A_267 : memref<128xf32, #tpu.memory_space<hbm>>)
      } else {
      }
      %parallel_loop3A_243 = arith.constant 0 : i32
      %parallel_loop3A_244 = arith.constant 8 : i32
      %parallel_loop3A_245 = arith.constant 1 : i32
      scf.for %parallel_loop3A_262 = %parallel_loop3A_243 to %parallel_loop3A_244 step %parallel_loop3A_245  : i32 {
        %parallel_loop3A_263 = arith.constant 16 : i32
        %parallel_loop3A_264 = arith.muli %parallel_loop3A_262, %parallel_loop3A_263 : i32
        %parallel_loop3A_265 = arith.constant 128 : i32
        %parallel_loop3A_266 = arith.addi %parallel_loop3A_265, %parallel_loop3A_264 : i32
        %parallel_loop3A_267 = arith.index_cast %parallel_loop3A_266 : i32 to index
        %parallel_loop3A_268 = tpu.vector_load %arg8[%parallel_loop3A_267] {strides = array<i32>} : memref<256xf32, #tpu.memory_space<vmem>>, vector<16xf32>,
        %parallel_loop3A_269 = arith.constant 0 : i32
        %parallel_loop3A_270 = arith.index_cast %parallel_loop3A_269 : i32 to index
        %parallel_loop3A_271 = arith.index_cast %parallel_loop3A_266 : i32 to index
        %parallel_loop3A_272 = tpu.vector_load %arg9[%parallel_loop3A_270, %parallel_loop3A_271] {strides = array<i32>} : memref<8x256xf32, #tpu.memory_space<vmem>>, vector<16xf32>,
        %parallel_loop3A_273 = math.exp %parallel_loop3A_272 : vector<16xf32>
        %parallel_loop3A_274 = arith.constant 1 : i32
        %parallel_loop3A_275 = arith.index_cast %parallel_loop3A_274 : i32 to index
        %parallel_loop3A_276 = arith.index_cast %parallel_loop3A_266 : i32 to index
        %parallel_loop3A_277 = tpu.vector_load %arg9[%parallel_loop3A_275, %parallel_loop3A_276] {strides = array<i32>} : memref<8x256xf32, #tpu.memory_space<vmem>>, vector<16xf32>,
        %parallel_loop3A_278 = math.exp %parallel_loop3A_277 : vector<16xf32>
        %parallel_loop3A_279 = arith.constant 2 : i32
        %parallel_loop3A_280 = arith.index_cast %parallel_loop3A_279 : i32 to index
        %parallel_loop3A_281 = arith.index_cast %parallel_loop3A_266 : i32 to index
        %parallel_loop3A_282 = tpu.vector_load %arg9[%parallel_loop3A_280, %parallel_loop3A_281] {strides = array<i32>} : memref<8x256xf32, #tpu.memory_space<vmem>>, vector<16xf32>,
        %parallel_loop3A_283 = math.exp %parallel_loop3A_282 : vector<16xf32>
        %parallel_loop3A_284 = arith.constant 3 : i32
        %parallel_loop3A_285 = arith.index_cast %parallel_loop3A_284 : i32 to index
        %parallel_loop3A_286 = arith.index_cast %parallel_loop3A_266 : i32 to index
        %parallel_loop3A_287 = tpu.vector_load %arg9[%parallel_loop3A_285, %parallel_loop3A_286] {strides = array<i32>} : memref<8x256xf32, #tpu.memory_space<vmem>>, vector<16xf32>,
        %parallel_loop3A_288 = math.exp %parallel_loop3A_287 : vector<16xf32>
        %parallel_loop3A_289 = arith.constant 4 : i32
        %parallel_loop3A_290 = arith.index_cast %parallel_loop3A_289 : i32 to index
        %parallel_loop3A_291 = arith.index_cast %parallel_loop3A_266 : i32 to index
        %parallel_loop3A_292 = tpu.vector_load %arg9[%parallel_loop3A_290, %parallel_loop3A_291] {strides = array<i32>} : memref<8x256xf32, #tpu.memory_space<vmem>>, vector<16xf32>,
        %parallel_loop3A_293 = math.exp %parallel_loop3A_292 : vector<16xf32>
        %parallel_loop3A_294 = arith.constant 5 : i32
        %parallel_loop3A_295 = arith.index_cast %parallel_loop3A_294 : i32 to index
        %parallel_loop3A_296 = arith.index_cast %parallel_loop3A_266 : i32 to index
        %parallel_loop3A_297 = tpu.vector_load %arg9[%parallel_loop3A_295, %parallel_loop3A_296] {strides = array<i32>} : memref<8x256xf32, #tpu.memory_space<vmem>>, vector<16xf32>,
        %parallel_loop3A_298 = math.exp %parallel_loop3A_297 : vector<16xf32>
        %parallel_loop3A_299 = arith.constant 6 : i32
        %parallel_loop3A_300 = arith.index_cast %parallel_loop3A_299 : i32 to index
        %parallel_loop3A_301 = arith.index_cast %parallel_loop3A_266 : i32 to index
        %parallel_loop3A_302 = tpu.vector_load %arg9[%parallel_loop3A_300, %parallel_loop3A_301] {strides = array<i32>} : memref<8x256xf32, #tpu.memory_space<vmem>>, vector<16xf32>,
        %parallel_loop3A_303 = math.exp %parallel_loop3A_302 : vector<16xf32>
        %parallel_loop3A_304 = arith.constant 7 : i32
        %parallel_loop3A_305 = arith.index_cast %parallel_loop3A_304 : i32 to index
        %parallel_loop3A_306 = arith.index_cast %parallel_loop3A_266 : i32 to index
        %parallel_loop3A_307 = tpu.vector_load %arg9[%parallel_loop3A_305, %parallel_loop3A_306] {strides = array<i32>} : memref<8x256xf32, #tpu.memory_space<vmem>>, vector<16xf32>,
        %parallel_loop3A_308 = math.exp %parallel_loop3A_307 : vector<16xf32>
        %parallel_loop3A_309 = arith.constant 0 : i32
        %parallel_loop3A_310 = arith.index_cast %parallel_loop3A_309 : i32 to index
        %parallel_loop3A_311 = arith.index_cast %parallel_loop3A_266 : i32 to index
        %parallel_loop3A_312 = tpu.vector_load %arg10[%parallel_loop3A_310, %parallel_loop3A_311] {strides = array<i32>} : memref<8x256xf32, #tpu.memory_space<vmem>>, vector<16xf32>,
        %parallel_loop3A_313 = math.exp %parallel_loop3A_312 : vector<16xf32>
        %parallel_loop3A_314 = arith.constant 1 : i32
        %parallel_loop3A_315 = arith.index_cast %parallel_loop3A_314 : i32 to index
        %parallel_loop3A_316 = arith.index_cast %parallel_loop3A_266 : i32 to index
        %parallel_loop3A_317 = tpu.vector_load %arg10[%parallel_loop3A_315, %parallel_loop3A_316] {strides = array<i32>} : memref<8x256xf32, #tpu.memory_space<vmem>>, vector<16xf32>,
        %parallel_loop3A_318 = math.exp %parallel_loop3A_317 : vector<16xf32>
        %parallel_loop3A_319 = arith.constant 2 : i32
        %parallel_loop3A_320 = arith.index_cast %parallel_loop3A_319 : i32 to index
        %parallel_loop3A_321 = arith.index_cast %parallel_loop3A_266 : i32 to index
        %parallel_loop3A_322 = tpu.vector_load %arg10[%parallel_loop3A_320, %parallel_loop3A_321] {strides = array<i32>} : memref<8x256xf32, #tpu.memory_space<vmem>>, vector<16xf32>,
        %parallel_loop3A_323 = math.exp %parallel_loop3A_322 : vector<16xf32>
        %parallel_loop3A_324 = arith.constant 3 : i32
        %parallel_loop3A_325 = arith.index_cast %parallel_loop3A_324 : i32 to index
        %parallel_loop3A_326 = arith.index_cast %parallel_loop3A_266 : i32 to index
        %parallel_loop3A_327 = tpu.vector_load %arg10[%parallel_loop3A_325, %parallel_loop3A_326] {strides = array<i32>} : memref<8x256xf32, #tpu.memory_space<vmem>>, vector<16xf32>,
        %parallel_loop3A_328 = math.exp %parallel_loop3A_327 : vector<16xf32>
        %parallel_loop3A_329 = arith.constant 4 : i32
        %parallel_loop3A_330 = arith.index_cast %parallel_loop3A_329 : i32 to index
        %parallel_loop3A_331 = arith.index_cast %parallel_loop3A_266 : i32 to index
        %parallel_loop3A_332 = tpu.vector_load %arg10[%parallel_loop3A_330, %parallel_loop3A_331] {strides = array<i32>} : memref<8x256xf32, #tpu.memory_space<vmem>>, vector<16xf32>,
        %parallel_loop3A_333 = math.exp %parallel_loop3A_332 : vector<16xf32>
        %parallel_loop3A_334 = arith.constant 5 : i32
        %parallel_loop3A_335 = arith.index_cast %parallel_loop3A_334 : i32 to index
        %parallel_loop3A_336 = arith.index_cast %parallel_loop3A_266 : i32 to index
        %parallel_loop3A_337 = tpu.vector_load %arg10[%parallel_loop3A_335, %parallel_loop3A_336] {strides = array<i32>} : memref<8x256xf32, #tpu.memory_space<vmem>>, vector<16xf32>,
        %parallel_loop3A_338 = math.exp %parallel_loop3A_337 : vector<16xf32>
        %parallel_loop3A_339 = arith.constant 6 : i32
        %parallel_loop3A_340 = arith.index_cast %parallel_loop3A_339 : i32 to index
        %parallel_loop3A_341 = arith.index_cast %parallel_loop3A_266 : i32 to index
        %parallel_loop3A_342 = tpu.vector_load %arg10[%parallel_loop3A_340, %parallel_loop3A_341] {strides = array<i32>} : memref<8x256xf32, #tpu.memory_space<vmem>>, vector<16xf32>,
        %parallel_loop3A_343 = math.exp %parallel_loop3A_342 : vector<16xf32>
        %parallel_loop3A_344 = arith.constant 7 : i32
        %parallel_loop3A_345 = arith.index_cast %parallel_loop3A_344 : i32 to index
        %parallel_loop3A_346 = arith.index_cast %parallel_loop3A_266 : i32 to index
        %parallel_loop3A_347 = tpu.vector_load %arg10[%parallel_loop3A_345, %parallel_loop3A_346] {strides = array<i32>} : memref<8x256xf32, #tpu.memory_space<vmem>>, vector<16xf32>,
        %parallel_loop3A_348 = math.exp %parallel_loop3A_347 : vector<16xf32>
        %parallel_loop3A_349 = arith.constant 0 : i32
        %parallel_loop3A_350 = arith.index_cast %parallel_loop3A_349 : i32 to index
        %parallel_loop3A_351 = arith.index_cast %parallel_loop3A_266 : i32 to index
        %parallel_loop3A_352 = tpu.vector_load %arg11[%parallel_loop3A_350, %parallel_loop3A_351] {strides = array<i32>} : memref<9x256xf32, #tpu.memory_space<vmem>>, vector<16xf32>,
        %parallel_loop3A_353 = arith.constant 1 : i32
        %parallel_loop3A_354 = arith.index_cast %parallel_loop3A_353 : i32 to index
        %parallel_loop3A_355 = arith.index_cast %parallel_loop3A_266 : i32 to index
        %parallel_loop3A_356 = tpu.vector_load %arg11[%parallel_loop3A_354, %parallel_loop3A_355] {strides = array<i32>} : memref<9x256xf32, #tpu.memory_space<vmem>>, vector<16xf32>,
        %parallel_loop3A_357 = arith.constant 2 : i32
        %parallel_loop3A_358 = arith.index_cast %parallel_loop3A_357 : i32 to index
        %parallel_loop3A_359 = arith.index_cast %parallel_loop3A_266 : i32 to index
        %parallel_loop3A_360 = tpu.vector_load %arg11[%parallel_loop3A_358, %parallel_loop3A_359] {strides = array<i32>} : memref<9x256xf32, #tpu.memory_space<vmem>>, vector<16xf32>,
        %parallel_loop3A_361 = arith.constant 3 : i32
        %parallel_loop3A_362 = arith.index_cast %parallel_loop3A_361 : i32 to index
        %parallel_loop3A_363 = arith.index_cast %parallel_loop3A_266 : i32 to index
        %parallel_loop3A_364 = tpu.vector_load %arg11[%parallel_loop3A_362, %parallel_loop3A_363] {strides = array<i32>} : memref<9x256xf32, #tpu.memory_space<vmem>>, vector<16xf32>,
        %parallel_loop3A_365 = arith.constant 4 : i32
        %parallel_loop3A_366 = arith.index_cast %parallel_loop3A_365 : i32 to index
        %parallel_loop3A_367 = arith.index_cast %parallel_loop3A_266 : i32 to index
        %parallel_loop3A_368 = tpu.vector_load %arg11[%parallel_loop3A_366, %parallel_loop3A_367] {strides = array<i32>} : memref<9x256xf32, #tpu.memory_space<vmem>>, vector<16xf32>,
        %parallel_loop3A_369 = arith.constant 5 : i32
        %parallel_loop3A_370 = arith.index_cast %parallel_loop3A_369 : i32 to index
        %parallel_loop3A_371 = arith.index_cast %parallel_loop3A_266 : i32 to index
        %parallel_loop3A_372 = tpu.vector_load %arg11[%parallel_loop3A_370, %parallel_loop3A_371] {strides = array<i32>} : memref<9x256xf32, #tpu.memory_space<vmem>>, vector<16xf32>,
        %parallel_loop3A_373 = arith.constant 6 : i32
        %parallel_loop3A_374 = arith.index_cast %parallel_loop3A_373 : i32 to index
        %parallel_loop3A_375 = arith.index_cast %parallel_loop3A_266 : i32 to index
        %parallel_loop3A_376 = tpu.vector_load %arg11[%parallel_loop3A_374, %parallel_loop3A_375] {strides = array<i32>} : memref<9x256xf32, #tpu.memory_space<vmem>>, vector<16xf32>,
        %parallel_loop3A_377 = arith.constant 7 : i32
        %parallel_loop3A_378 = arith.index_cast %parallel_loop3A_377 : i32 to index
        %parallel_loop3A_379 = arith.index_cast %parallel_loop3A_266 : i32 to index
        %parallel_loop3A_380 = tpu.vector_load %arg11[%parallel_loop3A_378, %parallel_loop3A_379] {strides = array<i32>} : memref<9x256xf32, #tpu.memory_space<vmem>>, vector<16xf32>,
        %parallel_loop3A_381 = arith.constant 8 : i32
        %parallel_loop3A_382 = arith.index_cast %parallel_loop3A_381 : i32 to index
        %parallel_loop3A_383 = arith.index_cast %parallel_loop3A_266 : i32 to index
        %parallel_loop3A_384 = tpu.vector_load %arg11[%parallel_loop3A_382, %parallel_loop3A_383] {strides = array<i32>} : memref<9x256xf32, #tpu.memory_space<vmem>>, vector<16xf32>,
        %parallel_loop3A_385 = arith.addf %parallel_loop3A_273, %parallel_loop3A_278 : vector<16xf32>
        %parallel_loop3A_386 = arith.addf %parallel_loop3A_385, %parallel_loop3A_283 : vector<16xf32>
        %parallel_loop3A_387 = arith.addf %parallel_loop3A_386, %parallel_loop3A_288 : vector<16xf32>
        %parallel_loop3A_388 = arith.addf %parallel_loop3A_387, %parallel_loop3A_293 : vector<16xf32>
        %parallel_loop3A_389 = arith.addf %parallel_loop3A_388, %parallel_loop3A_298 : vector<16xf32>
        %parallel_loop3A_390 = arith.addf %parallel_loop3A_389, %parallel_loop3A_303 : vector<16xf32>
        %parallel_loop3A_391 = arith.addf %parallel_loop3A_390, %parallel_loop3A_308 : vector<16xf32>
        %parallel_loop3A_392 = arith.constant 5.992000e+00 : f32
        %parallel_loop3A_393 = vector.broadcast %parallel_loop3A_392 : f32 to vector<16xf32>
        %parallel_loop3A_394 = arith.divf %parallel_loop3A_393, %parallel_loop3A_391 : vector<16xf32>
        %parallel_loop3A_395 = arith.mulf %parallel_loop3A_273, %parallel_loop3A_394 : vector<16xf32>
        %parallel_loop3A_396 = arith.mulf %parallel_loop3A_278, %parallel_loop3A_394 : vector<16xf32>
        %parallel_loop3A_397 = arith.mulf %parallel_loop3A_283, %parallel_loop3A_394 : vector<16xf32>
        %parallel_loop3A_398 = arith.mulf %parallel_loop3A_288, %parallel_loop3A_394 : vector<16xf32>
        %parallel_loop3A_399 = arith.mulf %parallel_loop3A_293, %parallel_loop3A_394 : vector<16xf32>
        %parallel_loop3A_400 = arith.mulf %parallel_loop3A_298, %parallel_loop3A_394 : vector<16xf32>
        %parallel_loop3A_401 = arith.mulf %parallel_loop3A_303, %parallel_loop3A_394 : vector<16xf32>
        %parallel_loop3A_402 = arith.mulf %parallel_loop3A_308, %parallel_loop3A_394 : vector<16xf32>
        %parallel_loop3A_403 = arith.constant -3.000000e+00 : f32
        %parallel_loop3A_404 = vector.broadcast %parallel_loop3A_403 : f32 to vector<16xf32>
        %parallel_loop3A_405 = arith.constant 1.000000e-03 : f32
        %parallel_loop3A_406 = vector.broadcast %parallel_loop3A_405 : f32 to vector<16xf32>
        %parallel_loop3A_407 = arith.addf %parallel_loop3A_406, %parallel_loop3A_395 : vector<16xf32>
        %parallel_loop3A_408 = arith.addf %parallel_loop3A_404, %parallel_loop3A_407 : vector<16xf32>
        %parallel_loop3A_409 = arith.constant 1.000000e-03 : f32
        %parallel_loop3A_410 = vector.broadcast %parallel_loop3A_409 : f32 to vector<16xf32>
        %parallel_loop3A_411 = arith.addf %parallel_loop3A_410, %parallel_loop3A_396 : vector<16xf32>
        %parallel_loop3A_412 = arith.addf %parallel_loop3A_408, %parallel_loop3A_411 : vector<16xf32>
        %parallel_loop3A_413 = arith.constant 1.000000e-03 : f32
        %parallel_loop3A_414 = vector.broadcast %parallel_loop3A_413 : f32 to vector<16xf32>
        %parallel_loop3A_415 = arith.addf %parallel_loop3A_414, %parallel_loop3A_397 : vector<16xf32>
        %parallel_loop3A_416 = arith.addf %parallel_loop3A_412, %parallel_loop3A_415 : vector<16xf32>
        %parallel_loop3A_417 = arith.constant 1.000000e-03 : f32
        %parallel_loop3A_418 = vector.broadcast %parallel_loop3A_417 : f32 to vector<16xf32>
        %parallel_loop3A_419 = arith.addf %parallel_loop3A_418, %parallel_loop3A_398 : vector<16xf32>
        %parallel_loop3A_420 = arith.addf %parallel_loop3A_416, %parallel_loop3A_419 : vector<16xf32>
        %parallel_loop3A_421 = arith.constant 1.000000e-03 : f32
        %parallel_loop3A_422 = vector.broadcast %parallel_loop3A_421 : f32 to vector<16xf32>
        %parallel_loop3A_423 = arith.addf %parallel_loop3A_422, %parallel_loop3A_399 : vector<16xf32>
        %parallel_loop3A_424 = arith.addf %parallel_loop3A_420, %parallel_loop3A_423 : vector<16xf32>
        %parallel_loop3A_425 = arith.constant 1.000000e-03 : f32
        %parallel_loop3A_426 = vector.broadcast %parallel_loop3A_425 : f32 to vector<16xf32>
        %parallel_loop3A_427 = arith.addf %parallel_loop3A_426, %parallel_loop3A_400 : vector<16xf32>
        %parallel_loop3A_428 = arith.addf %parallel_loop3A_424, %parallel_loop3A_427 : vector<16xf32>
        %parallel_loop3A_429 = arith.constant 1.000000e-03 : f32
        %parallel_loop3A_430 = vector.broadcast %parallel_loop3A_429 : f32 to vector<16xf32>
        %parallel_loop3A_431 = arith.addf %parallel_loop3A_430, %parallel_loop3A_401 : vector<16xf32>
        %parallel_loop3A_432 = arith.addf %parallel_loop3A_428, %parallel_loop3A_431 : vector<16xf32>
        %parallel_loop3A_433 = arith.constant 1.000000e-03 : f32
        %parallel_loop3A_434 = vector.broadcast %parallel_loop3A_433 : f32 to vector<16xf32>
        %parallel_loop3A_435 = arith.addf %parallel_loop3A_434, %parallel_loop3A_402 : vector<16xf32>
        %parallel_loop3A_436 = arith.addf %parallel_loop3A_432, %parallel_loop3A_435 : vector<16xf32>
        %parallel_loop3A_437 = arith.addf %parallel_loop3A_313, %parallel_loop3A_318 : vector<16xf32>
        %parallel_loop3A_438 = arith.addf %parallel_loop3A_437, %parallel_loop3A_323 : vector<16xf32>
        %parallel_loop3A_439 = arith.addf %parallel_loop3A_438, %parallel_loop3A_328 : vector<16xf32>
        %parallel_loop3A_440 = arith.addf %parallel_loop3A_439, %parallel_loop3A_333 : vector<16xf32>
        %parallel_loop3A_441 = arith.addf %parallel_loop3A_440, %parallel_loop3A_338 : vector<16xf32>
        %parallel_loop3A_442 = arith.addf %parallel_loop3A_441, %parallel_loop3A_343 : vector<16xf32>
        %parallel_loop3A_443 = arith.addf %parallel_loop3A_442, %parallel_loop3A_348 : vector<16xf32>
        %parallel_loop3A_444 = arith.constant 5.992000e+00 : f32
        %parallel_loop3A_445 = vector.broadcast %parallel_loop3A_444 : f32 to vector<16xf32>
        %parallel_loop3A_446 = arith.divf %parallel_loop3A_445, %parallel_loop3A_443 : vector<16xf32>
        %parallel_loop3A_447 = arith.mulf %parallel_loop3A_313, %parallel_loop3A_446 : vector<16xf32>
        %parallel_loop3A_448 = arith.mulf %parallel_loop3A_318, %parallel_loop3A_446 : vector<16xf32>
        %parallel_loop3A_449 = arith.mulf %parallel_loop3A_323, %parallel_loop3A_446 : vector<16xf32>
        %parallel_loop3A_450 = arith.mulf %parallel_loop3A_328, %parallel_loop3A_446 : vector<16xf32>
        %parallel_loop3A_451 = arith.mulf %parallel_loop3A_333, %parallel_loop3A_446 : vector<16xf32>
        %parallel_loop3A_452 = arith.mulf %parallel_loop3A_338, %parallel_loop3A_446 : vector<16xf32>
        %parallel_loop3A_453 = arith.mulf %parallel_loop3A_343, %parallel_loop3A_446 : vector<16xf32>
        %parallel_loop3A_454 = arith.mulf %parallel_loop3A_348, %parallel_loop3A_446 : vector<16xf32>
        %parallel_loop3A_455 = arith.constant -3.000000e+00 : f32
        %parallel_loop3A_456 = vector.broadcast %parallel_loop3A_455 : f32 to vector<16xf32>
        %parallel_loop3A_457 = arith.constant 1.000000e-03 : f32
        %parallel_loop3A_458 = vector.broadcast %parallel_loop3A_457 : f32 to vector<16xf32>
        %parallel_loop3A_459 = arith.addf %parallel_loop3A_458, %parallel_loop3A_447 : vector<16xf32>
        %parallel_loop3A_460 = arith.addf %parallel_loop3A_456, %parallel_loop3A_459 : vector<16xf32>
        %parallel_loop3A_461 = arith.constant 1.000000e-03 : f32
        %parallel_loop3A_462 = vector.broadcast %parallel_loop3A_461 : f32 to vector<16xf32>
        %parallel_loop3A_463 = arith.addf %parallel_loop3A_462, %parallel_loop3A_448 : vector<16xf32>
        %parallel_loop3A_464 = arith.addf %parallel_loop3A_460, %parallel_loop3A_463 : vector<16xf32>
        %parallel_loop3A_465 = arith.constant 1.000000e-03 : f32
        %parallel_loop3A_466 = vector.broadcast %parallel_loop3A_465 : f32 to vector<16xf32>
        %parallel_loop3A_467 = arith.addf %parallel_loop3A_466, %parallel_loop3A_449 : vector<16xf32>
        %parallel_loop3A_468 = arith.addf %parallel_loop3A_464, %parallel_loop3A_467 : vector<16xf32>
        %parallel_loop3A_469 = arith.constant 1.000000e-03 : f32
        %parallel_loop3A_470 = vector.broadcast %parallel_loop3A_469 : f32 to vector<16xf32>
        %parallel_loop3A_471 = arith.addf %parallel_loop3A_470, %parallel_loop3A_450 : vector<16xf32>
        %parallel_loop3A_472 = arith.addf %parallel_loop3A_468, %parallel_loop3A_471 : vector<16xf32>
        %parallel_loop3A_473 = arith.constant 1.000000e-03 : f32
        %parallel_loop3A_474 = vector.broadcast %parallel_loop3A_473 : f32 to vector<16xf32>
        %parallel_loop3A_475 = arith.addf %parallel_loop3A_474, %parallel_loop3A_451 : vector<16xf32>
        %parallel_loop3A_476 = arith.addf %parallel_loop3A_472, %parallel_loop3A_475 : vector<16xf32>
        %parallel_loop3A_477 = arith.constant 1.000000e-03 : f32
        %parallel_loop3A_478 = vector.broadcast %parallel_loop3A_477 : f32 to vector<16xf32>
        %parallel_loop3A_479 = arith.addf %parallel_loop3A_478, %parallel_loop3A_452 : vector<16xf32>
        %parallel_loop3A_480 = arith.addf %parallel_loop3A_476, %parallel_loop3A_479 : vector<16xf32>
        %parallel_loop3A_481 = arith.constant 1.000000e-03 : f32
        %parallel_loop3A_482 = vector.broadcast %parallel_loop3A_481 : f32 to vector<16xf32>
        %parallel_loop3A_483 = arith.addf %parallel_loop3A_482, %parallel_loop3A_453 : vector<16xf32>
        %parallel_loop3A_484 = arith.addf %parallel_loop3A_480, %parallel_loop3A_483 : vector<16xf32>
        %parallel_loop3A_485 = arith.constant 1.000000e-03 : f32
        %parallel_loop3A_486 = vector.broadcast %parallel_loop3A_485 : f32 to vector<16xf32>
        %parallel_loop3A_487 = arith.addf %parallel_loop3A_486, %parallel_loop3A_454 : vector<16xf32>
        %parallel_loop3A_488 = arith.addf %parallel_loop3A_484, %parallel_loop3A_487 : vector<16xf32>
        %parallel_loop3A_489 = arith.cmpf ole, %parallel_loop3A_408, %parallel_loop3A_268 : vector<16xf32>
        %parallel_loop3A_490 = arith.cmpf ole, %parallel_loop3A_412, %parallel_loop3A_268 : vector<16xf32>
        %parallel_loop3A_491 = arith.cmpf ole, %parallel_loop3A_416, %parallel_loop3A_268 : vector<16xf32>
        %parallel_loop3A_492 = arith.cmpf ole, %parallel_loop3A_420, %parallel_loop3A_268 : vector<16xf32>
        %parallel_loop3A_493 = arith.cmpf ole, %parallel_loop3A_424, %parallel_loop3A_268 : vector<16xf32>
        %parallel_loop3A_494 = arith.cmpf ole, %parallel_loop3A_428, %parallel_loop3A_268 : vector<16xf32>
        %parallel_loop3A_495 = arith.cmpf ole, %parallel_loop3A_432, %parallel_loop3A_268 : vector<16xf32>
        %parallel_loop3A_496 = arith.select %parallel_loop3A_489, %parallel_loop3A_408, %parallel_loop3A_404 : vector<16xi1>, vector<16xf32>
        %parallel_loop3A_497 = arith.select %parallel_loop3A_490, %parallel_loop3A_412, %parallel_loop3A_496 : vector<16xi1>, vector<16xf32>
        %parallel_loop3A_498 = arith.select %parallel_loop3A_491, %parallel_loop3A_416, %parallel_loop3A_497 : vector<16xi1>, vector<16xf32>
        %parallel_loop3A_499 = arith.select %parallel_loop3A_492, %parallel_loop3A_420, %parallel_loop3A_498 : vector<16xi1>, vector<16xf32>
        %parallel_loop3A_500 = arith.select %parallel_loop3A_493, %parallel_loop3A_424, %parallel_loop3A_499 : vector<16xi1>, vector<16xf32>
        %parallel_loop3A_501 = arith.select %parallel_loop3A_494, %parallel_loop3A_428, %parallel_loop3A_500 : vector<16xi1>, vector<16xf32>
        %parallel_loop3A_502 = arith.select %parallel_loop3A_495, %parallel_loop3A_432, %parallel_loop3A_501 : vector<16xi1>, vector<16xf32>
        %parallel_loop3A_503 = arith.select %parallel_loop3A_489, %parallel_loop3A_460, %parallel_loop3A_456 : vector<16xi1>, vector<16xf32>
        %parallel_loop3A_504 = arith.select %parallel_loop3A_490, %parallel_loop3A_464, %parallel_loop3A_503 : vector<16xi1>, vector<16xf32>
        %parallel_loop3A_505 = arith.select %parallel_loop3A_491, %parallel_loop3A_468, %parallel_loop3A_504 : vector<16xi1>, vector<16xf32>
        %parallel_loop3A_506 = arith.select %parallel_loop3A_492, %parallel_loop3A_472, %parallel_loop3A_505 : vector<16xi1>, vector<16xf32>
        %parallel_loop3A_507 = arith.select %parallel_loop3A_493, %parallel_loop3A_476, %parallel_loop3A_506 : vector<16xi1>, vector<16xf32>
        %parallel_loop3A_508 = arith.select %parallel_loop3A_494, %parallel_loop3A_480, %parallel_loop3A_507 : vector<16xi1>, vector<16xf32>
        %parallel_loop3A_509 = arith.select %parallel_loop3A_495, %parallel_loop3A_484, %parallel_loop3A_508 : vector<16xi1>, vector<16xf32>
        %parallel_loop3A_510 = arith.select %parallel_loop3A_489, %parallel_loop3A_396, %parallel_loop3A_395 : vector<16xi1>, vector<16xf32>
        %parallel_loop3A_511 = arith.select %parallel_loop3A_490, %parallel_loop3A_397, %parallel_loop3A_510 : vector<16xi1>, vector<16xf32>
        %parallel_loop3A_512 = arith.select %parallel_loop3A_491, %parallel_loop3A_398, %parallel_loop3A_511 : vector<16xi1>, vector<16xf32>
        %parallel_loop3A_513 = arith.select %parallel_loop3A_492, %parallel_loop3A_399, %parallel_loop3A_512 : vector<16xi1>, vector<16xf32>
        %parallel_loop3A_514 = arith.select %parallel_loop3A_493, %parallel_loop3A_400, %parallel_loop3A_513 : vector<16xi1>, vector<16xf32>
        %parallel_loop3A_515 = arith.select %parallel_loop3A_494, %parallel_loop3A_401, %parallel_loop3A_514 : vector<16xi1>, vector<16xf32>
        %parallel_loop3A_516 = arith.select %parallel_loop3A_495, %parallel_loop3A_402, %parallel_loop3A_515 : vector<16xi1>, vector<16xf32>
        %parallel_loop3A_517 = arith.constant 1.000000e-03 : f32
        %parallel_loop3A_518 = vector.broadcast %parallel_loop3A_517 : f32 to vector<16xf32>
        %parallel_loop3A_519 = arith.addf %parallel_loop3A_518, %parallel_loop3A_516 : vector<16xf32>
        %parallel_loop3A_520 = arith.select %parallel_loop3A_489, %parallel_loop3A_448, %parallel_loop3A_447 : vector<16xi1>, vector<16xf32>
        %parallel_loop3A_521 = arith.select %parallel_loop3A_490, %parallel_loop3A_449, %parallel_loop3A_520 : vector<16xi1>, vector<16xf32>
        %parallel_loop3A_522 = arith.select %parallel_loop3A_491, %parallel_loop3A_450, %parallel_loop3A_521 : vector<16xi1>, vector<16xf32>
        %parallel_loop3A_523 = arith.select %parallel_loop3A_492, %parallel_loop3A_451, %parallel_loop3A_522 : vector<16xi1>, vector<16xf32>
        %parallel_loop3A_524 = arith.select %parallel_loop3A_493, %parallel_loop3A_452, %parallel_loop3A_523 : vector<16xi1>, vector<16xf32>
        %parallel_loop3A_525 = arith.select %parallel_loop3A_494, %parallel_loop3A_453, %parallel_loop3A_524 : vector<16xi1>, vector<16xf32>
        %parallel_loop3A_526 = arith.select %parallel_loop3A_495, %parallel_loop3A_454, %parallel_loop3A_525 : vector<16xi1>, vector<16xf32>
        %parallel_loop3A_527 = arith.constant 1.000000e-03 : f32
        %parallel_loop3A_528 = vector.broadcast %parallel_loop3A_527 : f32 to vector<16xf32>
        %parallel_loop3A_529 = arith.addf %parallel_loop3A_528, %parallel_loop3A_526 : vector<16xf32>
        %parallel_loop3A_530 = arith.select %parallel_loop3A_489, %parallel_loop3A_356, %parallel_loop3A_352 : vector<16xi1>, vector<16xf32>
        %parallel_loop3A_531 = arith.select %parallel_loop3A_490, %parallel_loop3A_360, %parallel_loop3A_530 : vector<16xi1>, vector<16xf32>
        %parallel_loop3A_532 = arith.select %parallel_loop3A_491, %parallel_loop3A_364, %parallel_loop3A_531 : vector<16xi1>, vector<16xf32>
        %parallel_loop3A_533 = arith.select %parallel_loop3A_492, %parallel_loop3A_368, %parallel_loop3A_532 : vector<16xi1>, vector<16xf32>
        %parallel_loop3A_534 = arith.select %parallel_loop3A_493, %parallel_loop3A_372, %parallel_loop3A_533 : vector<16xi1>, vector<16xf32>
        %parallel_loop3A_535 = arith.select %parallel_loop3A_494, %parallel_loop3A_376, %parallel_loop3A_534 : vector<16xi1>, vector<16xf32>
        %parallel_loop3A_536 = arith.select %parallel_loop3A_495, %parallel_loop3A_380, %parallel_loop3A_535 : vector<16xi1>, vector<16xf32>
        %parallel_loop3A_537 = math.absf %parallel_loop3A_536 : vector<16xf32>
        %parallel_loop3A_538 = arith.constant 0.000000e+00 : f32
        %parallel_loop3A_539 = vector.broadcast %parallel_loop3A_538 : f32 to vector<16xf32>
        %parallel_loop3A_540 = arith.subf %parallel_loop3A_539, %parallel_loop3A_537 : vector<16xf32>
        %parallel_loop3A_541 = math.exp %parallel_loop3A_540 : vector<16xf32>
        %parallel_loop3A_542 = arith.constant 0.0102438284 : f32
        %parallel_loop3A_543 = vector.broadcast %parallel_loop3A_542 : f32 to vector<16xf32>
        %parallel_loop3A_544 = arith.mulf %parallel_loop3A_543, %parallel_loop3A_541 : vector<16xf32>
        %parallel_loop3A_545 = arith.constant -0.0532674789 : f32
        %parallel_loop3A_546 = vector.broadcast %parallel_loop3A_545 : f32 to vector<16xf32>
        %parallel_loop3A_547 = arith.addf %parallel_loop3A_544, %parallel_loop3A_546 : vector<16xf32>
        %parallel_loop3A_548 = arith.mulf %parallel_loop3A_547, %parallel_loop3A_541 : vector<16xf32>
        %parallel_loop3A_549 = arith.constant 0.131989658 : f32
        %parallel_loop3A_550 = vector.broadcast %parallel_loop3A_549 : f32 to vector<16xf32>
        %parallel_loop3A_551 = arith.addf %parallel_loop3A_548, %parallel_loop3A_550 : vector<16xf32>
        %parallel_loop3A_552 = arith.mulf %parallel_loop3A_551, %parallel_loop3A_541 : vector<16xf32>
        %parallel_loop3A_553 = arith.constant -0.223966897 : f32
        %parallel_loop3A_554 = vector.broadcast %parallel_loop3A_553 : f32 to vector<16xf32>
        %parallel_loop3A_555 = arith.addf %parallel_loop3A_552, %parallel_loop3A_554 : vector<16xf32>
        %parallel_loop3A_556 = arith.mulf %parallel_loop3A_555, %parallel_loop3A_541 : vector<16xf32>
        %parallel_loop3A_557 = arith.constant 0.327511728 : f32
        %parallel_loop3A_558 = vector.broadcast %parallel_loop3A_557 : f32 to vector<16xf32>
        %parallel_loop3A_559 = arith.addf %parallel_loop3A_556, %parallel_loop3A_558 : vector<16xf32>
        %parallel_loop3A_560 = arith.mulf %parallel_loop3A_559, %parallel_loop3A_541 : vector<16xf32>
        %parallel_loop3A_561 = arith.constant -0.499333948 : f32
        %parallel_loop3A_562 = vector.broadcast %parallel_loop3A_561 : f32 to vector<16xf32>
        %parallel_loop3A_563 = arith.addf %parallel_loop3A_560, %parallel_loop3A_562 : vector<16xf32>
        %parallel_loop3A_564 = arith.mulf %parallel_loop3A_563, %parallel_loop3A_541 : vector<16xf32>
        %parallel_loop3A_565 = arith.constant 0.999970257 : f32
        %parallel_loop3A_566 = vector.broadcast %parallel_loop3A_565 : f32 to vector<16xf32>
        %parallel_loop3A_567 = arith.addf %parallel_loop3A_564, %parallel_loop3A_566 : vector<16xf32>
        %parallel_loop3A_568 = arith.mulf %parallel_loop3A_567, %parallel_loop3A_541 : vector<16xf32>
        %parallel_loop3A_569 = arith.constant 2.21597645E-7 : f32
        %parallel_loop3A_570 = vector.broadcast %parallel_loop3A_569 : f32 to vector<16xf32>
        %parallel_loop3A_571 = arith.addf %parallel_loop3A_568, %parallel_loop3A_570 : vector<16xf32>
        %parallel_loop3A_572 = arith.constant 0.000000e+00 : f32
        %parallel_loop3A_573 = vector.broadcast %parallel_loop3A_572 : f32 to vector<16xf32>
        %parallel_loop3A_574 = arith.maximumf %parallel_loop3A_536, %parallel_loop3A_573 : vector<16xf32>
        %parallel_loop3A_575 = arith.addf %parallel_loop3A_574, %parallel_loop3A_571 : vector<16xf32>
        %parallel_loop3A_576 = arith.constant 1.000000e-03 : f32
        %parallel_loop3A_577 = vector.broadcast %parallel_loop3A_576 : f32 to vector<16xf32>
        %parallel_loop3A_578 = arith.addf %parallel_loop3A_577, %parallel_loop3A_575 : vector<16xf32>
        %parallel_loop3A_579 = arith.select %parallel_loop3A_489, %parallel_loop3A_360, %parallel_loop3A_356 : vector<16xi1>, vector<16xf32>
        %parallel_loop3A_580 = arith.select %parallel_loop3A_490, %parallel_loop3A_364, %parallel_loop3A_579 : vector<16xi1>, vector<16xf32>
        %parallel_loop3A_581 = arith.select %parallel_loop3A_491, %parallel_loop3A_368, %parallel_loop3A_580 : vector<16xi1>, vector<16xf32>
        %parallel_loop3A_582 = arith.select %parallel_loop3A_492, %parallel_loop3A_372, %parallel_loop3A_581 : vector<16xi1>, vector<16xf32>
        %parallel_loop3A_583 = arith.select %parallel_loop3A_493, %parallel_loop3A_376, %parallel_loop3A_582 : vector<16xi1>, vector<16xf32>
        %parallel_loop3A_584 = arith.select %parallel_loop3A_494, %parallel_loop3A_380, %parallel_loop3A_583 : vector<16xi1>, vector<16xf32>
        %parallel_loop3A_585 = arith.select %parallel_loop3A_495, %parallel_loop3A_384, %parallel_loop3A_584 : vector<16xi1>, vector<16xf32>
        %parallel_loop3A_586 = math.absf %parallel_loop3A_585 : vector<16xf32>
        %parallel_loop3A_587 = arith.constant 0.000000e+00 : f32
        %parallel_loop3A_588 = vector.broadcast %parallel_loop3A_587 : f32 to vector<16xf32>
        %parallel_loop3A_589 = arith.subf %parallel_loop3A_588, %parallel_loop3A_586 : vector<16xf32>
        %parallel_loop3A_590 = math.exp %parallel_loop3A_589 : vector<16xf32>
        %parallel_loop3A_591 = arith.constant 0.0102438284 : f32
        %parallel_loop3A_592 = vector.broadcast %parallel_loop3A_591 : f32 to vector<16xf32>
        %parallel_loop3A_593 = arith.mulf %parallel_loop3A_592, %parallel_loop3A_590 : vector<16xf32>
        %parallel_loop3A_594 = arith.constant -0.0532674789 : f32
        %parallel_loop3A_595 = vector.broadcast %parallel_loop3A_594 : f32 to vector<16xf32>
        %parallel_loop3A_596 = arith.addf %parallel_loop3A_593, %parallel_loop3A_595 : vector<16xf32>
        %parallel_loop3A_597 = arith.mulf %parallel_loop3A_596, %parallel_loop3A_590 : vector<16xf32>
        %parallel_loop3A_598 = arith.constant 0.131989658 : f32
        %parallel_loop3A_599 = vector.broadcast %parallel_loop3A_598 : f32 to vector<16xf32>
        %parallel_loop3A_600 = arith.addf %parallel_loop3A_597, %parallel_loop3A_599 : vector<16xf32>
        %parallel_loop3A_601 = arith.mulf %parallel_loop3A_600, %parallel_loop3A_590 : vector<16xf32>
        %parallel_loop3A_602 = arith.constant -0.223966897 : f32
        %parallel_loop3A_603 = vector.broadcast %parallel_loop3A_602 : f32 to vector<16xf32>
        %parallel_loop3A_604 = arith.addf %parallel_loop3A_601, %parallel_loop3A_603 : vector<16xf32>
        %parallel_loop3A_605 = arith.mulf %parallel_loop3A_604, %parallel_loop3A_590 : vector<16xf32>
        %parallel_loop3A_606 = arith.constant 0.327511728 : f32
        %parallel_loop3A_607 = vector.broadcast %parallel_loop3A_606 : f32 to vector<16xf32>
        %parallel_loop3A_608 = arith.addf %parallel_loop3A_605, %parallel_loop3A_607 : vector<16xf32>
        %parallel_loop3A_609 = arith.mulf %parallel_loop3A_608, %parallel_loop3A_590 : vector<16xf32>
        %parallel_loop3A_610 = arith.constant -0.499333948 : f32
        %parallel_loop3A_611 = vector.broadcast %parallel_loop3A_610 : f32 to vector<16xf32>
        %parallel_loop3A_612 = arith.addf %parallel_loop3A_609, %parallel_loop3A_611 : vector<16xf32>
        %parallel_loop3A_613 = arith.mulf %parallel_loop3A_612, %parallel_loop3A_590 : vector<16xf32>
        %parallel_loop3A_614 = arith.constant 0.999970257 : f32
        %parallel_loop3A_615 = vector.broadcast %parallel_loop3A_614 : f32 to vector<16xf32>
        %parallel_loop3A_616 = arith.addf %parallel_loop3A_613, %parallel_loop3A_615 : vector<16xf32>
        %parallel_loop3A_617 = arith.mulf %parallel_loop3A_616, %parallel_loop3A_590 : vector<16xf32>
        %parallel_loop3A_618 = arith.constant 2.21597645E-7 : f32
        %parallel_loop3A_619 = vector.broadcast %parallel_loop3A_618 : f32 to vector<16xf32>
        %parallel_loop3A_620 = arith.addf %parallel_loop3A_617, %parallel_loop3A_619 : vector<16xf32>
        %parallel_loop3A_621 = arith.constant 0.000000e+00 : f32
        %parallel_loop3A_622 = vector.broadcast %parallel_loop3A_621 : f32 to vector<16xf32>
        %parallel_loop3A_623 = arith.maximumf %parallel_loop3A_585, %parallel_loop3A_622 : vector<16xf32>
        %parallel_loop3A_624 = arith.addf %parallel_loop3A_623, %parallel_loop3A_620 : vector<16xf32>
        %parallel_loop3A_625 = arith.constant 1.000000e-03 : f32
        %parallel_loop3A_626 = vector.broadcast %parallel_loop3A_625 : f32 to vector<16xf32>
        %parallel_loop3A_627 = arith.addf %parallel_loop3A_626, %parallel_loop3A_624 : vector<16xf32>
        %parallel_loop3A_628 = arith.constant 1.000000e+00 : f32
        %parallel_loop3A_629 = vector.broadcast %parallel_loop3A_628 : f32 to vector<16xf32>
        %parallel_loop3A_630 = arith.divf %parallel_loop3A_629, %parallel_loop3A_519 : vector<16xf32>
        %parallel_loop3A_631 = arith.subf %parallel_loop3A_268, %parallel_loop3A_502 : vector<16xf32>
        %parallel_loop3A_632 = arith.mulf %parallel_loop3A_631, %parallel_loop3A_630 : vector<16xf32>
        %parallel_loop3A_633 = arith.mulf %parallel_loop3A_529, %parallel_loop3A_630 : vector<16xf32>
        %parallel_loop3A_634 = arith.constant 1.000000e+00 : f32
        %parallel_loop3A_635 = vector.broadcast %parallel_loop3A_634 : f32 to vector<16xf32>
        %parallel_loop3A_636 = arith.subf %parallel_loop3A_635, %parallel_loop3A_632 : vector<16xf32>
        %parallel_loop3A_637 = arith.mulf %parallel_loop3A_632, %parallel_loop3A_636 : vector<16xf32>
        %parallel_loop3A_638 = arith.mulf %parallel_loop3A_632, %parallel_loop3A_632 : vector<16xf32>
        %parallel_loop3A_639 = arith.mulf %parallel_loop3A_633, %parallel_loop3A_638 : vector<16xf32>
        %parallel_loop3A_640 = arith.mulf %parallel_loop3A_578, %parallel_loop3A_637 : vector<16xf32>
        %parallel_loop3A_641 = arith.addf %parallel_loop3A_639, %parallel_loop3A_640 : vector<16xf32>
        %parallel_loop3A_642 = arith.mulf %parallel_loop3A_529, %parallel_loop3A_641 : vector<16xf32>
        %parallel_loop3A_643 = arith.subf %parallel_loop3A_627, %parallel_loop3A_633 : vector<16xf32>
        %parallel_loop3A_644 = arith.addf %parallel_loop3A_643, %parallel_loop3A_578 : vector<16xf32>
        %parallel_loop3A_645 = arith.subf %parallel_loop3A_644, %parallel_loop3A_633 : vector<16xf32>
        %parallel_loop3A_646 = arith.mulf %parallel_loop3A_645, %parallel_loop3A_637 : vector<16xf32>
        %parallel_loop3A_647 = arith.addf %parallel_loop3A_633, %parallel_loop3A_646 : vector<16xf32>
        %parallel_loop3A_648 = arith.constant 1.000000e+00 : f32
        %parallel_loop3A_649 = vector.broadcast %parallel_loop3A_648 : f32 to vector<16xf32>
        %parallel_loop3A_650 = arith.divf %parallel_loop3A_649, %parallel_loop3A_647 : vector<16xf32>
        %parallel_loop3A_651 = arith.mulf %parallel_loop3A_642, %parallel_loop3A_650 : vector<16xf32>
        %parallel_loop3A_652 = arith.addf %parallel_loop3A_509, %parallel_loop3A_651 : vector<16xf32>
        %parallel_loop3A_653 = arith.mulf %parallel_loop3A_633, %parallel_loop3A_633 : vector<16xf32>
        %parallel_loop3A_654 = arith.mulf %parallel_loop3A_627, %parallel_loop3A_638 : vector<16xf32>
        %parallel_loop3A_655 = arith.addf %parallel_loop3A_633, %parallel_loop3A_633 : vector<16xf32>
        %parallel_loop3A_656 = arith.mulf %parallel_loop3A_655, %parallel_loop3A_637 : vector<16xf32>
        %parallel_loop3A_657 = arith.addf %parallel_loop3A_654, %parallel_loop3A_656 : vector<16xf32>
        %parallel_loop3A_658 = arith.mulf %parallel_loop3A_578, %parallel_loop3A_636 : vector<16xf32>
        %parallel_loop3A_659 = arith.mulf %parallel_loop3A_658, %parallel_loop3A_636 : vector<16xf32>
        %parallel_loop3A_660 = arith.addf %parallel_loop3A_657, %parallel_loop3A_659 : vector<16xf32>
        %parallel_loop3A_661 = arith.mulf %parallel_loop3A_653, %parallel_loop3A_660 : vector<16xf32>
        %parallel_loop3A_662 = arith.mulf %parallel_loop3A_661, %parallel_loop3A_650 : vector<16xf32>
        %parallel_loop3A_663 = arith.mulf %parallel_loop3A_662, %parallel_loop3A_650 : vector<16xf32>
        %parallel_loop3A_664 = arith.mulf %parallel_loop3A_663, %parallel_loop3A_630 : vector<16xf32>
        %parallel_loop3A_665 = math.absf %parallel_loop3A_664 : vector<16xf32>
        %parallel_loop3A_666 = vector.bitcast %parallel_loop3A_665 : vector<16xf32> to vector<16xi32>
        %parallel_loop3A_667 = arith.constant 23 : i32
        %parallel_loop3A_668 = vector.broadcast %parallel_loop3A_667 : i32 to vector<16xi32>
        %parallel_loop3A_669 = arith.shrui %parallel_loop3A_666, %parallel_loop3A_668 : vector<16xi32>
        %parallel_loop3A_670 = arith.constant 127 : i32
        %parallel_loop3A_671 = vector.broadcast %parallel_loop3A_670 : i32 to vector<16xi32>
        %parallel_loop3A_672 = arith.subi %parallel_loop3A_669, %parallel_loop3A_671 : vector<16xi32>
        %parallel_loop3A_673 = arith.constant 8388607 : i32
        %parallel_loop3A_674 = vector.broadcast %parallel_loop3A_673 : i32 to vector<16xi32>
        %parallel_loop3A_675 = arith.andi %parallel_loop3A_666, %parallel_loop3A_674 : vector<16xi32>
        %parallel_loop3A_676 = arith.constant 1065353216 : i32
        %parallel_loop3A_677 = vector.broadcast %parallel_loop3A_676 : i32 to vector<16xi32>
        %parallel_loop3A_678 = arith.ori %parallel_loop3A_675, %parallel_loop3A_677 : vector<16xi32>
        %parallel_loop3A_679 = vector.bitcast %parallel_loop3A_678 : vector<16xi32> to vector<16xf32>
        %parallel_loop3A_680 = arith.constant 1.41421354 : f32
        %parallel_loop3A_681 = vector.broadcast %parallel_loop3A_680 : f32 to vector<16xf32>
        %parallel_loop3A_682 = arith.cmpf ogt, %parallel_loop3A_679, %parallel_loop3A_681 : vector<16xf32>
        %parallel_loop3A_683 = arith.constant 5.000000e-01 : f32
        %parallel_loop3A_684 = vector.broadcast %parallel_loop3A_683 : f32 to vector<16xf32>
        %parallel_loop3A_685 = arith.mulf %parallel_loop3A_679, %parallel_loop3A_684 : vector<16xf32>
        %parallel_loop3A_686 = arith.select %parallel_loop3A_682, %parallel_loop3A_685, %parallel_loop3A_679 : vector<16xi1>, vector<16xf32>
        %parallel_loop3A_687 = arith.constant 1 : i32
        %parallel_loop3A_688 = arith.constant 0 : i32
        %parallel_loop3A_689 = vector.broadcast %parallel_loop3A_687 : i32 to vector<16xi32>
        %parallel_loop3A_690 = vector.broadcast %parallel_loop3A_688 : i32 to vector<16xi32>
        %parallel_loop3A_691 = arith.select %parallel_loop3A_682, %parallel_loop3A_689, %parallel_loop3A_690 : vector<16xi1>, vector<16xi32>
        %parallel_loop3A_692 = arith.addi %parallel_loop3A_672, %parallel_loop3A_691 : vector<16xi32>
        %parallel_loop3A_693 = arith.constant 1.000000e+00 : f32
        %parallel_loop3A_694 = vector.broadcast %parallel_loop3A_693 : f32 to vector<16xf32>
        %parallel_loop3A_695 = arith.subf %parallel_loop3A_686, %parallel_loop3A_694 : vector<16xf32>
        %parallel_loop3A_696 = arith.mulf %parallel_loop3A_695, %parallel_loop3A_695 : vector<16xf32>
        %parallel_loop3A_697 = arith.constant 0.0703768358 : f32
        %parallel_loop3A_698 = vector.broadcast %parallel_loop3A_697 : f32 to vector<16xf32>
        %parallel_loop3A_699 = arith.mulf %parallel_loop3A_698, %parallel_loop3A_695 : vector<16xf32>
        %parallel_loop3A_700 = arith.constant -0.115146101 : f32
        %parallel_loop3A_701 = vector.broadcast %parallel_loop3A_700 : f32 to vector<16xf32>
        %parallel_loop3A_702 = arith.addf %parallel_loop3A_699, %parallel_loop3A_701 : vector<16xf32>
        %parallel_loop3A_703 = arith.mulf %parallel_loop3A_702, %parallel_loop3A_695 : vector<16xf32>
        %parallel_loop3A_704 = arith.constant 0.116769984 : f32
        %parallel_loop3A_705 = vector.broadcast %parallel_loop3A_704 : f32 to vector<16xf32>
        %parallel_loop3A_706 = arith.addf %parallel_loop3A_703, %parallel_loop3A_705 : vector<16xf32>
        %parallel_loop3A_707 = arith.mulf %parallel_loop3A_706, %parallel_loop3A_695 : vector<16xf32>
        %parallel_loop3A_708 = arith.constant -0.12420141 : f32
        %parallel_loop3A_709 = vector.broadcast %parallel_loop3A_708 : f32 to vector<16xf32>
        %parallel_loop3A_710 = arith.addf %parallel_loop3A_707, %parallel_loop3A_709 : vector<16xf32>
        %parallel_loop3A_711 = arith.mulf %parallel_loop3A_710, %parallel_loop3A_695 : vector<16xf32>
        %parallel_loop3A_712 = arith.constant 0.142493233 : f32
        %parallel_loop3A_713 = vector.broadcast %parallel_loop3A_712 : f32 to vector<16xf32>
        %parallel_loop3A_714 = arith.addf %parallel_loop3A_711, %parallel_loop3A_713 : vector<16xf32>
        %parallel_loop3A_715 = arith.mulf %parallel_loop3A_714, %parallel_loop3A_695 : vector<16xf32>
        %parallel_loop3A_716 = arith.constant -0.166680574 : f32
        %parallel_loop3A_717 = vector.broadcast %parallel_loop3A_716 : f32 to vector<16xf32>
        %parallel_loop3A_718 = arith.addf %parallel_loop3A_715, %parallel_loop3A_717 : vector<16xf32>
        %parallel_loop3A_719 = arith.mulf %parallel_loop3A_718, %parallel_loop3A_695 : vector<16xf32>
        %parallel_loop3A_720 = arith.constant 0.200007141 : f32
        %parallel_loop3A_721 = vector.broadcast %parallel_loop3A_720 : f32 to vector<16xf32>
        %parallel_loop3A_722 = arith.addf %parallel_loop3A_719, %parallel_loop3A_721 : vector<16xf32>
        %parallel_loop3A_723 = arith.mulf %parallel_loop3A_722, %parallel_loop3A_695 : vector<16xf32>
        %parallel_loop3A_724 = arith.constant -0.24999994 : f32
        %parallel_loop3A_725 = vector.broadcast %parallel_loop3A_724 : f32 to vector<16xf32>
        %parallel_loop3A_726 = arith.addf %parallel_loop3A_723, %parallel_loop3A_725 : vector<16xf32>
        %parallel_loop3A_727 = arith.mulf %parallel_loop3A_726, %parallel_loop3A_695 : vector<16xf32>
        %parallel_loop3A_728 = arith.constant 0.333333313 : f32
        %parallel_loop3A_729 = vector.broadcast %parallel_loop3A_728 : f32 to vector<16xf32>
        %parallel_loop3A_730 = arith.addf %parallel_loop3A_727, %parallel_loop3A_729 : vector<16xf32>
        %parallel_loop3A_731 = arith.mulf %parallel_loop3A_695, %parallel_loop3A_696 : vector<16xf32>
        %parallel_loop3A_732 = arith.mulf %parallel_loop3A_731, %parallel_loop3A_730 : vector<16xf32>
        %parallel_loop3A_733 = arith.constant 5.000000e-01 : f32
        %parallel_loop3A_734 = vector.broadcast %parallel_loop3A_733 : f32 to vector<16xf32>
        %parallel_loop3A_735 = arith.mulf %parallel_loop3A_734, %parallel_loop3A_696 : vector<16xf32>
        %parallel_loop3A_736 = arith.subf %parallel_loop3A_732, %parallel_loop3A_735 : vector<16xf32>
        %parallel_loop3A_737 = arith.addf %parallel_loop3A_695, %parallel_loop3A_736 : vector<16xf32>
        %parallel_loop3A_738 = arith.sitofp %parallel_loop3A_692 : vector<16xi32> to vector<16xf32>
        %parallel_loop3A_739 = arith.constant 0.693147182 : f32
        %parallel_loop3A_740 = vector.broadcast %parallel_loop3A_739 : f32 to vector<16xf32>
        %parallel_loop3A_741 = arith.mulf %parallel_loop3A_738, %parallel_loop3A_740 : vector<16xf32>
        %parallel_loop3A_742 = arith.addf %parallel_loop3A_737, %parallel_loop3A_741 : vector<16xf32>
        %parallel_loop3A_743 = arith.constant -3.000000e+00 : f32
        %parallel_loop3A_744 = vector.broadcast %parallel_loop3A_743 : f32 to vector<16xf32>
        %parallel_loop3A_745 = arith.cmpf ole, %parallel_loop3A_268, %parallel_loop3A_744 : vector<16xf32>
        %parallel_loop3A_746 = arith.constant 3.000000e+00 : f32
        %parallel_loop3A_747 = vector.broadcast %parallel_loop3A_746 : f32 to vector<16xf32>
        %parallel_loop3A_748 = arith.cmpf oge, %parallel_loop3A_268, %parallel_loop3A_747 : vector<16xf32>
        %parallel_loop3A_749 = arith.ori %parallel_loop3A_745, %parallel_loop3A_748 : vector<16xi1>
        %parallel_loop3A_750 = arith.select %parallel_loop3A_749, %parallel_loop3A_268, %parallel_loop3A_652 : vector<16xi1>, vector<16xf32>
        %parallel_loop3A_751 = arith.index_cast %parallel_loop3A_266 : i32 to index
        %parallel_loop3A_752 = tpu.vector_load %arg12[%parallel_loop3A_751] {strides = array<i32>} : memref<256xf32, #tpu.memory_space<vmem>>, vector<16xf32>,
        tpu.vector_store %arg12[%parallel_loop3A_751], %parallel_loop3A_750 {strides = array<i32>} : memref<256xf32, #tpu.memory_space<vmem>>, vector<16xf32>,
        %parallel_loop3A_753 = arith.index_cast %parallel_loop3A_264 : i32 to index
        %parallel_loop3A_754 = tpu.vector_load %arg13[%parallel_loop3A_753] {strides = array<i32>} : memref<128xf32, #tpu.memory_space<vmem>>, vector<16xf32>,
        %parallel_loop3A_755 = arith.constant 0.000000e+00 : f32
        %parallel_loop3A_756 = vector.broadcast %parallel_loop3A_755 : f32 to vector<16xf32>
        %parallel_loop3A_757 = arith.select %parallel_loop3A_749, %parallel_loop3A_756, %parallel_loop3A_742 : vector<16xi1>, vector<16xf32>
        %parallel_loop3A_758 = arith.addf %parallel_loop3A_754, %parallel_loop3A_757 : vector<16xf32>
        %parallel_loop3A_759 = arith.index_cast %parallel_loop3A_264 : i32 to index
        %parallel_loop3A_760 = tpu.vector_load %arg13[%parallel_loop3A_759] {strides = array<i32>} : memref<128xf32, #tpu.memory_space<vmem>>, vector<16xf32>,
        tpu.vector_store %arg13[%parallel_loop3A_759], %parallel_loop3A_758 {strides = array<i32>} : memref<128xf32, #tpu.memory_space<vmem>>, vector<16xf32>,
      } {sc.loop_unroll_factor = 1 : i64, sc.parallel_access}
      %dma_start3A_246 = arith.constant 128 : i32
      %dma_start3A_247 = tpu.memref_slice %arg12[%dma_start3A_246] : memref<256xf32, #tpu.memory_space<vmem>> -> memref<128xf32, #tpu.memory_space<vmem>>
      %dma_start3A_248 = tpu.memref_slice %arg6[%add3A_193, %multiple_of3A] : memref<64x4096xf32, #tpu.memory_space<hbm>> -> memref<1x128xf32, #tpu.memory_space<hbm>>
      %dma_start3A_249 = tpu.memref_squeeze %dma_start3A_248 : memref<1x128xf32, #tpu.memory_space<hbm>> -> memref<128xf32, #tpu.memory_space<hbm>>
      %dma_start3A_250 = tpu.memref_slice %arg6[%add3A_193, %multiple_of3A] : memref<64x4096xf32, #tpu.memory_space<hbm>> -> memref<1x128xf32, #tpu.memory_space<hbm>>
      %dma_start3A_251 = tpu.memref_squeeze %dma_start3A_250 : memref<1x128xf32, #tpu.memory_space<hbm>> -> memref<128xf32, #tpu.memory_space<hbm>>
      %dma_start3A_252 = arith.constant 128 : i32
      %dma_start3A_253 = tpu.memref_slice %arg12[%dma_start3A_252] : memref<256xf32, #tpu.memory_space<vmem>> -> memref<128xf32, #tpu.memory_space<vmem>>
      tpu.enqueue_dma source(%dma_start3A_253 : memref<128xf32, #tpu.memory_space<vmem>>) target(%dma_start3A_251 : memref<128xf32, #tpu.memory_space<hbm>>) target_semaphore(%arg17 : memref<!tpu.dma_semaphore, #tpu.memory_space<semaphore_mem>>)
      %add3A_254 = arith.constant 2 : i32
      %add3A_255 = arith.addi %add3A_193, %add3A_254 : i32
      %lt3A_256 = arith.constant 64 : i32
      %lt3A_257 = arith.cmpi slt, %add3A_255, %lt3A_256 : i32
      %convert_element_type3A_258 = arith.extui %lt3A_257 : i1 to i32
      %cond3A_259 = arith.constant 0 : i32
      %cond3A_260 = arith.cmpi ne, %convert_element_type3A_258, %cond3A_259 : i32
      scf.if %cond3A_260 {
        %add3A_262 = arith.constant 2 : i32
        %add3A_263 = arith.addi %add3A_193, %add3A_262 : i32
        %dma_start3A_264 = arith.constant 128 : i32
        %dma_start3A_265 = tpu.memref_slice %arg8[%dma_start3A_264] : memref<256xf32, #tpu.memory_space<vmem>> -> memref<128xf32, #tpu.memory_space<vmem>>
        %dma_start3A_266 = tpu.memref_slice %arg2[%add3A_263, %multiple_of3A] : memref<64x16384xf32, #tpu.memory_space<hbm>> -> memref<1x128xf32, #tpu.memory_space<hbm>>
        %dma_start3A_267 = tpu.memref_squeeze %dma_start3A_266 : memref<1x128xf32, #tpu.memory_space<hbm>> -> memref<128xf32, #tpu.memory_space<hbm>>
        %dma_start3A_268 = arith.constant 128 : i32
        %dma_start3A_269 = tpu.memref_slice %arg8[%dma_start3A_268] : memref<256xf32, #tpu.memory_space<vmem>> -> memref<128xf32, #tpu.memory_space<vmem>>
        %dma_start3A_270 = tpu.memref_slice %arg2[%add3A_263, %multiple_of3A] : memref<64x16384xf32, #tpu.memory_space<hbm>> -> memref<1x128xf32, #tpu.memory_space<hbm>>
        %dma_start3A_271 = tpu.memref_squeeze %dma_start3A_270 : memref<1x128xf32, #tpu.memory_space<hbm>> -> memref<128xf32, #tpu.memory_space<hbm>>
        tpu.enqueue_dma source(%dma_start3A_271 : memref<128xf32, #tpu.memory_space<hbm>>) target(%dma_start3A_269 : memref<128xf32, #tpu.memory_space<vmem>>) target_semaphore(%arg15 : memref<!tpu.dma_semaphore, #tpu.memory_space<semaphore_mem>>)
        %dma_start3A_272 = arith.constant 0 : i32
        %dma_start3A_273 = arith.constant 128 : i32
        %dma_start3A_274 = tpu.memref_slice %arg9[%dma_start3A_272, %dma_start3A_273] : memref<8x256xf32, #tpu.memory_space<vmem>> -> memref<8x128xf32, #tpu.memory_space<vmem>>
        %dma_start3A_275 = arith.constant 0 : i32
        %dma_start3A_276 = tpu.memref_slice %arg3[%add3A_263, %dma_start3A_275, %multiple_of3A] : memref<64x8x16384xf32, #tpu.memory_space<hbm>> -> memref<1x8x128xf32, #tpu.memory_space<hbm>>
        %dma_start3A_277 = tpu.memref_squeeze %dma_start3A_276 : memref<1x8x128xf32, #tpu.memory_space<hbm>> -> memref<8x128xf32, #tpu.memory_space<hbm>>
        %dma_start3A_278 = arith.constant 0 : i32
        %dma_start3A_279 = arith.constant 128 : i32
        %dma_start3A_280 = tpu.memref_slice %arg9[%dma_start3A_278, %dma_start3A_279] : memref<8x256xf32, #tpu.memory_space<vmem>> -> memref<8x128xf32, #tpu.memory_space<vmem>>
        %dma_start3A_281 = arith.constant 0 : i32
        %dma_start3A_282 = tpu.memref_slice %arg3[%add3A_263, %dma_start3A_281, %multiple_of3A] : memref<64x8x16384xf32, #tpu.memory_space<hbm>> -> memref<1x8x128xf32, #tpu.memory_space<hbm>>
        %dma_start3A_283 = tpu.memref_squeeze %dma_start3A_282 : memref<1x8x128xf32, #tpu.memory_space<hbm>> -> memref<8x128xf32, #tpu.memory_space<hbm>>
        tpu.enqueue_dma source(%dma_start3A_283 : memref<8x128xf32, #tpu.memory_space<hbm>>) target(%dma_start3A_280 : memref<8x128xf32, #tpu.memory_space<vmem>>) target_semaphore(%arg15 : memref<!tpu.dma_semaphore, #tpu.memory_space<semaphore_mem>>)
        %dma_start3A_284 = arith.constant 0 : i32
        %dma_start3A_285 = arith.constant 128 : i32
        %dma_start3A_286 = tpu.memref_slice %arg10[%dma_start3A_284, %dma_start3A_285] : memref<8x256xf32, #tpu.memory_space<vmem>> -> memref<8x128xf32, #tpu.memory_space<vmem>>
        %dma_start3A_287 = arith.constant 0 : i32
        %dma_start3A_288 = tpu.memref_slice %arg4[%add3A_263, %dma_start3A_287, %multiple_of3A] : memref<64x8x16384xf32, #tpu.memory_space<hbm>> -> memref<1x8x128xf32, #tpu.memory_space<hbm>>
        %dma_start3A_289 = tpu.memref_squeeze %dma_start3A_288 : memref<1x8x128xf32, #tpu.memory_space<hbm>> -> memref<8x128xf32, #tpu.memory_space<hbm>>
        %dma_start3A_290 = arith.constant 0 : i32
        %dma_start3A_291 = arith.constant 128 : i32
        %dma_start3A_292 = tpu.memref_slice %arg10[%dma_start3A_290, %dma_start3A_291] : memref<8x256xf32, #tpu.memory_space<vmem>> -> memref<8x128xf32, #tpu.memory_space<vmem>>
        %dma_start3A_293 = arith.constant 0 : i32
        %dma_start3A_294 = tpu.memref_slice %arg4[%add3A_263, %dma_start3A_293, %multiple_of3A] : memref<64x8x16384xf32, #tpu.memory_space<hbm>> -> memref<1x8x128xf32, #tpu.memory_space<hbm>>
        %dma_start3A_295 = tpu.memref_squeeze %dma_start3A_294 : memref<1x8x128xf32, #tpu.memory_space<hbm>> -> memref<8x128xf32, #tpu.memory_space<hbm>>
        tpu.enqueue_dma source(%dma_start3A_295 : memref<8x128xf32, #tpu.memory_space<hbm>>) target(%dma_start3A_292 : memref<8x128xf32, #tpu.memory_space<vmem>>) target_semaphore(%arg15 : memref<!tpu.dma_semaphore, #tpu.memory_space<semaphore_mem>>)
        %dma_start3A_296 = arith.constant 0 : i32
        %dma_start3A_297 = arith.constant 128 : i32
        %dma_start3A_298 = tpu.memref_slice %arg11[%dma_start3A_296, %dma_start3A_297] : memref<9x256xf32, #tpu.memory_space<vmem>> -> memref<9x128xf32, #tpu.memory_space<vmem>>
        %dma_start3A_299 = arith.constant 0 : i32
        %dma_start3A_300 = tpu.memref_slice %arg5[%dma_start3A_299, %add3A_263, %multiple_of3A] : memref<9x64x16384xf32, #tpu.memory_space<hbm>> -> memref<9x1x128xf32, #tpu.memory_space<hbm>>
        %dma_start3A_301 = tpu.memref_squeeze %dma_start3A_300 : memref<9x1x128xf32, #tpu.memory_space<hbm>> -> memref<9x128xf32, #tpu.memory_space<hbm>>
        %dma_start3A_302 = arith.constant 0 : i32
        %dma_start3A_303 = arith.constant 128 : i32
        %dma_start3A_304 = tpu.memref_slice %arg11[%dma_start3A_302, %dma_start3A_303] : memref<9x256xf32, #tpu.memory_space<vmem>> -> memref<9x128xf32, #tpu.memory_space<vmem>>
        %dma_start3A_305 = arith.constant 0 : i32
        %dma_start3A_306 = tpu.memref_slice %arg5[%dma_start3A_305, %add3A_263, %multiple_of3A] : memref<9x64x16384xf32, #tpu.memory_space<hbm>> -> memref<9x1x128xf32, #tpu.memory_space<hbm>>
        %dma_start3A_307 = tpu.memref_squeeze %dma_start3A_306 : memref<9x1x128xf32, #tpu.memory_space<hbm>> -> memref<9x128xf32, #tpu.memory_space<hbm>>
        tpu.enqueue_dma source(%dma_start3A_307 : memref<9x128xf32, #tpu.memory_space<hbm>>) target(%dma_start3A_304 : memref<9x128xf32, #tpu.memory_space<vmem>>) target_semaphore(%arg15 : memref<!tpu.dma_semaphore, #tpu.memory_space<semaphore_mem>>)
      } else {
      }
      %scan3A_261 = arith.constant 0 : i32
      scf.yield %scan3A_261 : i32
    }
    %scan3A_105 = arith.constant 32 : i32
    %dma_wait3A = arith.constant 62 : i32
    %dma_wait3A_106 = arith.constant 0 : i32
    %dma_wait3A_107 = tpu.memref_slice %arg12[%dma_wait3A_106] : memref<256xf32, #tpu.memory_space<vmem>> -> memref<128xf32, #tpu.memory_space<vmem>>
    %dma_wait3A_108 = tpu.memref_slice %arg6[%dma_wait3A, %multiple_of3A] : memref<64x4096xf32, #tpu.memory_space<hbm>> -> memref<1x128xf32, #tpu.memory_space<hbm>>
    %dma_wait3A_109 = tpu.memref_squeeze %dma_wait3A_108 : memref<1x128xf32, #tpu.memory_space<hbm>> -> memref<128xf32, #tpu.memory_space<hbm>>
    %dma_wait3A_110 = tpu.memref_slice %arg6[%dma_wait3A, %multiple_of3A] : memref<64x4096xf32, #tpu.memory_space<hbm>> -> memref<1x128xf32, #tpu.memory_space<hbm>>
    %dma_wait3A_111 = tpu.memref_squeeze %dma_wait3A_110 : memref<1x128xf32, #tpu.memory_space<hbm>> -> memref<128xf32, #tpu.memory_space<hbm>>
    %dma_wait3A_112 = arith.constant 0 : i32
    %dma_wait3A_113 = tpu.memref_slice %arg12[%dma_wait3A_112] : memref<256xf32, #tpu.memory_space<vmem>> -> memref<128xf32, #tpu.memory_space<vmem>>
    tpu.wait_dma2 semaphore(%arg16 : memref<!tpu.dma_semaphore, #tpu.memory_space<semaphore_mem>>) src(%dma_wait3A_113 : memref<128xf32, #tpu.memory_space<vmem>>) dst(%dma_wait3A_111 : memref<128xf32, #tpu.memory_space<hbm>>)
    %dma_wait3A_114 = arith.constant 63 : i32
    %dma_wait3A_115 = arith.constant 128 : i32
    %dma_wait3A_116 = tpu.memref_slice %arg12[%dma_wait3A_115] : memref<256xf32, #tpu.memory_space<vmem>> -> memref<128xf32, #tpu.memory_space<vmem>>
    %dma_wait3A_117 = tpu.memref_slice %arg6[%dma_wait3A_114, %multiple_of3A] : memref<64x4096xf32, #tpu.memory_space<hbm>> -> memref<1x128xf32, #tpu.memory_space<hbm>>
    %dma_wait3A_118 = tpu.memref_squeeze %dma_wait3A_117 : memref<1x128xf32, #tpu.memory_space<hbm>> -> memref<128xf32, #tpu.memory_space<hbm>>
    %dma_wait3A_119 = tpu.memref_slice %arg6[%dma_wait3A_114, %multiple_of3A] : memref<64x4096xf32, #tpu.memory_space<hbm>> -> memref<1x128xf32, #tpu.memory_space<hbm>>
    %dma_wait3A_120 = tpu.memref_squeeze %dma_wait3A_119 : memref<1x128xf32, #tpu.memory_space<hbm>> -> memref<128xf32, #tpu.memory_space<hbm>>
    %dma_wait3A_121 = arith.constant 128 : i32
    %dma_wait3A_122 = tpu.memref_slice %arg12[%dma_wait3A_121] : memref<256xf32, #tpu.memory_space<vmem>> -> memref<128xf32, #tpu.memory_space<vmem>>
    tpu.wait_dma2 semaphore(%arg17 : memref<!tpu.dma_semaphore, #tpu.memory_space<semaphore_mem>>) src(%dma_wait3A_122 : memref<128xf32, #tpu.memory_space<vmem>>) dst(%dma_wait3A_120 : memref<128xf32, #tpu.memory_space<hbm>>)
    "tpu.region"() ({
      %run_scoped3A = tpu.sem_alloc : memref<!tpu.dma_semaphore, #tpu.memory_space<semaphore_mem>>
      %dma_start3A_123 = tpu.memref_slice %arg7[%multiple_of3A] : memref<4096xf32, #tpu.memory_space<hbm>> -> memref<128xf32, #tpu.memory_space<hbm>>
      %dma_start3A_124 = tpu.memref_slice %arg7[%multiple_of3A] : memref<4096xf32, #tpu.memory_space<hbm>> -> memref<128xf32, #tpu.memory_space<hbm>>
      tpu.enqueue_dma source(%arg13 : memref<128xf32, #tpu.memory_space<vmem>>) target(%dma_start3A_124 : memref<128xf32, #tpu.memory_space<hbm>>) target_semaphore(%run_scoped3A : memref<!tpu.dma_semaphore, #tpu.memory_space<semaphore_mem>>)
      %dma_wait3A_125 = tpu.memref_slice %arg7[%multiple_of3A] : memref<4096xf32, #tpu.memory_space<hbm>> -> memref<128xf32, #tpu.memory_space<hbm>>
      %dma_wait3A_126 = tpu.memref_slice %arg7[%multiple_of3A] : memref<4096xf32, #tpu.memory_space<hbm>> -> memref<128xf32, #tpu.memory_space<hbm>>
      tpu.wait_dma2 semaphore(%run_scoped3A : memref<!tpu.dma_semaphore, #tpu.memory_space<semaphore_mem>>) src(%arg13 : memref<128xf32, #tpu.memory_space<vmem>>) dst(%dma_wait3A_126 : memref<128xf32, #tpu.memory_space<hbm>>)
      tpu.yield
    }) : () -> ()
    return
  }
}

module attributes {stable_mosaic.version = 14 : i64} {
  func.func @_tc_body(%arg0: i32, %arg1: memref<64x1024xf32, #tpu.memory_space<vmem>>, %arg2: memref<64x8x1024xf32, #tpu.memory_space<vmem>>, %arg3: memref<64x8x1024xf32, #tpu.memory_space<vmem>>, %arg4: memref<9x64x1024xf32, #tpu.memory_space<vmem>>, %arg5: memref<64x1024xf32, #tpu.memory_space<vmem>>, %arg6: memref<1024xf32, #tpu.memory_space<vmem>>) attributes {dimension_semantics = [#tpu.dimension_semantics<arbitrary>], iteration_bounds = array<i64: 12>, scalar_prefetch = 0 : i64, scratch_operands = 0 : i64, tpu.core_type = #tpu.core_type<tc>, window_params = [{transform_indices = @transform_0, window_bounds = array<i64: 64, 1024>}, {transform_indices = @transform_1, window_bounds = array<i64: 64, 8, 1024>}, {transform_indices = @transform_2, window_bounds = array<i64: 64, 8, 1024>}, {transform_indices = @transform_3, window_bounds = array<i64: 9, 64, 1024>}, {transform_indices = @transform_4, window_bounds = array<i64: 64, 1024>}, {transform_indices = @transform_5, window_bounds = array<i64: 1024>}]} {
    %get3A = arith.constant 0 : index
    %get3A_0 = arith.constant 0 : index
    %get3A_1 = vector.load %arg1[%get3A, %get3A_0] : memref<64x1024xf32, #tpu.memory_space<vmem>>, vector<64x1024xf32>
    %get3A_2 = arith.constant 0 : index
    %get3A_3 = arith.constant 0 : index
    %get3A_4 = arith.constant 0 : index
    %get3A_5 = vector.load %arg2[%get3A_2, %get3A_3, %get3A_4] : memref<64x8x1024xf32, #tpu.memory_space<vmem>>, vector<64x1x1024xf32>
    %get3A_6 = vector.shape_cast %get3A_5 : vector<64x1x1024xf32> to vector<64x1024xf32>
    %exp3A = math.exp %get3A_6 : vector<64x1024xf32>
    %get3A_7 = arith.constant 0 : index
    %get3A_8 = arith.constant 1 : index
    %get3A_9 = arith.constant 0 : index
    %get3A_10 = vector.load %arg2[%get3A_7, %get3A_8, %get3A_9] : memref<64x8x1024xf32, #tpu.memory_space<vmem>>, vector<64x1x1024xf32>
    %get3A_11 = vector.shape_cast %get3A_10 : vector<64x1x1024xf32> to vector<64x1024xf32>
    %exp3A_12 = math.exp %get3A_11 : vector<64x1024xf32>
    %get3A_13 = arith.constant 0 : index
    %get3A_14 = arith.constant 2 : index
    %get3A_15 = arith.constant 0 : index
    %get3A_16 = vector.load %arg2[%get3A_13, %get3A_14, %get3A_15] : memref<64x8x1024xf32, #tpu.memory_space<vmem>>, vector<64x1x1024xf32>
    %get3A_17 = vector.shape_cast %get3A_16 : vector<64x1x1024xf32> to vector<64x1024xf32>
    %exp3A_18 = math.exp %get3A_17 : vector<64x1024xf32>
    %get3A_19 = arith.constant 0 : index
    %get3A_20 = arith.constant 3 : index
    %get3A_21 = arith.constant 0 : index
    %get3A_22 = vector.load %arg2[%get3A_19, %get3A_20, %get3A_21] : memref<64x8x1024xf32, #tpu.memory_space<vmem>>, vector<64x1x1024xf32>
    %get3A_23 = vector.shape_cast %get3A_22 : vector<64x1x1024xf32> to vector<64x1024xf32>
    %exp3A_24 = math.exp %get3A_23 : vector<64x1024xf32>
    %get3A_25 = arith.constant 0 : index
    %get3A_26 = arith.constant 4 : index
    %get3A_27 = arith.constant 0 : index
    %get3A_28 = vector.load %arg2[%get3A_25, %get3A_26, %get3A_27] : memref<64x8x1024xf32, #tpu.memory_space<vmem>>, vector<64x1x1024xf32>
    %get3A_29 = vector.shape_cast %get3A_28 : vector<64x1x1024xf32> to vector<64x1024xf32>
    %exp3A_30 = math.exp %get3A_29 : vector<64x1024xf32>
    %get3A_31 = arith.constant 0 : index
    %get3A_32 = arith.constant 5 : index
    %get3A_33 = arith.constant 0 : index
    %get3A_34 = vector.load %arg2[%get3A_31, %get3A_32, %get3A_33] : memref<64x8x1024xf32, #tpu.memory_space<vmem>>, vector<64x1x1024xf32>
    %get3A_35 = vector.shape_cast %get3A_34 : vector<64x1x1024xf32> to vector<64x1024xf32>
    %exp3A_36 = math.exp %get3A_35 : vector<64x1024xf32>
    %get3A_37 = arith.constant 0 : index
    %get3A_38 = arith.constant 6 : index
    %get3A_39 = arith.constant 0 : index
    %get3A_40 = vector.load %arg2[%get3A_37, %get3A_38, %get3A_39] : memref<64x8x1024xf32, #tpu.memory_space<vmem>>, vector<64x1x1024xf32>
    %get3A_41 = vector.shape_cast %get3A_40 : vector<64x1x1024xf32> to vector<64x1024xf32>
    %exp3A_42 = math.exp %get3A_41 : vector<64x1024xf32>
    %get3A_43 = arith.constant 0 : index
    %get3A_44 = arith.constant 7 : index
    %get3A_45 = arith.constant 0 : index
    %get3A_46 = vector.load %arg2[%get3A_43, %get3A_44, %get3A_45] : memref<64x8x1024xf32, #tpu.memory_space<vmem>>, vector<64x1x1024xf32>
    %get3A_47 = vector.shape_cast %get3A_46 : vector<64x1x1024xf32> to vector<64x1024xf32>
    %exp3A_48 = math.exp %get3A_47 : vector<64x1024xf32>
    %get3A_49 = arith.constant 0 : index
    %get3A_50 = arith.constant 0 : index
    %get3A_51 = arith.constant 0 : index
    %get3A_52 = vector.load %arg3[%get3A_49, %get3A_50, %get3A_51] : memref<64x8x1024xf32, #tpu.memory_space<vmem>>, vector<64x1x1024xf32>
    %get3A_53 = vector.shape_cast %get3A_52 : vector<64x1x1024xf32> to vector<64x1024xf32>
    %exp3A_54 = math.exp %get3A_53 : vector<64x1024xf32>
    %get3A_55 = arith.constant 0 : index
    %get3A_56 = arith.constant 1 : index
    %get3A_57 = arith.constant 0 : index
    %get3A_58 = vector.load %arg3[%get3A_55, %get3A_56, %get3A_57] : memref<64x8x1024xf32, #tpu.memory_space<vmem>>, vector<64x1x1024xf32>
    %get3A_59 = vector.shape_cast %get3A_58 : vector<64x1x1024xf32> to vector<64x1024xf32>
    %exp3A_60 = math.exp %get3A_59 : vector<64x1024xf32>
    %get3A_61 = arith.constant 0 : index
    %get3A_62 = arith.constant 2 : index
    %get3A_63 = arith.constant 0 : index
    %get3A_64 = vector.load %arg3[%get3A_61, %get3A_62, %get3A_63] : memref<64x8x1024xf32, #tpu.memory_space<vmem>>, vector<64x1x1024xf32>
    %get3A_65 = vector.shape_cast %get3A_64 : vector<64x1x1024xf32> to vector<64x1024xf32>
    %exp3A_66 = math.exp %get3A_65 : vector<64x1024xf32>
    %get3A_67 = arith.constant 0 : index
    %get3A_68 = arith.constant 3 : index
    %get3A_69 = arith.constant 0 : index
    %get3A_70 = vector.load %arg3[%get3A_67, %get3A_68, %get3A_69] : memref<64x8x1024xf32, #tpu.memory_space<vmem>>, vector<64x1x1024xf32>
    %get3A_71 = vector.shape_cast %get3A_70 : vector<64x1x1024xf32> to vector<64x1024xf32>
    %exp3A_72 = math.exp %get3A_71 : vector<64x1024xf32>
    %get3A_73 = arith.constant 0 : index
    %get3A_74 = arith.constant 4 : index
    %get3A_75 = arith.constant 0 : index
    %get3A_76 = vector.load %arg3[%get3A_73, %get3A_74, %get3A_75] : memref<64x8x1024xf32, #tpu.memory_space<vmem>>, vector<64x1x1024xf32>
    %get3A_77 = vector.shape_cast %get3A_76 : vector<64x1x1024xf32> to vector<64x1024xf32>
    %exp3A_78 = math.exp %get3A_77 : vector<64x1024xf32>
    %get3A_79 = arith.constant 0 : index
    %get3A_80 = arith.constant 5 : index
    %get3A_81 = arith.constant 0 : index
    %get3A_82 = vector.load %arg3[%get3A_79, %get3A_80, %get3A_81] : memref<64x8x1024xf32, #tpu.memory_space<vmem>>, vector<64x1x1024xf32>
    %get3A_83 = vector.shape_cast %get3A_82 : vector<64x1x1024xf32> to vector<64x1024xf32>
    %exp3A_84 = math.exp %get3A_83 : vector<64x1024xf32>
    %get3A_85 = arith.constant 0 : index
    %get3A_86 = arith.constant 6 : index
    %get3A_87 = arith.constant 0 : index
    %get3A_88 = vector.load %arg3[%get3A_85, %get3A_86, %get3A_87] : memref<64x8x1024xf32, #tpu.memory_space<vmem>>, vector<64x1x1024xf32>
    %get3A_89 = vector.shape_cast %get3A_88 : vector<64x1x1024xf32> to vector<64x1024xf32>
    %exp3A_90 = math.exp %get3A_89 : vector<64x1024xf32>
    %get3A_91 = arith.constant 0 : index
    %get3A_92 = arith.constant 7 : index
    %get3A_93 = arith.constant 0 : index
    %get3A_94 = vector.load %arg3[%get3A_91, %get3A_92, %get3A_93] : memref<64x8x1024xf32, #tpu.memory_space<vmem>>, vector<64x1x1024xf32>
    %get3A_95 = vector.shape_cast %get3A_94 : vector<64x1x1024xf32> to vector<64x1024xf32>
    %exp3A_96 = math.exp %get3A_95 : vector<64x1024xf32>
    %get3A_97 = arith.constant 0 : index
    %get3A_98 = arith.constant 0 : index
    %get3A_99 = arith.constant 0 : index
    %get3A_100 = vector.load %arg4[%get3A_97, %get3A_98, %get3A_99] : memref<9x64x1024xf32, #tpu.memory_space<vmem>>, vector<1x64x1024xf32>
    %get3A_101 = vector.shape_cast %get3A_100 : vector<1x64x1024xf32> to vector<64x1024xf32>
    %get3A_102 = arith.constant 1 : index
    %get3A_103 = arith.constant 0 : index
    %get3A_104 = arith.constant 0 : index
    %get3A_105 = vector.load %arg4[%get3A_102, %get3A_103, %get3A_104] : memref<9x64x1024xf32, #tpu.memory_space<vmem>>, vector<1x64x1024xf32>
    %get3A_106 = vector.shape_cast %get3A_105 : vector<1x64x1024xf32> to vector<64x1024xf32>
    %get3A_107 = arith.constant 2 : index
    %get3A_108 = arith.constant 0 : index
    %get3A_109 = arith.constant 0 : index
    %get3A_110 = vector.load %arg4[%get3A_107, %get3A_108, %get3A_109] : memref<9x64x1024xf32, #tpu.memory_space<vmem>>, vector<1x64x1024xf32>
    %get3A_111 = vector.shape_cast %get3A_110 : vector<1x64x1024xf32> to vector<64x1024xf32>
    %get3A_112 = arith.constant 3 : index
    %get3A_113 = arith.constant 0 : index
    %get3A_114 = arith.constant 0 : index
    %get3A_115 = vector.load %arg4[%get3A_112, %get3A_113, %get3A_114] : memref<9x64x1024xf32, #tpu.memory_space<vmem>>, vector<1x64x1024xf32>
    %get3A_116 = vector.shape_cast %get3A_115 : vector<1x64x1024xf32> to vector<64x1024xf32>
    %get3A_117 = arith.constant 4 : index
    %get3A_118 = arith.constant 0 : index
    %get3A_119 = arith.constant 0 : index
    %get3A_120 = vector.load %arg4[%get3A_117, %get3A_118, %get3A_119] : memref<9x64x1024xf32, #tpu.memory_space<vmem>>, vector<1x64x1024xf32>
    %get3A_121 = vector.shape_cast %get3A_120 : vector<1x64x1024xf32> to vector<64x1024xf32>
    %get3A_122 = arith.constant 5 : index
    %get3A_123 = arith.constant 0 : index
    %get3A_124 = arith.constant 0 : index
    %get3A_125 = vector.load %arg4[%get3A_122, %get3A_123, %get3A_124] : memref<9x64x1024xf32, #tpu.memory_space<vmem>>, vector<1x64x1024xf32>
    %get3A_126 = vector.shape_cast %get3A_125 : vector<1x64x1024xf32> to vector<64x1024xf32>
    %get3A_127 = arith.constant 6 : index
    %get3A_128 = arith.constant 0 : index
    %get3A_129 = arith.constant 0 : index
    %get3A_130 = vector.load %arg4[%get3A_127, %get3A_128, %get3A_129] : memref<9x64x1024xf32, #tpu.memory_space<vmem>>, vector<1x64x1024xf32>
    %get3A_131 = vector.shape_cast %get3A_130 : vector<1x64x1024xf32> to vector<64x1024xf32>
    %get3A_132 = arith.constant 7 : index
    %get3A_133 = arith.constant 0 : index
    %get3A_134 = arith.constant 0 : index
    %get3A_135 = vector.load %arg4[%get3A_132, %get3A_133, %get3A_134] : memref<9x64x1024xf32, #tpu.memory_space<vmem>>, vector<1x64x1024xf32>
    %get3A_136 = vector.shape_cast %get3A_135 : vector<1x64x1024xf32> to vector<64x1024xf32>
    %get3A_137 = arith.constant 8 : index
    %get3A_138 = arith.constant 0 : index
    %get3A_139 = arith.constant 0 : index
    %get3A_140 = vector.load %arg4[%get3A_137, %get3A_138, %get3A_139] : memref<9x64x1024xf32, #tpu.memory_space<vmem>>, vector<1x64x1024xf32>
    %get3A_141 = vector.shape_cast %get3A_140 : vector<1x64x1024xf32> to vector<64x1024xf32>
    %add3A = arith.addf %exp3A, %exp3A_12 : vector<64x1024xf32>
    %add3A_142 = arith.addf %add3A, %exp3A_18 : vector<64x1024xf32>
    %add3A_143 = arith.addf %add3A_142, %exp3A_24 : vector<64x1024xf32>
    %add3A_144 = arith.addf %add3A_143, %exp3A_30 : vector<64x1024xf32>
    %add3A_145 = arith.addf %add3A_144, %exp3A_36 : vector<64x1024xf32>
    %add3A_146 = arith.addf %add3A_145, %exp3A_42 : vector<64x1024xf32>
    %add3A_147 = arith.addf %add3A_146, %exp3A_48 : vector<64x1024xf32>
    %div3A = arith.constant 5.992000e+00 : f32
    %div3A_148 = vector.broadcast %div3A : f32 to vector<64x1024xf32>
    %div3A_149 = arith.divf %div3A_148, %add3A_147 : vector<64x1024xf32>
    %mul3A = arith.mulf %exp3A, %div3A_149 : vector<64x1024xf32>
    %mul3A_150 = arith.mulf %exp3A_12, %div3A_149 : vector<64x1024xf32>
    %mul3A_151 = arith.mulf %exp3A_18, %div3A_149 : vector<64x1024xf32>
    %mul3A_152 = arith.mulf %exp3A_24, %div3A_149 : vector<64x1024xf32>
    %mul3A_153 = arith.mulf %exp3A_30, %div3A_149 : vector<64x1024xf32>
    %mul3A_154 = arith.mulf %exp3A_36, %div3A_149 : vector<64x1024xf32>
    %mul3A_155 = arith.mulf %exp3A_42, %div3A_149 : vector<64x1024xf32>
    %mul3A_156 = arith.mulf %exp3A_48, %div3A_149 : vector<64x1024xf32>
    %broadcast_in_dim3A = arith.constant -3.000000e+00 : f32
    %broadcast_in_dim3A_157 = vector.broadcast %broadcast_in_dim3A : f32 to vector<64x1024xf32>
    %add3A_158 = arith.constant 1.000000e-03 : f32
    %add3A_159 = vector.broadcast %add3A_158 : f32 to vector<64x1024xf32>
    %add3A_160 = arith.addf %add3A_159, %mul3A : vector<64x1024xf32>
    %add3A_161 = arith.addf %broadcast_in_dim3A_157, %add3A_160 : vector<64x1024xf32>
    %add3A_162 = arith.constant 1.000000e-03 : f32
    %add3A_163 = vector.broadcast %add3A_162 : f32 to vector<64x1024xf32>
    %add3A_164 = arith.addf %add3A_163, %mul3A_150 : vector<64x1024xf32>
    %add3A_165 = arith.addf %add3A_161, %add3A_164 : vector<64x1024xf32>
    %add3A_166 = arith.constant 1.000000e-03 : f32
    %add3A_167 = vector.broadcast %add3A_166 : f32 to vector<64x1024xf32>
    %add3A_168 = arith.addf %add3A_167, %mul3A_151 : vector<64x1024xf32>
    %add3A_169 = arith.addf %add3A_165, %add3A_168 : vector<64x1024xf32>
    %add3A_170 = arith.constant 1.000000e-03 : f32
    %add3A_171 = vector.broadcast %add3A_170 : f32 to vector<64x1024xf32>
    %add3A_172 = arith.addf %add3A_171, %mul3A_152 : vector<64x1024xf32>
    %add3A_173 = arith.addf %add3A_169, %add3A_172 : vector<64x1024xf32>
    %add3A_174 = arith.constant 1.000000e-03 : f32
    %add3A_175 = vector.broadcast %add3A_174 : f32 to vector<64x1024xf32>
    %add3A_176 = arith.addf %add3A_175, %mul3A_153 : vector<64x1024xf32>
    %add3A_177 = arith.addf %add3A_173, %add3A_176 : vector<64x1024xf32>
    %add3A_178 = arith.constant 1.000000e-03 : f32
    %add3A_179 = vector.broadcast %add3A_178 : f32 to vector<64x1024xf32>
    %add3A_180 = arith.addf %add3A_179, %mul3A_154 : vector<64x1024xf32>
    %add3A_181 = arith.addf %add3A_177, %add3A_180 : vector<64x1024xf32>
    %add3A_182 = arith.constant 1.000000e-03 : f32
    %add3A_183 = vector.broadcast %add3A_182 : f32 to vector<64x1024xf32>
    %add3A_184 = arith.addf %add3A_183, %mul3A_155 : vector<64x1024xf32>
    %add3A_185 = arith.addf %add3A_181, %add3A_184 : vector<64x1024xf32>
    %add3A_186 = arith.addf %exp3A_54, %exp3A_60 : vector<64x1024xf32>
    %add3A_187 = arith.addf %add3A_186, %exp3A_66 : vector<64x1024xf32>
    %add3A_188 = arith.addf %add3A_187, %exp3A_72 : vector<64x1024xf32>
    %add3A_189 = arith.addf %add3A_188, %exp3A_78 : vector<64x1024xf32>
    %add3A_190 = arith.addf %add3A_189, %exp3A_84 : vector<64x1024xf32>
    %add3A_191 = arith.addf %add3A_190, %exp3A_90 : vector<64x1024xf32>
    %add3A_192 = arith.addf %add3A_191, %exp3A_96 : vector<64x1024xf32>
    %div3A_193 = arith.constant 5.992000e+00 : f32
    %div3A_194 = vector.broadcast %div3A_193 : f32 to vector<64x1024xf32>
    %div3A_195 = arith.divf %div3A_194, %add3A_192 : vector<64x1024xf32>
    %mul3A_196 = arith.mulf %exp3A_54, %div3A_195 : vector<64x1024xf32>
    %mul3A_197 = arith.mulf %exp3A_60, %div3A_195 : vector<64x1024xf32>
    %mul3A_198 = arith.mulf %exp3A_66, %div3A_195 : vector<64x1024xf32>
    %mul3A_199 = arith.mulf %exp3A_72, %div3A_195 : vector<64x1024xf32>
    %mul3A_200 = arith.mulf %exp3A_78, %div3A_195 : vector<64x1024xf32>
    %mul3A_201 = arith.mulf %exp3A_84, %div3A_195 : vector<64x1024xf32>
    %mul3A_202 = arith.mulf %exp3A_90, %div3A_195 : vector<64x1024xf32>
    %mul3A_203 = arith.mulf %exp3A_96, %div3A_195 : vector<64x1024xf32>
    %broadcast_in_dim3A_204 = arith.constant -3.000000e+00 : f32
    %broadcast_in_dim3A_205 = vector.broadcast %broadcast_in_dim3A_204 : f32 to vector<64x1024xf32>
    %add3A_206 = arith.constant 1.000000e-03 : f32
    %add3A_207 = vector.broadcast %add3A_206 : f32 to vector<64x1024xf32>
    %add3A_208 = arith.addf %add3A_207, %mul3A_196 : vector<64x1024xf32>
    %add3A_209 = arith.addf %broadcast_in_dim3A_205, %add3A_208 : vector<64x1024xf32>
    %add3A_210 = arith.constant 1.000000e-03 : f32
    %add3A_211 = vector.broadcast %add3A_210 : f32 to vector<64x1024xf32>
    %add3A_212 = arith.addf %add3A_211, %mul3A_197 : vector<64x1024xf32>
    %add3A_213 = arith.addf %add3A_209, %add3A_212 : vector<64x1024xf32>
    %add3A_214 = arith.constant 1.000000e-03 : f32
    %add3A_215 = vector.broadcast %add3A_214 : f32 to vector<64x1024xf32>
    %add3A_216 = arith.addf %add3A_215, %mul3A_198 : vector<64x1024xf32>
    %add3A_217 = arith.addf %add3A_213, %add3A_216 : vector<64x1024xf32>
    %add3A_218 = arith.constant 1.000000e-03 : f32
    %add3A_219 = vector.broadcast %add3A_218 : f32 to vector<64x1024xf32>
    %add3A_220 = arith.addf %add3A_219, %mul3A_199 : vector<64x1024xf32>
    %add3A_221 = arith.addf %add3A_217, %add3A_220 : vector<64x1024xf32>
    %add3A_222 = arith.constant 1.000000e-03 : f32
    %add3A_223 = vector.broadcast %add3A_222 : f32 to vector<64x1024xf32>
    %add3A_224 = arith.addf %add3A_223, %mul3A_200 : vector<64x1024xf32>
    %add3A_225 = arith.addf %add3A_221, %add3A_224 : vector<64x1024xf32>
    %add3A_226 = arith.constant 1.000000e-03 : f32
    %add3A_227 = vector.broadcast %add3A_226 : f32 to vector<64x1024xf32>
    %add3A_228 = arith.addf %add3A_227, %mul3A_201 : vector<64x1024xf32>
    %add3A_229 = arith.addf %add3A_225, %add3A_228 : vector<64x1024xf32>
    %add3A_230 = arith.constant 1.000000e-03 : f32
    %add3A_231 = vector.broadcast %add3A_230 : f32 to vector<64x1024xf32>
    %add3A_232 = arith.addf %add3A_231, %mul3A_202 : vector<64x1024xf32>
    %add3A_233 = arith.addf %add3A_229, %add3A_232 : vector<64x1024xf32>
    %le3A = arith.cmpf ole, %add3A_161, %get3A_1 : vector<64x1024xf32>
    %le3A_234 = arith.cmpf ole, %add3A_165, %get3A_1 : vector<64x1024xf32>
    %le3A_235 = arith.cmpf ole, %add3A_169, %get3A_1 : vector<64x1024xf32>
    %le3A_236 = arith.cmpf ole, %add3A_173, %get3A_1 : vector<64x1024xf32>
    %le3A_237 = arith.cmpf ole, %add3A_177, %get3A_1 : vector<64x1024xf32>
    %le3A_238 = arith.cmpf ole, %add3A_181, %get3A_1 : vector<64x1024xf32>
    %le3A_239 = arith.cmpf ole, %add3A_185, %get3A_1 : vector<64x1024xf32>
    %select_n3A = arith.select %le3A, %add3A_161, %broadcast_in_dim3A_157 : vector<64x1024xi1>, vector<64x1024xf32>
    %select_n3A_240 = arith.select %le3A_234, %add3A_165, %select_n3A : vector<64x1024xi1>, vector<64x1024xf32>
    %select_n3A_241 = arith.select %le3A_235, %add3A_169, %select_n3A_240 : vector<64x1024xi1>, vector<64x1024xf32>
    %select_n3A_242 = arith.select %le3A_236, %add3A_173, %select_n3A_241 : vector<64x1024xi1>, vector<64x1024xf32>
    %select_n3A_243 = arith.select %le3A_237, %add3A_177, %select_n3A_242 : vector<64x1024xi1>, vector<64x1024xf32>
    %select_n3A_244 = arith.select %le3A_238, %add3A_181, %select_n3A_243 : vector<64x1024xi1>, vector<64x1024xf32>
    %select_n3A_245 = arith.select %le3A_239, %add3A_185, %select_n3A_244 : vector<64x1024xi1>, vector<64x1024xf32>
    %select_n3A_246 = arith.select %le3A, %add3A_209, %broadcast_in_dim3A_205 : vector<64x1024xi1>, vector<64x1024xf32>
    %select_n3A_247 = arith.select %le3A_234, %add3A_213, %select_n3A_246 : vector<64x1024xi1>, vector<64x1024xf32>
    %select_n3A_248 = arith.select %le3A_235, %add3A_217, %select_n3A_247 : vector<64x1024xi1>, vector<64x1024xf32>
    %select_n3A_249 = arith.select %le3A_236, %add3A_221, %select_n3A_248 : vector<64x1024xi1>, vector<64x1024xf32>
    %select_n3A_250 = arith.select %le3A_237, %add3A_225, %select_n3A_249 : vector<64x1024xi1>, vector<64x1024xf32>
    %select_n3A_251 = arith.select %le3A_238, %add3A_229, %select_n3A_250 : vector<64x1024xi1>, vector<64x1024xf32>
    %select_n3A_252 = arith.select %le3A_239, %add3A_233, %select_n3A_251 : vector<64x1024xi1>, vector<64x1024xf32>
    %select_n3A_253 = arith.select %le3A, %mul3A_150, %mul3A : vector<64x1024xi1>, vector<64x1024xf32>
    %select_n3A_254 = arith.select %le3A_234, %mul3A_151, %select_n3A_253 : vector<64x1024xi1>, vector<64x1024xf32>
    %select_n3A_255 = arith.select %le3A_235, %mul3A_152, %select_n3A_254 : vector<64x1024xi1>, vector<64x1024xf32>
    %select_n3A_256 = arith.select %le3A_236, %mul3A_153, %select_n3A_255 : vector<64x1024xi1>, vector<64x1024xf32>
    %select_n3A_257 = arith.select %le3A_237, %mul3A_154, %select_n3A_256 : vector<64x1024xi1>, vector<64x1024xf32>
    %select_n3A_258 = arith.select %le3A_238, %mul3A_155, %select_n3A_257 : vector<64x1024xi1>, vector<64x1024xf32>
    %select_n3A_259 = arith.select %le3A_239, %mul3A_156, %select_n3A_258 : vector<64x1024xi1>, vector<64x1024xf32>
    %add3A_260 = arith.constant 1.000000e-03 : f32
    %add3A_261 = vector.broadcast %add3A_260 : f32 to vector<64x1024xf32>
    %add3A_262 = arith.addf %add3A_261, %select_n3A_259 : vector<64x1024xf32>
    %select_n3A_263 = arith.select %le3A, %mul3A_197, %mul3A_196 : vector<64x1024xi1>, vector<64x1024xf32>
    %select_n3A_264 = arith.select %le3A_234, %mul3A_198, %select_n3A_263 : vector<64x1024xi1>, vector<64x1024xf32>
    %select_n3A_265 = arith.select %le3A_235, %mul3A_199, %select_n3A_264 : vector<64x1024xi1>, vector<64x1024xf32>
    %select_n3A_266 = arith.select %le3A_236, %mul3A_200, %select_n3A_265 : vector<64x1024xi1>, vector<64x1024xf32>
    %select_n3A_267 = arith.select %le3A_237, %mul3A_201, %select_n3A_266 : vector<64x1024xi1>, vector<64x1024xf32>
    %select_n3A_268 = arith.select %le3A_238, %mul3A_202, %select_n3A_267 : vector<64x1024xi1>, vector<64x1024xf32>
    %select_n3A_269 = arith.select %le3A_239, %mul3A_203, %select_n3A_268 : vector<64x1024xi1>, vector<64x1024xf32>
    %add3A_270 = arith.constant 1.000000e-03 : f32
    %add3A_271 = vector.broadcast %add3A_270 : f32 to vector<64x1024xf32>
    %add3A_272 = arith.addf %add3A_271, %select_n3A_269 : vector<64x1024xf32>
    %select_n3A_273 = arith.select %le3A, %get3A_106, %get3A_101 : vector<64x1024xi1>, vector<64x1024xf32>
    %select_n3A_274 = arith.select %le3A_234, %get3A_111, %select_n3A_273 : vector<64x1024xi1>, vector<64x1024xf32>
    %select_n3A_275 = arith.select %le3A_235, %get3A_116, %select_n3A_274 : vector<64x1024xi1>, vector<64x1024xf32>
    %select_n3A_276 = arith.select %le3A_236, %get3A_121, %select_n3A_275 : vector<64x1024xi1>, vector<64x1024xf32>
    %select_n3A_277 = arith.select %le3A_237, %get3A_126, %select_n3A_276 : vector<64x1024xi1>, vector<64x1024xf32>
    %select_n3A_278 = arith.select %le3A_238, %get3A_131, %select_n3A_277 : vector<64x1024xi1>, vector<64x1024xf32>
    %select_n3A_279 = arith.select %le3A_239, %get3A_136, %select_n3A_278 : vector<64x1024xi1>, vector<64x1024xf32>
    %max3A = arith.constant 0.000000e+00 : f32
    %max3A_280 = vector.broadcast %max3A : f32 to vector<64x1024xf32>
    %max3A_281 = arith.maximumf %select_n3A_279, %max3A_280 : vector<64x1024xf32>
    %abs3A = math.absf %select_n3A_279 : vector<64x1024xf32>
    %neg3A = arith.constant 0.000000e+00 : f32
    %neg3A_282 = vector.broadcast %neg3A : f32 to vector<64x1024xf32>
    %neg3A_283 = arith.subf %neg3A_282, %abs3A : vector<64x1024xf32>
    %exp3A_284 = math.exp %neg3A_283 : vector<64x1024xf32>
    %log1p3A = math.log1p %exp3A_284 : vector<64x1024xf32>
    %add3A_285 = arith.addf %max3A_281, %log1p3A : vector<64x1024xf32>
    %add3A_286 = arith.constant 1.000000e-03 : f32
    %add3A_287 = vector.broadcast %add3A_286 : f32 to vector<64x1024xf32>
    %add3A_288 = arith.addf %add3A_287, %add3A_285 : vector<64x1024xf32>
    %select_n3A_289 = arith.select %le3A, %get3A_111, %get3A_106 : vector<64x1024xi1>, vector<64x1024xf32>
    %select_n3A_290 = arith.select %le3A_234, %get3A_116, %select_n3A_289 : vector<64x1024xi1>, vector<64x1024xf32>
    %select_n3A_291 = arith.select %le3A_235, %get3A_121, %select_n3A_290 : vector<64x1024xi1>, vector<64x1024xf32>
    %select_n3A_292 = arith.select %le3A_236, %get3A_126, %select_n3A_291 : vector<64x1024xi1>, vector<64x1024xf32>
    %select_n3A_293 = arith.select %le3A_237, %get3A_131, %select_n3A_292 : vector<64x1024xi1>, vector<64x1024xf32>
    %select_n3A_294 = arith.select %le3A_238, %get3A_136, %select_n3A_293 : vector<64x1024xi1>, vector<64x1024xf32>
    %select_n3A_295 = arith.select %le3A_239, %get3A_141, %select_n3A_294 : vector<64x1024xi1>, vector<64x1024xf32>
    %max3A_296 = arith.constant 0.000000e+00 : f32
    %max3A_297 = vector.broadcast %max3A_296 : f32 to vector<64x1024xf32>
    %max3A_298 = arith.maximumf %select_n3A_295, %max3A_297 : vector<64x1024xf32>
    %abs3A_299 = math.absf %select_n3A_295 : vector<64x1024xf32>
    %neg3A_300 = arith.constant 0.000000e+00 : f32
    %neg3A_301 = vector.broadcast %neg3A_300 : f32 to vector<64x1024xf32>
    %neg3A_302 = arith.subf %neg3A_301, %abs3A_299 : vector<64x1024xf32>
    %exp3A_303 = math.exp %neg3A_302 : vector<64x1024xf32>
    %log1p3A_304 = math.log1p %exp3A_303 : vector<64x1024xf32>
    %add3A_305 = arith.addf %max3A_298, %log1p3A_304 : vector<64x1024xf32>
    %add3A_306 = arith.constant 1.000000e-03 : f32
    %add3A_307 = vector.broadcast %add3A_306 : f32 to vector<64x1024xf32>
    %add3A_308 = arith.addf %add3A_307, %add3A_305 : vector<64x1024xf32>
    %div3A_309 = arith.constant 1.000000e+00 : f32
    %div3A_310 = vector.broadcast %div3A_309 : f32 to vector<64x1024xf32>
    %div3A_311 = arith.divf %div3A_310, %add3A_262 : vector<64x1024xf32>
    %sub3A = arith.subf %get3A_1, %select_n3A_245 : vector<64x1024xf32>
    %mul3A_312 = arith.mulf %sub3A, %div3A_311 : vector<64x1024xf32>
    %mul3A_313 = arith.mulf %add3A_272, %div3A_311 : vector<64x1024xf32>
    %sub3A_314 = arith.constant 1.000000e+00 : f32
    %sub3A_315 = vector.broadcast %sub3A_314 : f32 to vector<64x1024xf32>
    %sub3A_316 = arith.subf %sub3A_315, %mul3A_312 : vector<64x1024xf32>
    %mul3A_317 = arith.mulf %mul3A_312, %sub3A_316 : vector<64x1024xf32>
    %mul3A_318 = arith.mulf %mul3A_312, %mul3A_312 : vector<64x1024xf32>
    %mul3A_319 = arith.mulf %mul3A_313, %mul3A_318 : vector<64x1024xf32>
    %mul3A_320 = arith.mulf %add3A_288, %mul3A_317 : vector<64x1024xf32>
    %add3A_321 = arith.addf %mul3A_319, %mul3A_320 : vector<64x1024xf32>
    %mul3A_322 = arith.mulf %add3A_272, %add3A_321 : vector<64x1024xf32>
    %sub3A_323 = arith.subf %add3A_308, %mul3A_313 : vector<64x1024xf32>
    %add3A_324 = arith.addf %sub3A_323, %add3A_288 : vector<64x1024xf32>
    %sub3A_325 = arith.subf %add3A_324, %mul3A_313 : vector<64x1024xf32>
    %mul3A_326 = arith.mulf %sub3A_325, %mul3A_317 : vector<64x1024xf32>
    %add3A_327 = arith.addf %mul3A_313, %mul3A_326 : vector<64x1024xf32>
    %div3A_328 = arith.constant 1.000000e+00 : f32
    %div3A_329 = vector.broadcast %div3A_328 : f32 to vector<64x1024xf32>
    %div3A_330 = arith.divf %div3A_329, %add3A_327 : vector<64x1024xf32>
    %mul3A_331 = arith.mulf %mul3A_322, %div3A_330 : vector<64x1024xf32>
    %add3A_332 = arith.addf %select_n3A_252, %mul3A_331 : vector<64x1024xf32>
    %mul3A_333 = arith.mulf %mul3A_313, %mul3A_313 : vector<64x1024xf32>
    %mul3A_334 = arith.mulf %add3A_308, %mul3A_318 : vector<64x1024xf32>
    %add3A_335 = arith.addf %mul3A_313, %mul3A_313 : vector<64x1024xf32>
    %mul3A_336 = arith.mulf %add3A_335, %mul3A_317 : vector<64x1024xf32>
    %add3A_337 = arith.addf %mul3A_334, %mul3A_336 : vector<64x1024xf32>
    %mul3A_338 = arith.mulf %add3A_288, %sub3A_316 : vector<64x1024xf32>
    %mul3A_339 = arith.mulf %mul3A_338, %sub3A_316 : vector<64x1024xf32>
    %add3A_340 = arith.addf %add3A_337, %mul3A_339 : vector<64x1024xf32>
    %mul3A_341 = arith.mulf %mul3A_333, %add3A_340 : vector<64x1024xf32>
    %mul3A_342 = arith.mulf %mul3A_341, %div3A_330 : vector<64x1024xf32>
    %mul3A_343 = arith.mulf %mul3A_342, %div3A_330 : vector<64x1024xf32>
    %mul3A_344 = arith.mulf %mul3A_343, %div3A_311 : vector<64x1024xf32>
    %abs3A_345 = math.absf %mul3A_344 : vector<64x1024xf32>
    %log3A = math.log %abs3A_345 : vector<64x1024xf32>
    %le3A_346 = arith.constant -3.000000e+00 : f32
    %le3A_347 = vector.broadcast %le3A_346 : f32 to vector<64x1024xf32>
    %le3A_348 = arith.cmpf ole, %get3A_1, %le3A_347 : vector<64x1024xf32>
    %ge3A = arith.constant 3.000000e+00 : f32
    %ge3A_349 = vector.broadcast %ge3A : f32 to vector<64x1024xf32>
    %ge3A_350 = arith.cmpf oge, %get3A_1, %ge3A_349 : vector<64x1024xf32>
    %or3A = arith.ori %le3A_348, %ge3A_350 : vector<64x1024xi1>
    %select_n3A_351 = arith.select %or3A, %get3A_1, %add3A_332 : vector<64x1024xi1>, vector<64x1024xf32>
    %swap3A = arith.constant 0 : index
    %swap3A_352 = arith.constant 0 : index
    %swap3A_353 = vector.load %arg5[%swap3A, %swap3A_352] : memref<64x1024xf32, #tpu.memory_space<vmem>>, vector<64x1024xf32>
    tpu.vector_store %arg5[%swap3A, %swap3A_352], %select_n3A_351 {strides = array<i32>} : memref<64x1024xf32, #tpu.memory_space<vmem>>, vector<64x1024xf32>,
    %jit3A = arith.constant 0.000000e+00 : f32
    %broadcast_in_dim3A_354 = vector.broadcast %jit3A : f32 to vector<64x1024xf32>
    %select_n3A_355 = arith.select %or3A, %broadcast_in_dim3A_354, %log3A : vector<64x1024xi1>, vector<64x1024xf32>
    %reduce_sum3A = arith.constant dense<0.000000e+00> : vector<1024xf32>
    %reduce_sum3A_356 = vector.multi_reduction <add>, %select_n3A_355, %reduce_sum3A [0] : vector<64x1024xf32> to vector<1024xf32>
    %swap3A_357 = arith.constant 0 : index
    %swap3A_358 = vector.load %arg6[%swap3A_357] : memref<1024xf32, #tpu.memory_space<vmem>>, vector<1024xf32>
    tpu.vector_store %arg6[%swap3A_357], %reduce_sum3A_356 {strides = array<i32>} : memref<1024xf32, #tpu.memory_space<vmem>>, vector<1024xf32>,
    return
  }
  func.func @transform_0(%arg0: i32) -> (i32, i32) {
    %add3A = arith.constant 4 : i32
    %add3A_0 = arith.addi %add3A, %arg0 : i32
    %c0_i32 = arith.constant 0 : i32
    %c0_i32_1 = arith.constant 0 : i32
    return %c0_i32, %add3A_0 : i32, i32
  }
  func.func @transform_1(%arg0: i32) -> (i32, i32, i32) {
    %add3A = arith.constant 4 : i32
    %add3A_0 = arith.addi %add3A, %arg0 : i32
    %c0_i32 = arith.constant 0 : i32
    %c0_i32_1 = arith.constant 0 : i32
    %c0_i32_2 = arith.constant 0 : i32
    return %c0_i32, %c0_i32_1, %add3A_0 : i32, i32, i32
  }
  func.func @transform_2(%arg0: i32) -> (i32, i32, i32) {
    %add3A = arith.constant 4 : i32
    %add3A_0 = arith.addi %add3A, %arg0 : i32
    %c0_i32 = arith.constant 0 : i32
    %c0_i32_1 = arith.constant 0 : i32
    %c0_i32_2 = arith.constant 0 : i32
    return %c0_i32, %c0_i32_1, %add3A_0 : i32, i32, i32
  }
  func.func @transform_3(%arg0: i32) -> (i32, i32, i32) {
    %add3A = arith.constant 4 : i32
    %add3A_0 = arith.addi %add3A, %arg0 : i32
    %c0_i32 = arith.constant 0 : i32
    %c0_i32_1 = arith.constant 0 : i32
    %c0_i32_2 = arith.constant 0 : i32
    return %c0_i32, %c0_i32_1, %add3A_0 : i32, i32, i32
  }
  func.func @transform_4(%arg0: i32) -> (i32, i32) {
    %c0_i32 = arith.constant 0 : i32
    %c0_i32_0 = arith.constant 0 : i32
    return %c0_i32, %arg0 : i32, i32
  }
  func.func @transform_5(%arg0: i32) -> i32 {
    %c0_i32 = arith.constant 0 : i32
    return %arg0 : i32
  }
}

</mosaic_0001>

<sc_bundles>
// kernel: _run.4.cloned.1.call-start
scs
__scs_entry_jumppad:
0x0: {  	(pc) =	sbr.rel $0x88, $3  }
0x1: {  	(tag) =	ssettag $0x0;
	lr =	simm.s32 $0x1  }
0x2: {  	[smem:$0x3F9D] =	sst lr;
	_ =	strace $0xD0000000  }
0x3: {  	_ = 	snop  }
0x4: {  	_ = 	snop  }
0x5: {  	_ = 	snop  }
0x6: {  	_ = 	snop  }
0x7: {  	_ = 	snop  }
__scs_overlays_trampoline_lowered:
0x8: {  	[smem:$0x3FAC] =	sst s0  }
0x9: {  	[smem:$0x3FAD] =	sst s1  }
0xa: {  	[smem:$0x3FAE] =	sst s2  }
0xb: {  	[smem:$0x3FAF] =	sst s3  }
0xc: {  	[smem:$0x3FB0] =	sst s4  }
0xd: {  	[smem:$0x3FB1] =	sst s5  }
0xe: {  	[smem:$0x3FB2] =	sst s6  }
0xf: {  	[smem:$0x3FB3] =	sst s7  }
0x10: {  	[smem:$0x3FB4] =	sst s8  }
0x11: {  	[smem:$0x3FB5] =	sst s9;
	s0 =	simm.s32 @!p0 $0x0  }
0x12: {  	s1 =	sld [smem:$0x3F9B];
	s0 =	simm.s32 @p0 $0x1  }
0x13: {  	[smem:$0x3FB6] =	sst s0;
	s0 =	simm.s32 @!p1 $0x0  }
0x14: {  	s2 =	sld [smem:$0x3F9A];
	s0 =	simm.s32 @p1 $0x1  }
0x15: {  	[smem:$0x3FB7] =	sst s0;
	s0 =	simm.s32 @!p2 $0x0  }
0x16: {  	s3 =	sld [smem:$0x3FDB];
	s0 =	simm.s32 @p2 $0x1  }
0x17: {  	s4 =	simm.s32 $0x1BF5;
	[smem:$0x3FB9] =	sst s0  }
0x18: {  	s0 =	sld [smem:$0x3F9C];
	_ =	swait.ge [sflag:s4], $0x0  }
0x19: {  	s7 =	sld [smem:$0x3F9D]  }
0x1a: {  	s8 =	sadd.s32 $0xFFFFE003, lr  }
0x1b: {  	s9 =	sadd.s32 $0xFFFFFEF7, lr;
	s5 =	simm.s32 $0xFFFFFFFF;
	p2 =	slt.u32 s8, $0xFFFFF086  }
0x1c: {  	p1 =	slt.u32 s9, $0xF7A;
	s5 =	simm.s32 @!p2 $0x0  }
0x1d: {  	s5 =	simm.s32 @p1 $0x1;
	p0 =	seq.s32 s7, s2  }
0x1e: {  	s7 =	smul.u32 @!p0 $0xF7A, s2;
	p2 =	seq.s32 @!p0 s5, $0x0  }
0x1f: {  	s9 =	smul.u32 $0xF7A, s1;
	s8 =	simm.s32 @!p0 $0x1BF5;
	p2 =	por !p2, p0  }
0x20: {  	[sflag:s8] =	ssyncset.s32 @!p0 $0xFFFFF086;
	s6 =	sadd.s32 @!p0 s3, s7;
	s7 =	simm.s32 @!p0 $0x108  }
0x21: {  	s3 =	sadd.s32 s3, s9;
	s6 =	sadd.s32 @!p0 $0x88, s6;
	s7 =	simm.s32 @p2 $0x1082  }
0x22: {  	[simem:s7], [sflag:s8] =	dma.local @!p0 [hbm:s6], $0xF7A  }
0x23: {  	s9 =	sor.u32 $0xD0000000, s2;
	s6 =	simm.s32 $0x108;
	_ =	swait.ge @!p0 [sflag:s8], $0x0  }
0x24: {  	s3 =	sadd.s32 $0x88, s3;
	s6 =	simm.s32 @!p1 $0x1082;
	[sflag:s4] =	ssyncset.s32 $0xFFFFF086  }
0x25: {  	[simem:s6], [sflag:s4] =	dma.local [hbm:s3], $0xF7A  }
0x26: {  	[smem:$0x3F9D] =	sst s1;
	(tag) =	ssettag s2;
	_ =	strace s9  }
0x27: {  	s1 =	sld [smem:$0x3FAD]  }
0x28: {  	s2 =	sld [smem:$0x3FAE]  }
0x29: {  	s4 =	sld [smem:$0x3FB0]  }
0x2a: {  	p0 =	seq.s32 s5, $0x0;
	s5 =	sld [smem:$0x3FB1]  }
0x2b: {  	s6 =	sld [smem:$0x3FB2]  }
0x2c: {  	s7 =	sld [smem:$0x3FB3]  }
0x2d: {  	s3 =	simm.s32 $0x108;
	s8 =	sld [smem:$0x3FB4]  }
0x2e: {  	s3 =	simm.s32 @!p0 $0x1082;
	s9 =	sld [smem:$0x3FB5]  }
0x2f: {  	lr =	sadd.s32 s0, s3;
	s0 =	sld [smem:$0x3FAC]  }
0x30: {  	s3 =	sld [smem:$0x3FAF]  }
0x31: {  	[smem:$0x3FB8] =	sst s10  }
0x32: {  	s10 =	sld [smem:$0x3FB6];
	_ =	sdelay $0x3  }
0x33: {  	p0 =	seq.s32 s10, $0x1;
	s10 =	sld [smem:$0x3FB8];
	_ =	sdelay $0x3  }
0x34: {  	[smem:$0x3FB8] =	sst s10  }
0x35: {  	s10 =	sld [smem:$0x3FB7];
	_ =	sdelay $0x3  }
0x36: {  	p1 =	seq.s32 s10, $0x1;
	s10 =	sld [smem:$0x3FB8];
	_ =	sdelay $0x3  }
0x37: {  	[smem:$0x3FB8] =	sst s10  }
0x38: {  	s10 =	sld [smem:$0x3FB9]  }
0x39: {  	_ = 	snop;
	(pc) =	sbr.ind lr, $3  }
0x3a: {  	_ = 	snop  }
0x3b: {  	_ = 	snop  }
0x3c: {  	p2 =	seq.s32 s10, $0x1;
	s10 =	sld [smem:$0x3FB8]  }
0x3d: {  	_ =	shalt  }
0x3e: {  	_ =	shalt  }
0x3f: {  	_ =	shalt  }
0x40: {  	_ =	shalt  }
0x41: {  	_ =	shalt  }
0x42: {  	_ =	shalt  }
0x43: {  	_ =	shalt  }
0x44: {  	_ =	shalt  }
0x45: {  	_ =	shalt  }
0x46: {  	_ =	shalt  }
0x47: {  	_ =	shalt  }
0x48: {  	_ =	shalt  }
0x49: {  	_ =	shalt  }
0x4a: {  	_ =	shalt  }
0x4b: {  	_ =	shalt  }
0x4c: {  	_ =	shalt  }
0x4d: {  	_ =	shalt  }
0x4e: {  	_ =	shalt  }
0x4f: {  	_ =	shalt  }
0x50: {  	_ =	shalt  }
0x51: {  	_ =	shalt  }
0x52: {  	_ =	shalt  }
0x53: {  	_ =	shalt  }
0x54: {  	_ =	shalt  }
0x55: {  	_ =	shalt  }
0x56: {  	_ =	shalt  }
0x57: {  	_ =	shalt  }
0x58: {  	_ =	shalt  }
0x59: {  	_ =	shalt  }
0x5a: {  	_ =	shalt  }
0x5b: {  	_ =	shalt  }
0x5c: {  	_ =	shalt  }
0x5d: {  	_ =	shalt  }
0x5e: {  	_ =	shalt  }
0x5f: {  	_ =	shalt  }
0x60: {  	_ =	shalt  }
0x61: {  	_ =	shalt  }
0x62: {  	_ =	shalt  }
0x63: {  	_ =	shalt  }
0x64: {  	_ =	shalt  }
0x65: {  	_ =	shalt  }
0x66: {  	_ =	shalt  }
0x67: {  	_ =	shalt  }
0x68: {  	_ =	shalt  }
0x69: {  	_ =	shalt  }
0x6a: {  	_ =	shalt  }
0x6b: {  	_ =	shalt  }
0x6c: {  	_ =	shalt  }
0x6d: {  	_ =	shalt  }
0x6e: {  	_ =	shalt  }
0x6f: {  	_ =	shalt  }
0x70: {  	_ =	shalt  }
0x71: {  	_ =	shalt  }
0x72: {  	_ =	shalt  }
0x73: {  	_ =	shalt  }
0x74: {  	_ =	shalt  }
0x75: {  	_ =	shalt  }
0x76: {  	_ =	shalt  }
0x77: {  	_ =	shalt  }
0x78: {  	_ =	shalt  }
0x79: {  	_ =	shalt  }
0x7a: {  	_ =	shalt  }
0x7b: {  	_ =	shalt  }
0x7c: {  	_ =	shalt  }
0x7d: {  	_ =	shalt  }
0x7e: {  	_ =	shalt  }
0x7f: {  	_ =	shalt  }
0x80: {  	_ =	shalt  }
0x81: {  	_ =	shalt  }
0x82: {  	_ =	shalt  }
0x83: {  	_ =	shalt  }
0x84: {  	_ =	shalt  }
0x85: {  	_ =	shalt  }
0x86: {  	_ =	shalt  }
0x87: {  	_ =	shalt  }
.Lfunc_end0:
.L_simem_size_0:
called_computation_lowered:
.L_overlay_start_0:
0x88: {  	s2 =	sld [smem:$0x3FD9]  }
0x89: {  	s3 =	sld [smem:$0x3FFE];
	_ =	sdelay $0x1  }
0x8a: {  	s1 =	srdreg.scid  }
0x8b: {  	s0 =	sand.u32 $0x1, s1  }
0x8c: {  	s14 =	sshll.u32 s0, $0xA;
	s2 =	sadd.s32 s3, s2  }
0x8d: {  	s2 =	sadd.s32 s2, s14  }
0x8e: {  	[smem:$0x3FC4] =	sst s2  }
0x8f: {  	_ = 	snop  }
0x90: {  	s2 =	sld [smem:$0x3FC9]  }
0x91: {  	s15 =	sld [smem:$0x3FD0]  }
0x92: {  	s4 =	sld [smem:$0x3FC8]  }
0x93: {  	s5 =	sld [smem:$0x3FC7]  }
0x94: {  	s7 =	simm.s32 $0xA;
	s8 =	simm.s32 $0x10;
	s6 =	sld [smem:$0x3FC6]  }
0x95: {  	[smem:s8], [sflag:s7] =	dma.local [hbm:s15], $0x1  }
0x96: {  	_ =	swait.eq [sflag:s7], $0x1  }
0x97: {  	[sflag:s7] =	ssyncset.done $0x0  }
0x98: {  	[sflag:s7] =	ssyncadd.s32 $0xFFFFFFFF  }
0x99: {  	s16 =	sld [smem:$0x11];
	(tm) =	ssettm $0x1  }
0x9a: {  	s17 =	sld [smem:$0x3FFB];
	_ =	sdelay $0x3  }
0x9b: {  	_ =	strace s17  }
0x9c: {  	s7 =	sld [smem:$0x3FFC];
	_ =	sdelay $0x3  }
0x9d: {  	_ =	strace s7  }
0x9e: {  	s7 =	sld [smem:$0x3FFD];
	_ =	sdelay $0x3  }
0x9f: {  	_ =	strace s7  }
0xa0: {  	_ =	strace $0x8FFFFFFF  }
0xa1: {  	s18 =	sld [smem:$0x3FDB];
	_ =	sdelay $0x1  }
0xa2: {  	s19 =	simm.s32 $_scs_section_size  }
0xa3: {  	s9 =	simm.s32 $_size__tile_overlayer_lowered;
	s10 =	simm.s32 $_tile_overlayer_lowered  }
0xa4: {  	s22 =	simm.s32 $0x1BFF;
	s21 =	sshll.u32 s10, $0x1;
	s7 =	sadd.s32 s19, s18  }
0xa5: {  	s11 =	simm.s32 $0x0;
	s20 =	sshll.u32 s9, $0x1;
	s9 =	sadd.s32 s21, s7  }
0xa6: {  	[timem:s11], [sflag:s22] =	dma.local [hbm:s9], s20  }
0xa7: {  	_ =	swait.ge [sflag:s22], s20  }
0xa8: {  	s8 =	ssub.s32 $0x0, s20;
	[sflag:s22] =	ssyncset.done $0x0  }
0xa9: {  	[sflag:s22] =	ssyncadd.s32 s8;
	_ =	sdelay $0x1  }
0xaa: {  	s23 =	simm.s32 $0x1B8B  }
0xab: {  	_ =	swait.ge [sflag:s23], $0x1  }
0xac: {  	[sflag:s23] =	ssyncset.done $0x0  }
0xad: {  	s25 =	simm.s32 $0x1B8E;
	s24 =	sld [smem:$0x3FFE];
	[sflag:s23] =	ssyncadd.s32 $0xFFFFFFFF  }
0xae: {  	s26 =	simm.s32 $execute0_lowered;
	[smem:$0x3FD2] =	sst s25  }
0xaf: {  	s9 =	sshll.u32 s26, $0x1;
	_ =	strace $0x80000046;
	[dreg:$0x1] =	wrdreg $0xFFFFFFFF  }
0xb0: {  	s28 =	simm.s32 $_size_execute0_lowered;
	s7 =	sadd.s32 s7, s9;
	[dreg:$0x0] =	wrdreg $0x0  }
0xb1: {  	s9 =	sshll.u32 s28, $0x1;
	[dreg:$0x2] =	wrdreg s7  }
0xb2: {  	[dreg:$0x3] =	wrdreg s9  }
0xb3: {  	[dreg:$0x4] =	wrdreg $0xC0  }
0xb4: {  	_ =	task [dreg:s11], $0x5FFFF  }
0xb5: {  	[dreg:$0x1] =	wrdreg $0xFFFFFFFF  }
0xb6: {  	[dreg:$0x0] =	wrdreg $0x60  }
0xb7: {  	[dreg:$0x2] =	wrdreg s2  }
0xb8: {  	[dreg:$0x3] =	wrdreg s4  }
0xb9: {  	[dreg:$0x4] =	wrdreg s5  }
0xba: {  	[dreg:$0x5] =	wrdreg s6  }
0xbb: {  	[dreg:$0x6] =	wrdreg s24  }
0xbc: {  	[dreg:$0x7] =	wrdreg s16  }
0xbd: {  	[dreg:$0x8] =	wrdreg $0x9  }
0xbe: {  	_ =	task.clear_ibuf [dreg:s11], $0x9FFFF;
	_ =	strace $0x90000046  }
0xbf: {  	s29 =	simm.s32 $0x9;
	_ =	strace $0x80000048  }
0xc0: {  	_ =	swait.ge [sflag:s29], $0x1  }
0xc1: {  	[sflag:s29] =	ssyncadd.s32 $0xFFFFFFFF  }
0xc2: {  	_ =	strace $0x90000048  }
0xc3: {  	_ =	sfence  }
0xc4: {  	s30 =	sld [smem:$0x0];
	_ =	sdelay $0x2  }
0xc5: {  	s31 =	sshll.u32 s1, $0xD;
	s1 =	sshrl.u32 s1, $0x2  }
0xc6: {  	s3 =	sand.u32 $0x4000, s31;
	s1 =	sadd.s32 s1, s30  }
0xc7: {  	s0 =	sor.u32 s3, s0;
	s1 =	sshll.u32 s1, $0x11  }
0xc8: {  	s0 =	sor.u32 s1, s0  }
0xc9: {  	s0 =	sadd.s32 $0x8F2B, s0  }
0xca: {  	[sflag:s0] =	ssyncadd.remote.s32 $0x1  }
0xcb: {  	_ =	sfence.sel $0xFFFF  }
0xcc: {  	[dreg:$0x0] =	wrdreg $0xFFFFFFFF;
	(pc) =	sbr.abs _section_cstart, $3  }
0xcd: {  	[dreg:$0x1] =	wrdreg $0xFFFFFFFF  }
0xce: {  	_ =	task.clear_ibuf [dreg:s11], $0x2FFFF;
	_ =	strace $0x9FFFFFFF  }
0xcf: {  	(tm) =	ssettm $0x7FFFFFFF  }
tec
execute0_lowered:
.L_overlay_start_1:
0x0: {  	(tag) =	ssettag $0x1  }
0x1: {  	s1 =	rddreg [dreg:$0x0]  }
0x2: {  	s2 =	rddreg [dreg:$0x1]  }
0x3: {  	s3 =	rddreg [dreg:$0x2]  }
0x4: {  	s4 =	rddreg [dreg:$0x3]  }
0x5: {  	s0 =	rddreg [dreg:$0x4]  }
0x6: {  	s5 =	rddreg [dreg:$0x5]  }
0x7: {  	s6 =	simm.s32 $0x0;
	s7 =	srdreg.scid;
	s8 =	stileid.u32  }
0x8: {  	s28 =	simm.s32 $0x500;
	s29 =	simm.s32 $0xD00;
	s30 =	simm.s32 $0x1500  }
0x9: {  	s31 =	simm.s32 $0x1D00;
	[smem:$0x7FF] =	sst s6;
	s7 =	sand.u32 $0x1, s7  }
0xa: {  	s8 =	sshll.u32 s8, $0x1;
	_ =	strace $0x80000047;
	s9 =	ssub.s32 $0x2, s7  }
0xb: {  	s10 =	sor.u32 s7, s8;
	s7 =	sadd.s32 $0xE00, s0;
	s17 =	sshrl.u32 s9, $0x1  }
0xc: {  	s11 =	sshll.u32 s10, $0x7;
	s8 =	sshll.u32 s10, $0xA;
	s26 =	sshll.u32 s10, $0x4  }
0xd: {  	s10 =	simm.s32 $0x0;
	s0 =	ssub.s32 s9, s17;
	s18 =	sadd.s32 s1, s11  }
0xe: {  	s19 =	sadd.s32 s2, s11;
	s20 =	sadd.s32 s3, s11;
	[dreg:$0x7] =	wrdreg s18  }
0xf: {  	s12 =	sadd.s32 s4, s11;
	s22 =	sor.u32 $0x10, s11;
	[dreg:$0x8] =	wrdreg s19  }
0x10: {  	s11 =	sor.u32 $0x4000, s11;
	s5 =	sadd.s32 s5, s26;
	[dreg:$0x9] =	wrdreg s20  }
0x11: {  	s26 =	simm.s32 $0x4;
	s21 =	sadd.s32 $0x100000, s12;
	[dreg:$0xf] =	wrdreg s5  }
0x12: {  	s9 =	simm.s32 $0x5;
	s13 =	sadd.s32 s1, s22;
	[dreg:$0xa] =	wrdreg s21  }
0x13: {  	s23 =	sadd.s32 s2, s11;
	s16 =	sadd.s32 s4, s22;
	[dreg:$0xb] =	wrdreg s13  }
.Ltmp0:
0x14: {  	s24 =	sadd.s32 s3, s11;
	[dreg:$0xc] =	wrdreg s23;
	(pc) =	sbr.rel .LBB2_1-.Ltmp0, $4  }
0x15: {  	s0 =	smax.u32 s0, $0x1;
	s5 =	simm.s32 $0x2100;
	[dreg:$0xd] =	wrdreg s24  }
0x16: {  	s22 =	simm.s32 $0x2180;
	s25 =	sadd.s32 $0x100000, s16;
	[dreg:$0x10] =	wrdreg s0  }
0x17: {  	s23 =	simm.s32 $0x80;
	s24 =	simm.s32 $0x100000;
	s0 =	simm.s32 $0x1  }
0x18: {  	v0 =	vimm.f32 $0.0e+00;
	v1 =	vimm.s32 $0x0;
	s21 =	simm.s32 $0x2;
	[dreg:$0xe] =	wrdreg s25;
	s25 =	simm.s32 $0x3  }
.LBB2_10:
0x19: {  	_ =	swait.ge [sflag:s25], $0x80  }
0x1a: {  	[sflag:s25] =	ssyncset.done $0x0  }
0x1b: {  	[sflag:s25] =	ssyncadd.s32 $0xFFFFFF80  }
0x1c: {  	_ =	swait.ge [sflag:s26], $0x80  }
0x1d: {  	[sflag:s26] =	ssyncset.done $0x0  }
0x1e: {  	s13 =	simm.s32 $0x2200;
	s11 =	rddreg [dreg:$0xf];
	[sflag:s26] =	ssyncadd.s32 $0xFFFFFF80  }
0x1f: {  	[hbm4b:s11+s6] =	stream.linear.scatter [tilespmem:s13], [sflag:$0x5], $0x80, $0x38;
	[tilespmem:$0x2280] =	vst v63  }
0x20: {  	_ =	swait.ge [sflag:s9], $0x80  }
0x21: {  	s10 =	sadd.s32 $0x1, s10;
	s20 =	rddreg [dreg:$0x10]  }
0x22: {  	p0 =	sne.s32 s10, s20  }
.Ltmp1:
0x23: {  	_ = 	snop;
	(pc) =	sbr.rel @!p0 .LBB2_11-.Ltmp1, $3  }
0x24: {  	_ =	sdelay $0x1  }
0x25: {  	[sflag:s9] =	ssyncset.done $0x0  }
0x26: {  	[sflag:s9] =	ssyncadd.s32 $0xFFFFFF80  }
.LBB2_1:
0x27: {  	s11 =	simm.s32 $0x40;
	s13 =	simm.s32 $0x0  }
.LBB2_2:
0x28: {  	p0 =	sne.s32 s11, $0x1C0;
	[tilespmem:s13+$0x2200] =	vst v0;
	s13 =	smov.u32 s11;
	s11 =	sadd.s32 $0x40, s11  }
.Ltmp2:
0x29: {  	(pc) =	sbr.rel @p0 .LBB2_2-.Ltmp2, $2  }
0x2a: {  	_ =	sdelay $0x2  }
0x2b: {  	s13 =	sshra.s32 s13, $0x2  }
0x2c: {  	[tilespmem:s13+$0x2200] =	vst v0  }
0x2d: {  	s11 =	simm.s32 $0x0;
	s13 =	rddreg [dreg:$0x7]  }
0x2e: {  	[tilespmem:s11], [sflag:$0x1] =	stream.linear.gather [hbm4b:s13+s11], $0x80, $0x38;
	[tilespmem:$0x2280] =	vst v63  }
0x2f: {  	s14 =	simm.s32 $0x100;
	s17 =	rddreg [dreg:$0x8]  }
0x30: {  	[tilespmem:s14], [sflag:$0x1] =	stream.linear.gather [hbm4b:s17+s11], $0x400, $0x38;
	[tilespmem:$0x2280] =	vst v63  }
0x31: {  	s19 =	simm.s32 $0x900;
	s18 =	rddreg [dreg:$0x9]  }
0x32: {  	[tilespmem:s19], [sflag:$0x1] =	stream.linear.gather [hbm4b:s18+s11], $0x400, $0x38;
	[tilespmem:$0x2280] =	vst v63  }
0x33: {  	s20 =	simm.s32 $0x1100  }
0x34: {  	[tilespmem:s20], [sflag:$0x1] =	stream.strided.gather [hbm4b:s12+s23], $0x400, s24, s23, $0x38;
	[tilespmem:$0x2280] =	vst v63  }
0x35: {  	s15 =	simm.s32 $0x1900;
	s14 =	rddreg [dreg:$0xa]  }
0x36: {  	[tilespmem:s15], [sflag:$0x1] =	stream.linear.gather [hbm4b:s14+s11], $0x80, $0x38;
	[tilespmem:$0x2280] =	vst v63  }
0x37: {  	s17 =	rddreg [dreg:$0xb]  }
0x38: {  	[tilespmem:s23], [sflag:$0x2] =	stream.linear.gather [hbm4b:s17+s11], $0x80, $0x38;
	[tilespmem:$0x2280] =	vst v63  }
0x39: {  	s18 =	rddreg [dreg:$0xc]  }
0x3a: {  	[tilespmem:s28], [sflag:$0x2] =	stream.linear.gather [hbm4b:s18+s11], $0x400, $0x38;
	[tilespmem:$0x2280] =	vst v63  }
0x3b: {  	s19 =	rddreg [dreg:$0xd]  }
0x3c: {  	[tilespmem:s29], [sflag:$0x2] =	stream.linear.gather [hbm4b:s19+s11], $0x400, $0x38;
	[tilespmem:$0x2280] =	vst v63  }
0x3d: {  	_ = 	snop  }
0x3e: {  	[tilespmem:s30], [sflag:$0x2] =	stream.strided.gather [hbm4b:s16+s23], $0x400, s24, s23, $0x38;
	[tilespmem:$0x2280] =	vst v63  }
0x3f: {  	s20 =	rddreg [dreg:$0xe]  }
0x40: {  	[tilespmem:s31], [sflag:$0x2] =	stream.linear.gather [hbm4b:s20+s11], $0x80, $0x38;
	[tilespmem:$0x2280] =	vst v63  }
.LBB2_4:
0x41: {  	_ =	swait.ge [sflag:s0], $0x80  }
0x42: {  	[sflag:s0] =	ssyncset.done $0x0  }
0x43: {  	[sflag:s0] =	ssyncadd.s32 $0xFFFFFF80  }
0x44: {  	_ =	swait.ge [sflag:s0], $0x400  }
0x45: {  	[sflag:s0] =	ssyncset.done $0x0  }
0x46: {  	[sflag:s0] =	ssyncadd.s32 $0xFFFFFC00  }
0x47: {  	_ =	swait.ge [sflag:s0], $0x400  }
0x48: {  	[sflag:s0] =	ssyncset.done $0x0  }
0x49: {  	[sflag:s0] =	ssyncadd.s32 $0xFFFFFC00  }
0x4a: {  	_ =	swait.ge [sflag:s0], $0x480  }
0x4b: {  	p0 =	seq.s32 s11, $0x0;
	[sflag:s0] =	ssyncset.done $0x0  }
0x4c: {  	s13 =	simm.s32 @!p0 $0x3;
	[sflag:s0] =	ssyncadd.s32 $0xFFFFFB80  }
0x4d: {  	_ =	swait.ge @!p0 [sflag:s13], $0x80  }
0x4e: {  	[sflag:s13] =	ssyncset.done @!p0 $0x0  }
0x4f: {  	s14 =	simm.s32 $0x0;
	[sflag:s13] =	ssyncadd.s32 @!p0 $0xFFFFFF80  }
0x50: {  	v2 =	vld [tilespmem:s14+$0x100]  }
0x51: {  	v3 =	vld [tilespmem:s14+$0x180]  }
0x52: {  	v4 =	vld [tilespmem:s14+$0x480]  }
0x53: {  	v5 =	vld [tilespmem:s14+$0x400]  }
0x54: {  	v6 =	vld [tilespmem:s14+$0x380]  }
0x55: {  	v7 =	vld [tilespmem:s14+$0x300];
	v2 =	vmul.f32 $1.442695020e+00, v2  }
0x56: {  	v8 =	vld [tilespmem:s14+$0x280];
	v3 =	vmul.f32 $1.442695020e+00, v3  }
0x57: {  	v4 =	vmul.f32 $1.442695020e+00, v4;
	(erf) = vpow2.f32 v2;
	v2 =	vld [tilespmem:s14+$0x200]  }
0x58: {  	(erf) = vpow2.f32 v3;
	v3 =	vmul.f32 $1.442695020e+00, v5  }
0x59: {  	v5 =	vmul.f32 $1.442695020e+00, v6;
	(erf) = vpow2.f32 v4  }
0x5a: {  	v4 =	vmul.f32 $1.442695020e+00, v7;
	(erf) = vpow2.f32 v3  }
0x5b: {  	v3 =	vmul.f32 $1.442695020e+00, v8;
	(erf) = vpow2.f32 v5  }
0x5c: {  	v2 =	vmul.f32 $1.442695020e+00, v2;
	(erf) = vpow2.f32 v4  }
0x5d: {  	(erf) = vpow2.f32 v3  }
0x5e: {  	(erf) = vpow2.f32 v2;
	_ =	sdelay $0x1  }
0x5f: {  	v2 =	vpop (erf)  }
0x60: {  	v5 =	vpop (erf)  }
0x61: {  	v3 =	vpop (erf)  }
0x62: {  	v7 =	vpop (erf)  }
0x63: {  	v8 =	vpop (erf)  }
0x64: {  	v10 =	vpop (erf)  }
0x65: {  	v4 =	vadd.f32 v5, v2;
	v9 =	vpop (erf)  }
0x66: {  	v6 =	vpop (erf)  }
0x67: {  	v4 =	vadd.f32 v6, v4;
	_ =	sdelay $0x1  }
0x68: {  	v4 =	vadd.f32 v9, v4;
	_ =	sdelay $0x1  }
0x69: {  	v4 =	vadd.f32 v10, v4;
	_ =	sdelay $0x1  }
0x6a: {  	v4 =	vadd.f32 v8, v4;
	_ =	sdelay $0x1  }
0x6b: {  	v4 =	vadd.f32 v7, v4;
	_ =	sdelay $0x1  }
0x6c: {  	v4 =	vadd.f32 v3, v4;
	_ =	sdelay $0x1  }
0x6d: {  	(erf) = vrcp.f32 v4;
	_ =	sdelay $0x3  }
0x6e: {  	v4 =	vld [tilespmem:s14+$0x900]  }
0x6f: {  	v12 =	vld [tilespmem:s14+$0x980]  }
0x70: {  	v11 =	vld [tilespmem:s14+$0xA00];
	_ =	sdelay $0x1  }
0x71: {  	v13 =	vld [tilespmem:s14+$0xC80]  }
0x72: {  	v16 =	vld [tilespmem:s14+$0xC00];
	v15 =	vmul.f32 $1.442695020e+00, v4;
	v14 =	vpop (erf)  }
0x73: {  	v12 =	vmul.f32 $1.442695020e+00, v12;
	v4 =	vmul.f32 $5.992000100e+00, v14  }
0x74: {  	v11 =	vmul.f32 $1.442695020e+00, v11;
	(erf) = vpow2.f32 v15;
	v15 =	vld [tilespmem:s14+$0xB80]  }
0x75: {  	(erf) = vpow2.f32 v12;
	v14 =	vmul.f32 v4, v2  }
0x76: {  	(erf) = vpow2.f32 v11;
	v2 =	vmul.f32 $1.442695020e+00, v13  }
0x77: {  	v19 =	vld [tilespmem:s14+$0x1180];
	v11 =	vmul.f32 $1.442695020e+00, v16;
	v17 =	vmul.f32 v4, v5;
	v5 =	vadd.f32 $1.000000050e-03, v14  }
0x78: {  	v12 =	vld [tilespmem:s14+$0xB00];
	v18 =	vmul.f32 v4, v6;
	(erf) = vpow2.f32 v2  }
0x79: {  	v13 =	vld [tilespmem:s14+$0xA80];
	v15 =	vmul.f32 $1.442695020e+00, v15;
	v6 =	vadd.f32 $-3.000000000e+00, v5;
	v5 =	vadd.f32 $1.000000050e-03, v17  }
0x7a: {  	v20 =	vmul.f32 v4, v9;
	v2 =	vld [tilespmem:s14+$0x0];
	(erf) = vpow2.f32 v11  }
0x7b: {  	(erf) = vpow2.f32 v15;
	v15 =	vld [tilespmem:s14+$0x1200];
	v9 =	vadd.f32 v6, v5;
	v5 =	vadd.f32 $1.000000050e-03, v18  }
0x7c: {  	v16 =	vld [tilespmem:s14+$0x1100];
	v21 =	vmul.f32 v4, v10  }
0x7d: {  	v10 =	vld [tilespmem:s14+$0x1280];
	v22 =	vadd.f32 $1.000000050e-03, v20;
	v11 =	vadd.f32 v9, v5  }
0x7e: {  	v23 =	vmul.f32 v4, v8;
	v8 =	vadd.f32 $1.000000050e-03, v21;
	v12 =	vmul.f32 $1.442695020e+00, v12  }
0x7f: {  	v24 =	vld [tilespmem:s14+$0x1300];
	v13 =	vmul.f32 $1.442695020e+00, v13;
	vm6 =	vle.f32 v6, v2;
	v5 =	vadd.f32 v11, v22  }
0x80: {  	v25 =	vld [tilespmem:s14+$0x1380];
	(erf) = vpow2.f32 v12;
	vm5 =	vle.f32 v9, v2;
	v12 =	vsel vm6, v15, v19  }
0x81: {  	v26 =	vld [tilespmem:s14+$0x1400];
	v22 =	vmul.f32 v4, v7;
	v7 =	vadd.f32 $1.000000050e-03, v23;
	v8 =	vadd.f32 v5, v8  }
0x82: {  	(erf) = vpow2.f32 v13;
	v13 =	vsel vm6, v19, v16;
	v19 =	vld [tilespmem:s14+$0x1480];
	v16 =	vsel vm5, v10, v12  }
0x83: {  	v28 =	vld [tilespmem:s14+$0x1900];
	vm4 =	vle.f32 v11, v2;
	v27 =	vadd.f32 $1.000000050e-03, v22;
	v12 =	vadd.f32 v8, v7  }
0x84: {  	vm3 =	vle.f32 v5, v2;
	v7 =	vsel vm5, v15, v13;
	v13 =	vsel vm4, v24, v16  }
0x85: {  	vm1 =	vle.f32 v8, v2;
	v15 =	vsel vm3, v25, v13;
	v13 =	vadd.f32 v12, v27  }
0x86: {  	v7 =	vsel vm4, v10, v7;
	vm7 =	vle.f32 v12, v2;
	v15 =	vsel vm1, v26, v15  }
0x87: {  	s15 =	simm.s32 $0x10;
	v16 =	vpop (erf);
	v7 =	vsel vm3, v24, v7;
	v15 =	vsel vm7, v19, v15;
	vm0 =	vle.f32 v13, v2  }
0x88: {  	v10 =	vld [tilespmem:s15+$0x100];
	v27 =	vpop (erf);
	v7 =	vsel vm1, v25, v7;
	v15 =	vsel vm0, v28, v15  }
0x89: {  	v24 =	vpop (erf);
	v7 =	vsel vm7, v26, v7;
	v26 =	vand.u32 $0x7FFFFFFF, v15  }
0x8a: {  	v25 =	vpop (erf)  }
0x8b: {  	v28 =	vadd.f32 v27, v16;
	v29 =	vpop (erf)  }
0x8c: {  	v19 =	vsel vm0, v19, v7;
	v7 =	vsub.f32 $0.0e+00, v26;
	v26 =	vpop (erf)  }
0x8d: {  	v30 =	vand.u32 $0x7FFFFFFF, v19;
	v10 =	vmul.f32 $1.442695020e+00, v10;
	v28 =	vadd.f32 v24, v28;
	v31 =	vpop (erf)  }
0x8e: {  	v30 =	vsub.f32 $0.0e+00, v30;
	v32 =	vpop (erf)  }
0x8f: {  	(erf) = vpow2.f32 v10;
	v7 =	vmul.f32 $1.442695020e+00, v7;
	v10 =	vadd.f32 v32, v28;
	_ =	sdelay $0x1  }
0x90: {  	(erf) = vpow2.f32 v7;
	v28 =	vmul.f32 $1.442695020e+00, v30;
	v7 =	vadd.f32 v31, v10;
	_ =	sdelay $0x1  }
0x91: {  	(erf) = vpow2.f32 v28;
	v7 =	vadd.f32 v26, v7;
	_ =	sdelay $0x1  }
0x92: {  	v10 =	vld [tilespmem:s15+$0x180];
	v7 =	vadd.f32 v29, v7;
	_ =	sdelay $0x1  }
0x93: {  	v28 =	vld [tilespmem:s15+$0x480];
	_ =	sdelay $0x1  }
0x94: {  	v30 =	vld [tilespmem:s15+$0x400];
	v34 =	vadd.f32 v25, v7;
	v7 =	vpop (erf)  }
0x95: {  	v10 =	vmul.f32 $1.442695020e+00, v10;
	v36 =	vpop (erf)  }
0x96: {  	v35 =	vld [tilespmem:s15+$0x300];
	(erf) = vrcp.f32 v34;
	v54 =	vmul.f32 $1.024382840e-02, v36  }
0x97: {  	v33 =	vld [tilespmem:s15+$0x380];
	(erf) = vpow2.f32 v10;
	v10 =	vmul.f32 $1.442695020e+00, v28;
	v28 =	vpop (erf)  }
0x98: {  	v37 =	vld [tilespmem:s15+$0x280];
	v14 =	vsel vm6, v17, v14;
	v39 =	vmul.f32 $1.024382840e-02, v28;
	v34 =	vadd.f32 $-5.326747890e-02, v54  }
0x99: {  	v14 =	vsel vm5, v18, v14;
	v30 =	vmul.f32 $1.442695020e+00, v30  }
0x9a: {  	(erf) = vpow2.f32 v10;
	v10 =	vadd.f32 $-5.326747890e-02, v39;
	v34 =	vmul.f32 v34, v36  }
0x9b: {  	v35 =	vmul.f32 $1.442695020e+00, v35;
	v14 =	vsel vm4, v20, v14  }
0x9c: {  	v38 =	vld [tilespmem:s15+$0x200];
	(erf) = vpow2.f32 v30;
	v10 =	vmul.f32 v10, v28;
	v30 =	vadd.f32 $1.319896580e-01, v34  }
0x9d: {  	v33 =	vmul.f32 $1.442695020e+00, v33;
	v37 =	vmul.f32 $1.442695020e+00, v37;
	v14 =	vsel vm3, v21, v14  }
0x9e: {  	vm2 =	vmmov vm1;
	v56 =	vadd.f32 $1.319896580e-01, v10;
	v30 =	vmul.f32 v30, v36  }
0x9f: {  	v3 =	vmul.f32 v4, v3;
	v14 =	vsel vm2, v23, v14;
	vm1 =	vmmov vm7  }
0xa0: {  	v4 =	vsel vm1, v22, v14;
	v17 =	vmul.f32 v56, v28;
	v30 =	vadd.f32 $-2.239668970e-01, v30  }
0xa1: {  	v55 =	vmul.f32 $1.442695020e+00, v38;
	v3 =	vsel vm0, v3, v4;
	(erf) = vpow2.f32 v33  }
0xa2: {  	(erf) = vpow2.f32 v35;
	v57 =	vpop (erf);
	v17 =	vadd.f32 $-2.239668970e-01, v17;
	v18 =	vmul.f32 v30, v36  }
0xa3: {  	v3 =	vadd.f32 $1.000000050e-03, v3;
	(erf) = vpow2.f32 v37;
	v58 =	vmul.f32 $5.992000100e+00, v57  }
0xa4: {  	(erf) = vpow2.f32 v55;
	v10 =	vpop (erf);
	v17 =	vmul.f32 v17, v28;
	v18 =	vadd.f32 $3.275117280e-01, v18  }
0xa5: {  	(erf) = vrcp.f32 v3;
	v59 =	vadd.f32 v10, v7;
	v20 =	vmul.f32 v58, v25  }
0xa6: {  	v14 =	vmul.f32 v58, v16;
	v16 =	vadd.f32 $3.275117280e-01, v17;
	v17 =	vmul.f32 v18, v36  }
0xa7: {  	v4 =	vmul.f32 v58, v27;
	v22 =	vmul.f32 v58, v24;
	v18 =	vnsel vm6, $0xC0400000, v6  }
0xa8: {  	v16 =	vmul.f32 v16, v28;
	v9 =	vsel vm5, v9, v18;
	v17 =	vadd.f32 $-4.993339480e-01, v17  }
0xa9: {  	v21 =	vmul.f32 v58, v32;
	v18 =	vsel vm6, v4, v14;
	v9 =	vsel vm4, v11, v9  }
0xaa: {  	v11 =	vsel vm5, v22, v18;
	v16 =	vadd.f32 $-4.993339480e-01, v16;
	v17 =	vmul.f32 v17, v36  }
0xab: {  	v25 =	vmul.f32 v58, v26;
	v3 =	vmul.f32 v58, v31;
	v6 =	vpop (erf);
	v11 =	vsel vm4, v21, v11  }
0xac: {  	v23 =	vpop (erf);
	v5 =	vsel vm3, v5, v9;
	v16 =	vmul.f32 v16, v28;
	v17 =	vadd.f32 $9.999702570e-01, v17  }
0xad: {  	v29 =	vmul.f32 v58, v29;
	v24 =	vpop (erf);
	v9 =	vsel vm3, v3, v11;
	v5 =	vsel vm2, v8, v5  }
0xae: {  	v18 =	vpop (erf);
	v9 =	vsel vm2, v25, v9;
	v11 =	vadd.f32 $9.999702570e-01, v16;
	v16 =	vmul.f32 v17, v36  }
0xaf: {  	v14 =	vadd.f32 $1.000000050e-03, v14;
	v27 =	vpop (erf);
	v12 =	vsel vm1, v12, v5;
	v8 =	vsel vm1, v29, v9  }
0xb0: {  	v30 =	vpop (erf);
	v8 =	vsel vm0, v20, v8;
	v9 =	vmul.f32 v11, v28;
	v11 =	vadd.f32 $2.215976450e-07, v16  }
0xb1: {  	v17 =	vadd.f32 v30, v59;
	v5 =	vadd.f32 $1.000000050e-03, v8;
	v8 =	vmax.f32 v15, $0.0e+00  }
0xb2: {  	v12 =	vsel vm0, v13, v12;
	v9 =	vadd.f32 $2.215976450e-07, v9;
	v8 =	vadd.f32 v11, v8  }
0xb3: {  	v13 =	vmax.f32 v19, $0.0e+00;
	v12 =	vsub.f32 v2, v12;
	v19 =	vpop (erf);
	v11 =	vadd.f32 v27, v17  }
0xb4: {  	v9 =	vadd.f32 v9, v13;
	v13 =	vadd.f32 $1.000000050e-03, v8;
	v8 =	vmul.f32 v5, v19  }
0xb5: {  	v4 =	vadd.f32 $1.000000050e-03, v4;
	v12 =	vmul.f32 v19, v12;
	v11 =	vadd.f32 v18, v11  }
0xb6: {  	v15 =	vadd.f32 $1.000000050e-03, v9;
	v9 =	vsub.f32 v13, v8  }
0xb7: {  	v14 =	vadd.f32 $-3.000000000e+00, v14;
	v20 =	vld [tilespmem:s15+$0xA00];
	v17 =	vsub.f32 $1.000000000e+00, v12  }
0xb8: {  	v16 =	vld [tilespmem:s15+$0x900];
	v11 =	vadd.f32 v24, v11;
	v9 =	vadd.f32 v9, v15  }
0xb9: {  	v22 =	vadd.f32 $1.000000050e-03, v22;
	v3 =	vadd.f32 $1.000000050e-03, v3;
	v31 =	vnsel vm6, $0xC0400000, v14  }
0xba: {  	v26 =	vld [tilespmem:s15+$0x980];
	v28 =	vmul.f32 v17, v12;
	v11 =	vadd.f32 v23, v11;
	v9 =	vsub.f32 v9, v8  }
0xbb: {  	v4 =	vadd.f32 v14, v4;
	v14 =	vadd.f32 $1.000000050e-03, v21;
	v63 =	vmul.f32 v12, v12  }
0xbc: {  	v20 =	vmul.f32 $1.442695020e+00, v20;
	v11 =	vadd.f32 v6, v11;
	v21 =	vmul.f32 v9, v28  }
0xbd: {  	v60 =	vld [tilespmem:s15+$0xC80];
	v22 =	vadd.f32 v4, v22;
	v16 =	vmul.f32 $1.442695020e+00, v16;
	v13 =	vmul.f32 v13, v63  }
0xbe: {  	v61 =	vld [tilespmem:s15+$0xC00];
	v9 =	vmul.f32 v15, v28;
	(erf) = vrcp.f32 v11;
	v11 =	vadd.f32 v21, v8  }
0xbf: {  	v62 =	vld [tilespmem:s15+$0xB80];
	(erf) = vpow2.f32 v16;
	v16 =	vadd.f32 v8, v8;
	v21 =	vmul.f32 $1.442695020e+00, v26  }
0xc0: {  	v12 =	vadd.f32 v22, v14;
	v15 =	vmul.f32 v15, v17;
	(erf) = vrcp.f32 v11  }
0xc1: {  	v11 =	vmul.f32 v16, v28;
	v16 =	vld [tilespmem:s15+$0xB00];
	(erf) = vpow2.f32 v21  }
0xc2: {  	v4 =	vsel vm5, v4, v31;
	v26 =	vadd.f32 v12, v3;
	v3 =	vmul.f32 $1.442695020e+00, v60  }
0xc3: {  	(erf) = vpow2.f32 v20;
	v20 =	vld [tilespmem:s15+$0xA80];
	v11 =	vadd.f32 v13, v11;
	v13 =	vmul.f32 v15, v17  }
0xc4: {  	v14 =	vadd.f32 $1.000000050e-03, v25;
	v21 =	vmul.f32 $1.442695020e+00, v61;
	v15 =	vmul.f32 $1.442695020e+00, v62  }
0xc5: {  	(erf) = vpow2.f32 v3;
	v3 =	vmul.f32 v8, v8;
	v17 =	vadd.f32 v11, v13  }
0xc6: {  	v28 =	vadd.f32 v26, v14;
	(erf) = vpow2.f32 v21;
	v14 =	vmul.f32 $1.442695020e+00, v16  }
0xc7: {  	(erf) = vpow2.f32 v15;
	v11 =	vpop (erf);
	v3 =	vmul.f32 v17, v3  }
0xc8: {  	v13 =	vmul.f32 $5.992000100e+00, v11;
	v11 =	vpop (erf);
	v16 =	vmul.f32 $1.442695020e+00, v20  }
0xc9: {  	v34 =	vadd.f32 $1.000000050e-03, v29;
	v15 =	vsel vm4, v22, v4;
	(erf) = vpow2.f32 v14;
	v4 =	vpop (erf)  }
0xca: {  	v37 =	vsel vm3, v12, v15;
	v29 =	vmul.f32 v13, v7;
	v12 =	vpop (erf);
	v3 =	vmul.f32 v4, v3  }
0xcb: {  	v15 =	vmul.f32 v13, v23;
	v10 =	vmul.f32 v13, v10;
	v14 =	vadd.f32 v12, v11  }
0xcc: {  	v20 =	vld [tilespmem:s15+$0x1180];
	(erf) = vpow2.f32 v16;
	v17 =	vadd.f32 $1.000000050e-03, v29;
	v16 =	vpop (erf);
	v21 =	vmul.f32 v3, v4  }
0xcd: {  	v31 =	vmul.f32 v13, v30;
	v24 =	vmul.f32 v13, v24;
	v3 =	vld [tilespmem:s15+$0x0];
	v23 =	vadd.f32 v16, v14  }
0xce: {  	v7 =	vld [tilespmem:s15+$0x1100];
	v17 =	vadd.f32 $-3.000000000e+00, v17;
	v14 =	vadd.f32 $1.000000050e-03, v10;
	v19 =	vmul.f32 v21, v19  }
0xcf: {  	v22 =	vld [tilespmem:s15+$0x1200];
	v32 =	vmul.f32 v13, v27;
	v33 =	vmul.f32 v13, v18  }
0xd0: {  	v18 =	vadd.f32 v17, v14;
	v14 =	vadd.f32 $1.000000050e-03, v31;
	v36 =	vand.u32 $0x7FFFFFFF, v19  }
0xd1: {  	v25 =	vadd.f32 $1.000000050e-03, v33;
	v21 =	vadd.f32 $1.000000050e-03, v32;
	v51 =	vand.u32 $0x7FFFFF, v36  }
0xd2: {  	v30 =	vld [tilespmem:s15+$0x1280];
	v19 =	vadd.f32 v18, v14;
	vm6 =	vle.f32 v17, v3;
	v38 =	vor.u32 $0x3F800000, v51  }
0xd3: {  	vm4 =	vle.f32 v18, v3;
	v7 =	vsel vm6, v20, v7;
	v41 =	vmul.f32 $5.000000000e-01, v38  }
0xd4: {  	v52 =	vld [tilespmem:s15+$0x1300];
	v40 =	vsel vm6, v22, v20;
	v20 =	vadd.f32 v19, v21;
	vm8 =	vgt.f32 v38, $1.414213540e+00  }
0xd5: {  	v43 =	vld [tilespmem:s15+$0x1380];
	v27 =	vadd.f32 $1.000000050e-03, v24;
	v22 =	vsel vm4, v22, v7;
	v7 =	vsel vm8, v41, v38  }
0xd6: {  	v42 =	vpop (erf);
	v21 =	vadd.f32 v20, v25;
	v7 =	vadd.f32 $-1.000000000e+00, v7  }
0xd7: {  	v53 =	vld [tilespmem:s15+$0x1400];
	v14 =	vpop (erf);
	v40 =	vsel vm4, v30, v40;
	vm3 =	vle.f32 v19, v3  }
0xd8: {  	v44 =	vld [tilespmem:s15+$0x1480];
	v30 =	vsel vm3, v30, v22;
	v38 =	vpop (erf);
	v22 =	vadd.f32 v21, v27;
	v27 =	vmul.f32 $7.037683580e-02, v7  }
0xd9: {  	v47 =	vld [tilespmem:s15+$0x1900];
	v45 =	vadd.f32 $1.000000050e-03, v15;
	v40 =	vsel vm3, v52, v40;
	vm5 =	vle.f32 v20, v3;
	v25 =	vpop (erf)  }
0xda: {  	v30 =	vsel vm5, v52, v30;
	v54 =	vsel vm5, v43, v40;
	v46 =	vpop (erf);
	v27 =	vadd.f32 $-1.151461010e-01, v27  }
0xdb: {  	s17 =	simm.s32 $0x20;
	vm10 =	vle.f32 v21, v3;
	v48 =	vadd.f32 v46, v23;
	v23 =	vadd.f32 v22, v45  }
0xdc: {  	v55 =	vld [tilespmem:s17+$0x100];
	v39 =	vsel vm10, v53, v54;
	vm9 =	vle.f32 v22, v3;
	v56 =	vmul.f32 v27, v7  }
0xdd: {  	v30 =	vsel vm10, v43, v30;
	v39 =	vsel vm9, v44, v39;
	vm7 =	vle.f32 v23, v3  }
0xde: {  	v27 =	vsel vm9, v53, v30;
	v30 =	vsel vm7, v47, v39;
	v43 =	vadd.f32 $1.167699840e-01, v56  }
0xdf: {  	v57 =	vadd.f32 v25, v48;
	v27 =	vsel vm7, v44, v27;
	v59 =	vand.u32 $0x7FFFFFFF, v30  }
0xe0: {  	v61 =	vand.u32 $0x7FFFFFFF, v27;
	v41 =	vsub.f32 $0.0e+00, v59;
	v43 =	vmul.f32 v43, v7  }
0xe1: {  	v58 =	vld [tilespmem:s17+$0x180];
	v8 =	vmul.f32 v8, v63;
	v40 =	vmul.f32 $1.442695020e+00, v55;
	v45 =	vsub.f32 $0.0e+00, v61  }
0xe2: {  	v63 =	vld [tilespmem:s17+$0x400];
	v60 =	vadd.f32 v38, v57;
	v41 =	vmul.f32 $1.442695020e+00, v41;
	v43 =	vadd.f32 $-1.242014100e-01, v43  }
0xe3: {  	v62 =	vld [tilespmem:s17+$0x480];
	v8 =	vadd.f32 v9, v8;
	(erf) = vpow2.f32 v40;
	v48 =	vmul.f32 $1.442695020e+00, v45  }
0xe4: {  	v9 =	vld [tilespmem:s17+$0x280];
	v44 =	vadd.f32 v14, v60;
	(erf) = vpow2.f32 v41;
	v51 =	vmul.f32 v43, v7  }
0xe5: {  	v50 =	vld [tilespmem:s17+$0x300];
	v34 =	vadd.f32 v28, v34;
	v26 =	vsel vm2, v26, v37;
	(erf) = vpow2.f32 v48  }
0xe6: {  	v49 =	vld [tilespmem:s17+$0x380];
	v8 =	vmul.f32 v8, v5;
	v44 =	vadd.f32 v42, v44;
	v53 =	vadd.f32 $1.424932330e-01, v51  }
0xe7: {  	v5 =	vsel vm1, v28, v26;
	v28 =	vmul.f32 $1.442695020e+00, v63;
	v52 =	vld [tilespmem:s17+$0x200];
	v39 =	vmul.f32 $1.442695020e+00, v58  }
0xe8: {  	vm0 =	vmmov vm0;
	(erf) = vrcp.f32 v44;
	v26 =	vmul.f32 v53, v7  }
0xe9: {  	v5 =	vsel vm0, v34, v5;
	v9 =	vmul.f32 $1.442695020e+00, v9;
	v54 =	vmul.f32 $1.442695020e+00, v62  }
0xea: {  	v36 =	vshrl.u32 v36, $0x17;
	v55 =	vmul.f32 $1.442695020e+00, v50;
	(erf) = vpow2.f32 v39  }
0xeb: {  	v56 =	vmul.f32 $1.442695020e+00, v49;
	(erf) = vpow2.f32 v54;
	v39 =	vadd.f32 $-1.666805740e-01, v26  }
0xec: {  	v10 =	vsel vm6, v10, v29;
	v37 =	vmul.f32 $1.442695020e+00, v52;
	(erf) = vpow2.f32 v28;
	v26 =	vpop (erf)  }
0xed: {  	v10 =	vsel vm4, v31, v10;
	(erf) = vpow2.f32 v56;
	v28 =	vmul.f32 v39, v7;
	v41 =	vpop (erf)  }
0xee: {  	vm0 =	vmmov vm10;
	(erf) = vpow2.f32 v55;
	v58 =	vmul.f32 $1.024382840e-02, v41;
	v40 =	vpop (erf)  }
0xef: {  	(erf) = vpow2.f32 v9;
	v39 =	vadd.f32 $2.000071410e-01, v28;
	v9 =	vmul.f32 $1.024382840e-02, v40  }
0xf0: {  	v62 =	vsel vm3, v32, v10;
	(erf) = vpow2.f32 v37;
	v34 =	vadd.f32 $-5.326747890e-02, v58  }
0xf1: {  	vm1 =	vmmov vm9;
	v59 =	vpop (erf);
	v60 =	vmul.f32 v39, v7;
	v9 =	vadd.f32 $-5.326747890e-02, v9  }
0xf2: {  	v57 =	vand.u32 $0x7FFFFFFF, v2;
	v44 =	vmul.f32 $5.992000100e+00, v59;
	v29 =	vmul.f32 v34, v41  }
0xf3: {  	vm2 =	vge.f32 v57, $3.000000000e+00;
	v28 =	vpop (erf);
	v35 =	vadd.f32 $-2.499999400e-01, v60;
	v61 =	vmul.f32 v9, v40  }
0xf4: {  	v45 =	vadd.f32 v28, v26;
	v39 =	vpop (erf);
	v10 =	vmul.f32 v44, v46;
	v63 =	vadd.f32 $1.319896580e-01, v29  }
0xf5: {  	v31 =	vpop (erf);
	v29 =	vmul.f32 v7, v7;
	v35 =	vmul.f32 v35, v7;
	v34 =	vadd.f32 $1.319896580e-01, v61  }
0xf6: {  	v46 =	vsel vm5, v33, v62;
	v9 =	vmul.f32 v44, v38;
	v32 =	vpop (erf);
	v38 =	vmul.f32 v63, v41  }
0xf7: {  	s18 =	sshll.u32 s11, $0x8;
	v33 =	vpop (erf);
	v47 =	vmul.f32 v34, v40;
	v34 =	vadd.f32 $3.333333130e-01, v35;
	v35 =	vmul.f32 v29, v7  }
0xf8: {  	s19 =	simm.s32 $0xC0;
	s18 =	sand.u32 $0x300, s18;
	s13 =	sshll.u32 s11, $0x1;
	v43 =	vmul.f32 v44, v42;
	v37 =	vpop (erf);
	v48 =	vadd.f32 $-2.239668970e-01, v38;
	v38 =	vsel vm8, $0x1, v1  }
.LBB2_5:
0xf9: {  	p1 =	sne.s32 s19, $0x1C0;
	v42 =	vpop (erf);
	v36 =	vadd.s32 v38, v36;
	v34 =	vmul.f32 v34, v35;
	v29 =	vmul.f32 $5.000000000e-01, v29  }
0xfa: {  	v24 =	vsel vm0, v24, v46;
	v35 =	vadd.f32 $-2.239668970e-01, v47;
	v36 =	vadd.s32 $0xFFFFFF81, v36  }
0xfb: {  	v38 =	vmul.f32 v48, v41;
	v29 =	vsub.f32 v34, v29;
	v34 =	vcvt.s32.f32 v36  }
0xfc: {  	v13 =	vmul.f32 v13, v6;
	v6 =	vmovc v39;
	v15 =	vsel vm1, v15, v24;
	v24 =	vmul.f32 v35, v40  }
0xfd: {  	v35 =	vadd.f32 $3.275117280e-01, v38;
	v7 =	vadd.f32 v29, v7;
	v29 =	vmul.f32 $6.931471820e-01, v34;
	v34 =	vld [tilespmem:s14+$0x2200]  }
0xfe: {  	v11 =	vmul.f32 v44, v11;
	v16 =	vmul.f32 v44, v16;
	v13 =	vsel vm7, v13, v15  }
0xff: {  	v15 =	vadd.f32 $3.275117280e-01, v24;
	v24 =	vmul.f32 v35, v41;
	v7 =	vadd.f32 v7, v29  }
0x100: {  	v12 =	vmul.f32 v44, v12;
	v17 =	vnsel vm6, $0xC0400000, v17;
	v13 =	vadd.f32 $1.000000050e-03, v13  }
0x101: {  	v15 =	vmul.f32 v15, v40;
	v24 =	vadd.f32 $-4.993339480e-01, v24;
	v7 =	vsel vm2, $0x0, v7  }
0x102: {  	v17 =	vsel vm4, v18, v17;
	v18 =	vsel vm6, v12, v11;
	v7 =	vadd.f32 v7, v34  }
0x103: {  	v15 =	vadd.f32 $-4.993339480e-01, v15;
	v24 =	vmul.f32 v24, v41;
	(erf) = vrcp.f32 v13  }
0x104: {  	v17 =	vsel vm3, v19, v17;
	v18 =	vsel vm4, v16, v18;
	v13 =	vmul.f32 v44, v25;
	[tilespmem:s14+$0x2200] =	vst v7  }
0x105: {  	v15 =	vmul.f32 v15, v40;
	v7 =	vsel vm3, v10, v18;
	v18 =	vadd.f32 $9.999702570e-01, v24  }
0x106: {  	v14 =	vmul.f32 v44, v14;
	v17 =	vsel vm5, v20, v17;
	v7 =	vsel vm5, v13, v7  }
0x107: {  	v15 =	vadd.f32 $9.999702570e-01, v15;
	v7 =	vsel vm0, v9, v7;
	v18 =	vmul.f32 v18, v41  }
0x108: {  	v19 =	vadd.f32 v42, v45;
	v17 =	vsel vm0, v21, v17;
	v7 =	vsel vm1, v14, v7  }
0x109: {  	v15 =	vmul.f32 v15, v40;
	v7 =	vsel vm7, v43, v7;
	v18 =	vadd.f32 $2.215976450e-07, v18  }
0x10a: {  	v17 =	vsel vm1, v22, v17;
	v29 =	vadd.f32 $1.000000050e-03, v7;
	v7 =	vmax.f32 v30, $0.0e+00  }
0x10b: {  	v17 =	vsel vm7, v23, v17;
	v15 =	vadd.f32 $2.215976450e-07, v15;
	v7 =	vadd.f32 v18, v7  }
0x10c: {  	v17 =	vsub.f32 v3, v17;
	v18 =	vadd.f32 v37, v19;
	v19 =	vmax.f32 v27, $0.0e+00;
	v20 =	vpop (erf)  }
0x10d: {  	v15 =	vadd.f32 v15, v19;
	v7 =	vadd.f32 $1.000000050e-03, v7;
	v34 =	vmul.f32 v29, v20  }
0x10e: {  	v8 =	vmul.f32 v4, v8;
	v11 =	vadd.f32 $1.000000050e-03, v11;
	v18 =	vadd.f32 v33, v18  }
0x10f: {  	v4 =	vadd.f32 $1.000000050e-03, v15;
	v15 =	vmul.f32 v20, v17;
	v17 =	vsub.f32 v7, v34  }
0x110: {  	vm8 =	vmmov vm7;
	v11 =	vadd.f32 $-3.000000000e+00, v11;
	v18 =	vadd.f32 v32, v18  }
0x111: {  	v21 =	vsub.f32 $1.000000000e+00, v15;
	v19 =	vld [tilespmem:s17+$0x900];
	v17 =	vadd.f32 v17, v4  }
0x112: {  	v12 =	vadd.f32 $1.000000050e-03, v12;
	v16 =	vadd.f32 $1.000000050e-03, v16;
	v23 =	vnsel vm6, $0xC0400000, v11;
	v22 =	vld [tilespmem:s17+$0xA00]  }
0x113: {  	v18 =	vadd.f32 v31, v18;
	v25 =	vmul.f32 v21, v15;
	v24 =	vld [tilespmem:s17+$0x980];
	v17 =	vsub.f32 v17, v34  }
0x114: {  	v11 =	vadd.f32 v11, v12;
	v12 =	vadd.f32 $1.000000050e-03, v10  }
0x115: {  	v13 =	vadd.f32 $1.000000050e-03, v13;
	v18 =	vadd.f32 v6, v18;
	v17 =	vmul.f32 v17, v25  }
0x116: {  	v16 =	vadd.f32 v11, v16;
	v10 =	vmul.f32 v4, v25;
	v19 =	vmul.f32 $1.442695020e+00, v19  }
0x117: {  	v22 =	vmul.f32 $1.442695020e+00, v22;
	v27 =	vld [tilespmem:s17+$0xC80];
	(erf) = vrcp.f32 v18;
	v17 =	vadd.f32 v17, v34  }
0x118: {  	v18 =	vmul.f32 $1.442695020e+00, v24;
	v24 =	vld [tilespmem:s17+$0xC00];
	(erf) = vpow2.f32 v19;
	v19 =	vadd.f32 v34, v34  }
0x119: {  	v12 =	vadd.f32 v16, v12;
	v41 =	vmul.f32 v15, v15;
	v30 =	vld [tilespmem:s17+$0xB80];
	(erf) = vrcp.f32 v17  }
0x11a: {  	v9 =	vadd.f32 $1.000000050e-03, v9;
	(erf) = vpow2.f32 v18;
	v15 =	vmul.f32 v19, v25  }
0x11b: {  	v38 =	vadd.f32 v12, v13;
	v7 =	vmul.f32 v7, v41;
	v4 =	vmul.f32 v4, v21;
	v17 =	vld [tilespmem:s17+$0xB00]  }
0x11c: {  	v11 =	vsel vm4, v11, v23;
	v13 =	vmul.f32 $1.442695020e+00, v27;
	(erf) = vpow2.f32 v22  }
0x11d: {  	v4 =	vmul.f32 v4, v21;
	v7 =	vadd.f32 v7, v15;
	v18 =	vld [tilespmem:s17+$0xA80];
	v19 =	vmul.f32 $1.442695020e+00, v24  }
0x11e: {  	v40 =	vadd.f32 v38, v9;
	v15 =	vmul.f32 $1.442695020e+00, v30;
	(erf) = vpow2.f32 v13  }
0x11f: {  	v9 =	vmul.f32 v34, v34;
	(erf) = vpow2.f32 v19;
	v19 =	vadd.f32 v7, v4  }
0x120: {  	v7 =	vmul.f32 $1.442695020e+00, v17;
	(erf) = vpow2.f32 v15;
	v13 =	vpop (erf);
	v15 =	vsel vm3, v16, v11  }
0x121: {  	v14 =	vadd.f32 $1.000000050e-03, v14;
	v13 =	vmul.f32 $5.992000100e+00, v13;
	v11 =	vpop (erf);
	v16 =	vmul.f32 v19, v9  }
0x122: {  	v43 =	vsel vm5, v12, v15;
	v17 =	vmul.f32 $1.442695020e+00, v18;
	(erf) = vpow2.f32 v7;
	v4 =	vpop (erf)  }
0x123: {  	v9 =	vmul.f32 v13, v26;
	v12 =	vpop (erf);
	v26 =	vadd.f32 v40, v14;
	v7 =	vmul.f32 v4, v16  }
0x124: {  	v15 =	vmul.f32 v13, v31;
	v21 =	vld [tilespmem:s17+$0x1100];
	v14 =	vadd.f32 v12, v11;
	(erf) = vpow2.f32 v17  }
0x125: {  	v31 =	vmul.f32 v13, v28;
	v22 =	vld [tilespmem:s17+$0x1180];
	v17 =	vadd.f32 $1.000000050e-03, v9;
	v16 =	vpop (erf);
	v7 =	vmul.f32 v7, v4  }
0x126: {  	v35 =	vmul.f32 v13, v42;
	v24 =	vmul.f32 v13, v32;
	v28 =	vld [tilespmem:s17+$0x0];
	v23 =	vadd.f32 v16, v14  }
0x127: {  	v18 =	vadd.f32 $1.000000050e-03, v31;
	v27 =	vld [tilespmem:s17+$0x1200];
	v17 =	vadd.f32 $-3.000000000e+00, v17;
	v39 =	vpop (erf);
	v7 =	vmul.f32 v7, v20  }
0x128: {  	v32 =	vmul.f32 v13, v37;
	v33 =	vmul.f32 v13, v33;
	v30 =	vadd.f32 $1.000000050e-03, v24;
	v14 =	vpop (erf)  }
0x129: {  	v19 =	vadd.f32 $1.000000050e-03, v35;
	v44 =	vld [tilespmem:s17+$0x1280];
	v18 =	vadd.f32 v17, v18;
	v37 =	vpop (erf);
	v36 =	vand.u32 $0x7FFFFFFF, v7  }
0x12a: {  	v45 =	vadd.f32 $1.000000050e-03, v33;
	v7 =	vadd.f32 $1.000000050e-03, v32;
	v20 =	vand.u32 $0x7FFFFF, v36  }
0x12b: {  	v46 =	vld [tilespmem:s17+$0x1300];
	v19 =	vadd.f32 v18, v19;
	vm6 =	vle.f32 v17, v28;
	v25 =	vpop (erf);
	v47 =	vor.u32 $0x3F800000, v20  }
0x12c: {  	v21 =	vsel vm6, v22, v21;
	v22 =	vsel vm6, v27, v22;
	v48 =	vmul.f32 $5.000000000e-01, v47  }
0x12d: {  	vm4 =	vle.f32 v18, v28;
	vm9 =	vgt.f32 v47, $1.414213540e+00;
	v49 =	vld [tilespmem:s17+$0x1380];
	v20 =	vadd.f32 v19, v7;
	v42 =	vpop (erf)  }
0x12e: {  	v27 =	vsel vm4, v27, v21;
	v22 =	vsel vm4, v44, v22;
	v7 =	vsel vm9, v48, v47  }
0x12f: {  	vm3 =	vle.f32 v19, v28;
	v47 =	vld [tilespmem:s17+$0x1400];
	v21 =	vadd.f32 v20, v45;
	v7 =	vadd.f32 $-1.000000000e+00, v7  }
0x130: {  	v48 =	vadd.f32 $1.000000050e-03, v15;
	v27 =	vsel vm3, v44, v27;
	v45 =	vld [tilespmem:s17+$0x1480];
	v44 =	vsel vm3, v46, v22  }
0x131: {  	vm5 =	vle.f32 v20, v28;
	v50 =	vld [tilespmem:s17+$0x1900];
	v22 =	vadd.f32 v21, v30;
	v30 =	vmul.f32 $7.037683580e-02, v7  }
0x132: {  	v51 =	vadd.f32 v42, v23;
	v27 =	vsel vm5, v46, v27;
	v44 =	vsel vm5, v49, v44  }
0x133: {  	s20 =	sshra.s32 s19, $0x2;
	vm11 =	vle.f32 v21, v28;
	v23 =	vadd.f32 v22, v48;
	v30 =	vadd.f32 $-1.151461010e-01, v30  }
0x134: {  	v27 =	vsel vm11, v49, v27;
	vm10 =	vle.f32 v22, v28;
	v46 =	vld [tilespmem:s20+$0x100];
	v44 =	vsel vm11, v47, v44  }
0x135: {  	vm7 =	vle.f32 v23, v28;
	v44 =	vsel vm10, v45, v44;
	v48 =	vmul.f32 v30, v7  }
0x136: {  	v49 =	vadd.f32 v25, v51;
	v27 =	vsel vm10, v47, v27;
	v30 =	vsel vm7, v50, v44  }
0x137: {  	v27 =	vsel vm7, v45, v27;
	v44 =	vld [tilespmem:s20+$0x180];
	v45 =	vand.u32 $0x7FFFFFFF, v30;
	v47 =	vadd.f32 $1.167699840e-01, v48  }
0x138: {  	v48 =	vadd.f32 v37, v49;
	v49 =	vand.u32 $0x7FFFFFFF, v27;
	v45 =	vsub.f32 $0.0e+00, v45  }
0x139: {  	v49 =	vsub.f32 $0.0e+00, v49;
	v46 =	vmul.f32 $1.442695020e+00, v46;
	v47 =	vmul.f32 v47, v7  }
0x13a: {  	v34 =	vmul.f32 v34, v41;
	v48 =	vadd.f32 v14, v48;
	v50 =	vld [tilespmem:s20+$0x480];
	v45 =	vmul.f32 $1.442695020e+00, v45  }
0x13b: {  	v41 =	vld [tilespmem:s20+$0x400];
	(erf) = vpow2.f32 v46;
	v46 =	vmul.f32 $1.442695020e+00, v49;
	v47 =	vadd.f32 $-1.242014100e-01, v47  }
0x13c: {  	v48 =	vadd.f32 v39, v48;
	v44 =	vmul.f32 $1.442695020e+00, v44;
	v49 =	vld [tilespmem:s20+$0x380];
	(erf) = vpow2.f32 v45  }
0x13d: {  	v10 =	vadd.f32 v10, v34;
	v45 =	vld [tilespmem:s20+$0x300];
	(erf) = vpow2.f32 v46;
	v34 =	vmul.f32 v47, v7  }
0x13e: {  	v5 =	vadd.f32 v8, v5;
	v38 =	vsel vm0, v38, v43;
	v46 =	vld [tilespmem:s20+$0x280];
	(erf) = vrcp.f32 v48  }
0x13f: {  	v8 =	vmul.f32 v10, v29;
	v43 =	vld [tilespmem:s20+$0x200];
	(erf) = vpow2.f32 v44;
	v10 =	vadd.f32 $1.424932330e-01, v34  }
0x140: {  	v29 =	vmul.f32 $1.442695020e+00, v50;
	v34 =	vsel vm1, v40, v38;
	v38 =	vsel vm2, v2, v5;
	v2 =	vmovc v3;
	v3 =	vmovc v28  }
0x141: {  	v28 =	vmul.f32 $1.442695020e+00, v41;
	v5 =	vsel vm8, v26, v34;
	v10 =	vmul.f32 v10, v7;
	[tilespmem:s14+$0x2100] =	vst v38;
	s14 =	smov.u32 s15;
	s15 =	smov.u32 s17;
	s17 =	smov.u32 s20  }
0x142: {  	vm0 =	vmmov vm11;
	v38 =	vmul.f32 $1.442695020e+00, v49;
	v34 =	vmul.f32 $1.442695020e+00, v45  }
0x143: {  	v44 =	vmul.f32 $1.442695020e+00, v46;
	(erf) = vpow2.f32 v29;
	v10 =	vadd.f32 $-1.666805740e-01, v10  }
0x144: {  	vm1 =	vmmov vm10;
	v29 =	vmul.f32 $1.442695020e+00, v43;
	v26 =	vpop (erf);
	(erf) = vpow2.f32 v28  }
0x145: {  	v28 =	vand.u32 $0x7FFFFFFF, v2;
	(erf) = vpow2.f32 v38;
	v41 =	vpop (erf);
	v10 =	vmul.f32 v10, v7  }
0x146: {  	vm2 =	vge.f32 v28, $3.000000000e+00;
	(erf) = vpow2.f32 v34;
	v34 =	vmul.f32 $1.024382840e-02, v41;
	v40 =	vpop (erf)  }
0x147: {  	(erf) = vpow2.f32 v44;
	v38 =	vmul.f32 $1.024382840e-02, v40;
	v43 =	vpop (erf);
	v10 =	vadd.f32 $2.000071410e-01, v10  }
0x148: {  	v28 =	vpop (erf);
	(erf) = vpow2.f32 v29;
	v44 =	vmul.f32 $5.992000100e+00, v43;
	v29 =	vadd.f32 $-5.326747890e-02, v34  }
0x149: {  	v45 =	vadd.f32 v28, v26;
	v34 =	vadd.f32 $-5.326747890e-02, v38;
	v10 =	vmul.f32 v10, v7  }
0x14a: {  	v9 =	vsel vm6, v31, v9;
	v43 =	vmul.f32 v44, v39;
	v29 =	vmul.f32 v29, v41  }
0x14b: {  	v38 =	vsel vm4, v35, v9;
	v34 =	vmul.f32 v34, v40;
	v10 =	vadd.f32 $-2.499999400e-01, v10  }
.Ltmp3:
0x14c: {  	v9 =	vmul.f32 v44, v37;
	v35 =	vsel vm3, v32, v38;
	v39 =	vpop (erf);
	v37 =	vadd.f32 $1.319896580e-01, v29;
	(pc) =	sbr.rel @p1 .LBB2_5-.Ltmp3, $4  }
0x14d: {  	v29 =	vmul.f32 v7, v7;
	v31 =	vpop (erf);
	v34 =	vadd.f32 $1.319896580e-01, v34;
	v38 =	vmul.f32 v10, v7  }
0x14e: {  	v46 =	vsel vm5, v33, v35;
	v10 =	vmul.f32 v44, v42;
	v32 =	vpop (erf);
	v42 =	vmul.f32 v37, v41  }
0x14f: {  	v35 =	vmul.f32 v29, v7;
	v33 =	vpop (erf);
	v47 =	vmul.f32 v34, v40;
	v34 =	vadd.f32 $3.333333130e-01, v38  }
0x150: {  	s19 =	sadd.s32 $0x40, s19;
	v36 =	vshrl.u32 v36, $0x17;
	v38 =	vsel vm9, $0x1, v1;
	v37 =	vpop (erf);
	v48 =	vadd.f32 $-2.239668970e-01, v42  }
0x151: {  	v42 =	vadd.f32 $-2.239668970e-01, v47  }
0x152: {  	v24 =	vsel vm0, v24, v46;
	v6 =	vmul.f32 v13, v6;
	v56 =	vmul.f32 v48, v41  }
0x153: {  	v46 =	vsel vm1, v15, v24;
	v15 =	vmul.f32 v44, v16;
	v16 =	vmul.f32 v44, v12  }
0x154: {  	v57 =	vpop (erf);
	v42 =	vmul.f32 v42, v40;
	v6 =	vsel vm7, v6, v46;
	v13 =	vadd.f32 $3.275117280e-01, v56  }
0x155: {  	v12 =	vnsel vm6, $0xC0400000, v17;
	v17 =	vadd.f32 v57, v45;
	v6 =	vadd.f32 $1.000000050e-03, v6  }
0x156: {  	v24 =	vmul.f32 v44, v11;
	v11 =	vadd.f32 $3.275117280e-01, v42;
	v13 =	vmul.f32 v13, v41  }
0x157: {  	v12 =	vsel vm4, v18, v12;
	(erf) = vrcp.f32 v6;
	v6 =	vadd.f32 v37, v17  }
0x158: {  	v18 =	vsel vm6, v16, v24;
	v11 =	vmul.f32 v11, v40;
	v13 =	vadd.f32 $-4.993339480e-01, v13  }
0x159: {  	v17 =	vsel vm3, v19, v12;
	v12 =	vsel vm4, v15, v18;
	v6 =	vadd.f32 v33, v6  }
0x15a: {  	v18 =	vsel vm3, v10, v12;
	v11 =	vadd.f32 $-4.993339480e-01, v11;
	v58 =	vmul.f32 v13, v41  }
0x15b: {  	v12 =	vmul.f32 v44, v14;
	v13 =	vmul.f32 v44, v25;
	v6 =	vadd.f32 v32, v6  }
0x15c: {  	v17 =	vsel vm5, v20, v17;
	v11 =	vmul.f32 v11, v40;
	v19 =	vadd.f32 $9.999702570e-01, v58  }
0x15d: {  	v17 =	vsel vm0, v21, v17;
	v14 =	vsel vm5, v13, v18;
	v6 =	vadd.f32 v31, v6  }
0x15e: {  	v14 =	vsel vm0, v9, v14;
	v11 =	vadd.f32 $9.999702570e-01, v11;
	v18 =	vmul.f32 v19, v41  }
0x15f: {  	v17 =	vsel vm1, v22, v17;
	v14 =	vsel vm1, v12, v14;
	v6 =	vadd.f32 v39, v6  }
0x160: {  	v14 =	vsel vm7, v43, v14;
	v19 =	vmul.f32 v11, v40;
	v18 =	vadd.f32 $2.215976450e-07, v18  }
0x161: {  	v17 =	vsel vm7, v23, v17;
	v11 =	vadd.f32 $1.000000050e-03, v14;
	v14 =	vmax.f32 v30, $0.0e+00  }
0x162: {  	(erf) = vrcp.f32 v6;
	v19 =	vadd.f32 $2.215976450e-07, v19;
	v14 =	vadd.f32 v18, v14  }
0x163: {  	v22 =	vsub.f32 v3, v17;
	v20 =	vpop (erf);
	v18 =	vmax.f32 v27, $0.0e+00  }
0x164: {  	v6 =	vadd.f32 v19, v18;
	v21 =	vadd.f32 $1.000000050e-03, v14;
	v14 =	vmul.f32 v11, v20;
	_ =	sdelay $0x1  }
0x165: {  	v23 =	vmul.f32 v20, v22;
	v17 =	vadd.f32 $1.000000050e-03, v6;
	v6 =	vsub.f32 v21, v14  }
0x166: {  	v60 =	vld [tilespmem:s17+$0xC00]  }
0x167: {  	v22 =	vsub.f32 $1.000000000e+00, v23;
	v19 =	vld [tilespmem:s17+$0x900];
	v6 =	vadd.f32 v6, v17  }
0x168: {  	v25 =	vld [tilespmem:s17+$0x980]  }
0x169: {  	v59 =	vld [tilespmem:s17+$0xC80];
	v18 =	vmul.f32 v22, v23;
	v6 =	vsub.f32 v6, v14  }
0x16a: {  	v30 =	vpop (erf)  }
0x16b: {  	v27 =	vld [tilespmem:s17+$0xA00];
	v30 =	vmul.f32 $5.992000100e+00, v30;
	v6 =	vmul.f32 v6, v18  }
0x16c: {  	v41 =	vmul.f32 $1.442695020e+00, v60;
	v19 =	vmul.f32 $1.442695020e+00, v19  }
0x16d: {  	v25 =	vmul.f32 $1.442695020e+00, v25;
	v26 =	vmul.f32 v30, v26;
	v6 =	vadd.f32 v6, v14  }
0x16e: {  	v61 =	vld [tilespmem:s17+$0x1100];
	v40 =	vmul.f32 $1.442695020e+00, v59;
	(erf) = vpow2.f32 v19  }
0x16f: {  	v63 =	vld [tilespmem:s17+$0x1180];
	v28 =	vmul.f32 v30, v28;
	(erf) = vrcp.f32 v6;
	v6 =	vadd.f32 $1.000000050e-03, v26  }
0x170: {  	v19 =	vmul.f32 $1.442695020e+00, v27;
	v27 =	vld [tilespmem:s17+$0xB80];
	v42 =	vmul.f32 v30, v57  }
0x171: {  	v37 =	vmul.f32 v30, v37;
	v57 =	vld [tilespmem:s17+$0x1200];
	v62 =	vadd.f32 $1.000000050e-03, v28;
	v44 =	vadd.f32 $-3.000000000e+00, v6  }
0x172: {  	v33 =	vmul.f32 v30, v33;
	(erf) = vpow2.f32 v25;
	v25 =	vld [tilespmem:s17+$0xB00]  }
0x173: {  	v32 =	vmul.f32 v30, v32;
	v56 =	vadd.f32 $1.000000050e-03, v42;
	v6 =	vld [tilespmem:s17+$0x0];
	v45 =	vadd.f32 v44, v62  }
0x174: {  	v31 =	vmul.f32 v30, v31;
	v59 =	vadd.f32 $1.000000050e-03, v37;
	(erf) = vpow2.f32 v19;
	v19 =	vld [tilespmem:s17+$0xA80]  }
0x175: {  	v58 =	vld [tilespmem:s17+$0x1280];
	v27 =	vmul.f32 $1.442695020e+00, v27;
	(erf) = vpow2.f32 v40;
	v46 =	vadd.f32 v45, v56  }
0x176: {  	v49 =	vld [tilespmem:s17+$0x1300];
	v50 =	vadd.f32 $1.000000050e-03, v32;
	(erf) = vpow2.f32 v41;
	v62 =	vadd.f32 $1.000000050e-03, v31  }
0x177: {  	v51 =	vld [tilespmem:s17+$0x1380];
	(erf) = vpow2.f32 v27;
	v27 =	vadd.f32 $1.000000050e-03, v33;
	v48 =	vadd.f32 v46, v59  }
0x178: {  	v25 =	vmul.f32 $1.442695020e+00, v25;
	vm11 =	vle.f32 v44, v6;
	vm13 =	vle.f32 v45, v6  }
0x179: {  	v53 =	vld [tilespmem:s17+$0x1400];
	v19 =	vmul.f32 $1.442695020e+00, v19;
	v52 =	vsel vm11, v57, v63;
	v54 =	vadd.f32 v48, v27  }
0x17a: {  	vm9 =	vle.f32 v46, v6;
	v60 =	vsel vm13, v58, v52;
	v27 =	vsel vm11, v63, v61;
	v61 =	vld [tilespmem:s17+$0x1480]  }
0x17b: {  	v55 =	vld [tilespmem:s17+$0x1900];
	v40 =	vsel vm9, v49, v60;
	vm10 =	vle.f32 v48, v6;
	v50 =	vadd.f32 v54, v50  }
0x17c: {  	(erf) = vpow2.f32 v25;
	v27 =	vsel vm13, v57, v27;
	v40 =	vsel vm10, v51, v40  }
0x17d: {  	vm14 =	vle.f32 v54, v6;
	v27 =	vsel vm9, v58, v27;
	v41 =	vadd.f32 v50, v62  }
0x17e: {  	v40 =	vsel vm14, v53, v40;
	v27 =	vsel vm10, v49, v27;
	vm8 =	vle.f32 v50, v6  }
0x17f: {  	v25 =	vsel vm14, v51, v27;
	v40 =	vsel vm8, v61, v40;
	vm12 =	vle.f32 v41, v6  }
0x180: {  	(erf) = vpow2.f32 v19;
	v19 =	vsel vm8, v53, v25;
	v40 =	vsel vm12, v55, v40  }
0x181: {  	v43 =	vsel vm12, v61, v19;
	v25 =	vand.u32 $0x7FFFFFFF, v40  }
0x182: {  	v27 =	vpop (erf);
	v63 =	vand.u32 $0x7FFFFFFF, v43;
	v25 =	vsub.f32 $0.0e+00, v25  }
0x183: {  	v19 =	vpop (erf);
	v47 =	vsub.f32 $0.0e+00, v63  }
0x184: {  	v49 =	vpop (erf);
	v25 =	vmul.f32 $1.442695020e+00, v25  }
0x185: {  	v51 =	vpop (erf);
	v47 =	vmul.f32 $1.442695020e+00, v47  }
0x186: {  	v52 =	vpop (erf);
	(erf) = vpow2.f32 v25  }
0x187: {  	v53 =	vpop (erf);
	v25 =	vadd.f32 v49, v27  }
0x188: {  	v55 =	vpop (erf);
	(erf) = vpow2.f32 v47  }
0x189: {  	v25 =	vadd.f32 v51, v25;
	v47 =	vpop (erf)  }
0x18a: {  	v56 =	vpop (erf)  }
0x18b: {  	v25 =	vadd.f32 v56, v25;
	_ =	sdelay $0x1  }
0x18c: {  	v25 =	vadd.f32 v47, v25;
	_ =	sdelay $0x1  }
0x18d: {  	v25 =	vadd.f32 v55, v25;
	v57 =	vpop (erf)  }
0x18e: {  	v58 =	vmul.f32 $1.024382840e-02, v57  }
0x18f: {  	v25 =	vadd.f32 v53, v25;
	v59 =	vpop (erf)  }
0x190: {  	v60 =	vmul.f32 $1.024382840e-02, v59;
	v58 =	vadd.f32 $-5.326747890e-02, v58  }
0x191: {  	v25 =	vadd.f32 v52, v25  }
0x192: {  	v26 =	vsel vm11, v28, v26;
	v28 =	vadd.f32 $-5.326747890e-02, v60;
	v58 =	vmul.f32 v58, v57  }
0x193: {  	(erf) = vrcp.f32 v25  }
0x194: {  	v25 =	vsel vm13, v42, v26;
	v26 =	vmul.f32 v28, v59;
	v28 =	vadd.f32 $1.319896580e-01, v58  }
0x195: {  	vm14 =	vmmov vm14;
	v25 =	vsel vm9, v37, v25  }
0x196: {  	v25 =	vsel vm10, v33, v25;
	v26 =	vadd.f32 $1.319896580e-01, v26;
	v28 =	vmul.f32 v28, v57  }
0x197: {  	vm8 =	vmmov vm8;
	v25 =	vsel vm14, v32, v25  }
0x198: {  	v26 =	vmul.f32 v26, v59;
	v42 =	vadd.f32 $-2.239668970e-01, v28;
	v28 =	vimm.s32 $0x0  }
0x199: {  	v30 =	vmul.f32 v30, v39;
	v25 =	vsel vm8, v31, v25;
	v28 =	vsel vm8, $0xFFFFFFFF, v28  }
0x19a: {  	v31 =	vadd.f32 v14, v14;
	v26 =	vadd.f32 $-2.239668970e-01, v26;
	[tilespmem:$0x1FFF0] =	vst v28;
	v28 =	vmul.f32 v23, v23  }
0x19b: {  	v23 =	vsel vm12, v30, v25;
	v25 =	vmul.f32 v17, v22;
	v30 =	vmul.f32 v42, v57  }
0x19c: {  	v31 =	vmul.f32 v31, v18;
	v23 =	vadd.f32 $1.000000050e-03, v23;
	v21 =	vmul.f32 v21, v28  }
0x19d: {  	v32 =	vmul.f32 v25, v22;
	v22 =	vpop (erf);
	v25 =	vmul.f32 v26, v59;
	v26 =	vadd.f32 $3.275117280e-01, v30  }
0x19e: {  	(erf) = vrcp.f32 v23;
	v33 =	vadd.f32 v21, v31;
	v21 =	vmul.f32 $5.992000100e+00, v22  }
0x19f: {  	v22 =	vadd.f32 $3.275117280e-01, v25;
	v23 =	vmul.f32 v26, v57;
	v25 =	vnsel vm11, $0xC0400000, v44  }
0x1a0: {  	v26 =	vsel vm13, v45, v25;
	v52 =	vmul.f32 v21, v52;
	v31 =	vmul.f32 v21, v27  }
0x1a1: {  	v30 =	vmul.f32 v21, v49;
	v22 =	vmul.f32 v22, v59;
	v23 =	vadd.f32 $-4.993339480e-01, v23  }
0x1a2: {  	v25 =	vmul.f32 v21, v56;
	v27 =	vmul.f32 v21, v51;
	v58 =	vsel vm9, v46, v26  }
0x1a3: {  	v60 =	vsel vm11, v30, v31;
	v22 =	vadd.f32 $-4.993339480e-01, v22;
	v61 =	vmul.f32 v23, v57  }
0x1a4: {  	v26 =	vmul.f32 v21, v47;
	v23 =	vmul.f32 v21, v55;
	v42 =	vsel vm13, v27, v60  }
0x1a5: {  	v42 =	vsel vm9, v25, v42;
	v22 =	vmul.f32 v22, v59;
	v44 =	vadd.f32 $9.999702570e-01, v61  }
0x1a6: {  	v39 =	vsel vm10, v48, v58;
	v21 =	vmul.f32 v21, v53;
	v42 =	vsel vm10, v26, v42  }
0x1a7: {  	v44 =	vmul.f32 v44, v57;
	v42 =	vsel vm14, v23, v42;
	v22 =	vadd.f32 $9.999702570e-01, v22  }
0x1a8: {  	v62 =	vmul.f32 v14, v14;
	v39 =	vsel vm14, v54, v39;
	v42 =	vsel vm8, v21, v42  }
0x1a9: {  	v37 =	vsel vm12, v52, v42;
	v63 =	vmul.f32 v22, v59;
	v44 =	vadd.f32 $2.215976450e-07, v44  }
0x1aa: {  	v46 =	vmax.f32 v40, $0.0e+00;
	v39 =	vsel vm8, v50, v39;
	v22 =	vadd.f32 $1.000000050e-03, v37  }
0x1ab: {  	v39 =	vsel vm12, v41, v39;
	v47 =	vadd.f32 $2.215976450e-07, v63;
	v37 =	vadd.f32 v44, v46  }
0x1ac: {  	v33 =	vadd.f32 v33, v32;
	v48 =	vmax.f32 v43, $0.0e+00;
	v39 =	vsub.f32 v6, v39;
	v41 =	vpop (erf)  }
0x1ad: {  	v32 =	vmul.f32 v22, v41;
	v40 =	vadd.f32 v47, v48;
	v49 =	vadd.f32 $1.000000050e-03, v37  }
0x1ae: {  	v50 =	vmul.f32 v33, v62  }
0x1af: {  	v51 =	vmul.f32 v41, v39;
	v33 =	vadd.f32 $1.000000050e-03, v40;
	v52 =	vsub.f32 v49, v32;
	_ =	sdelay $0x1  }
0x1b0: {  	v53 =	vsub.f32 $1.000000000e+00, v51;
	v37 =	vmul.f32 v19, v50;
	v54 =	vadd.f32 v52, v33;
	_ =	sdelay $0x1  }
0x1b1: {  	v39 =	vmul.f32 v53, v51;
	v37 =	vmul.f32 v37, v19;
	v44 =	vsub.f32 v54, v32;
	_ =	sdelay $0x1  }
0x1b2: {  	v20 =	vmul.f32 v37, v20;
	v55 =	vmul.f32 v44, v39;
	_ =	sdelay $0x1  }
0x1b3: {  	v44 =	vand.u32 $0x7FFFFFFF, v20;
	v20 =	vadd.f32 v55, v32  }
0x1b4: {  	v59 =	vmul.f32 v51, v51;
	v57 =	vadd.f32 v32, v32  }
0x1b5: {  	v56 =	vand.u32 $0x7FFFFF, v44;
	(erf) = vrcp.f32 v20  }
0x1b6: {  	v42 =	vmul.f32 v49, v59;
	v60 =	vmul.f32 v57, v39;
	v58 =	vor.u32 $0x3F800000, v56  }
0x1b7: {  	v61 =	vmul.f32 v33, v53;
	v20 =	vmul.f32 $5.000000000e-01, v58  }
0x1b8: {  	vm8 =	vgt.f32 v58, $1.414213540e+00  }
0x1b9: {  	v40 =	vadd.f32 v42, v60;
	v62 =	vmul.f32 v61, v53;
	v20 =	vsel vm8, v20, v58  }
0x1ba: {  	v63 =	vadd.f32 $-1.000000000e+00, v20;
	v20 =	vmul.f32 v32, v32  }
0x1bb: {  	v40 =	vadd.f32 v40, v62  }
0x1bc: {  	v48 =	vmul.f32 $7.037683580e-02, v63  }
0x1bd: {  	v40 =	vmul.f32 v40, v20  }
0x1be: {  	v42 =	vadd.f32 $-1.151461010e-01, v48;
	v20 =	vpop (erf)  }
0x1bf: {  	v40 =	vmul.f32 v20, v40  }
0x1c0: {  	v42 =	vmul.f32 v42, v63  }
0x1c1: {  	v40 =	vmul.f32 v40, v20  }
0x1c2: {  	v42 =	vadd.f32 $1.167699840e-01, v42  }
0x1c3: {  	v40 =	vmul.f32 v40, v41  }
0x1c4: {  	v49 =	vmul.f32 v42, v63  }
0x1c5: {  	v24 =	vadd.f32 $1.000000050e-03, v24;
	v40 =	vand.u32 $0x7FFFFFFF, v40  }
0x1c6: {  	v41 =	vadd.f32 $-1.242014100e-01, v49;
	v50 =	vand.u32 $0x7FFFFF, v40  }
0x1c7: {  	v16 =	vadd.f32 $1.000000050e-03, v16;
	v24 =	vadd.f32 $-3.000000000e+00, v24;
	v42 =	vor.u32 $0x3F800000, v50  }
0x1c8: {  	v41 =	vmul.f32 v41, v63;
	v51 =	vmul.f32 $5.000000000e-01, v42  }
0x1c9: {  	v15 =	vadd.f32 $1.000000050e-03, v15;
	v16 =	vadd.f32 v24, v16;
	vm15 =	vgt.f32 v42, $1.414213540e+00  }
0x1ca: {  	v10 =	vadd.f32 $1.000000050e-03, v10;
	v41 =	vadd.f32 $1.424932330e-01, v41;
	v42 =	vsel vm15, v51, v42  }
0x1cb: {  	v15 =	vadd.f32 v16, v15;
	v42 =	vadd.f32 $-1.000000000e+00, v42  }
0x1cc: {  	v36 =	vadd.s32 v38, v36;
	v34 =	vmul.f32 v34, v35;
	v53 =	vmul.f32 v41, v63  }
0x1cd: {  	v29 =	vmul.f32 $5.000000000e-01, v29;
	v10 =	vadd.f32 v15, v10;
	v54 =	vmul.f32 $7.037683580e-02, v42  }
0x1ce: {  	v4 =	vmul.f32 v4, v8;
	v8 =	vadd.f32 $1.000000050e-03, v13;
	v38 =	vadd.f32 $-1.666805740e-01, v53  }
0x1cf: {  	v29 =	vsub.f32 v34, v29;
	v52 =	vnsel vm6, $0xC0400000, v24;
	v24 =	vadd.f32 $-1.151461010e-01, v54  }
0x1d0: {  	v9 =	vadd.f32 $1.000000050e-03, v9;
	v8 =	vadd.f32 v10, v8;
	v56 =	vmul.f32 v38, v63  }
0x1d1: {  	v4 =	vadd.f32 v4, v5;
	v12 =	vadd.f32 $1.000000050e-03, v12;
	v24 =	vmul.f32 v24, v42  }
0x1d2: {  	v36 =	vadd.s32 $0xFFFFFF81, v36;
	v9 =	vadd.f32 v8, v9;
	v57 =	vadd.f32 $2.000071410e-01, v56  }
0x1d3: {  	v17 =	vmul.f32 v17, v18;
	v16 =	vsel vm4, v16, v52;
	v24 =	vadd.f32 $1.167699840e-01, v24  }
0x1d4: {  	v15 =	vsel vm3, v15, v16;
	v55 =	vcvt.s32.f32 v36;
	v16 =	vmul.f32 v57, v63  }
0x1d5: {  	v7 =	vadd.f32 v29, v7;
	v14 =	vmul.f32 v14, v28;
	v24 =	vmul.f32 v24, v42  }
0x1d6: {  	v12 =	vadd.f32 v9, v12;
	v29 =	vmul.f32 $6.931471820e-01, v55;
	v58 =	vld [tilespmem:s14+$0x2200];
	v16 =	vadd.f32 $-2.499999400e-01, v16  }
0x1d7: {  	v2 =	vsel vm2, v2, v4;
	v14 =	vadd.f32 v17, v14;
	v13 =	vadd.f32 $-1.242014100e-01, v24  }
0x1d8: {  	v7 =	vadd.f32 v7, v29;
	v16 =	vmul.f32 v16, v63;
	v24 =	vmul.f32 v63, v63  }
0x1d9: {  	v15 =	vsel vm5, v10, v15;
	v18 =	vshrl.u32 v44, $0x17;
	v10 =	vmul.f32 v13, v42  }
0x1da: {  	v7 =	vsel vm2, $0x0, v7;
	v13 =	vadd.f32 $3.333333130e-01, v16;
	v16 =	vmul.f32 v24, v63  }
0x1db: {  	v29 =	vsel vm8, $0x1, v1;
	v7 =	vadd.f32 v7, v58;
	v10 =	vadd.f32 $1.424932330e-01, v10  }
0x1dc: {  	v13 =	vmul.f32 v13, v16;
	v16 =	vadd.s32 v29, v18;
	v18 =	vmul.f32 $5.000000000e-01, v24  }
0x1dd: {  	v11 =	vmul.f32 v14, v11;
	v16 =	vadd.s32 $0xFFFFFF81, v16;
	v10 =	vmul.f32 v10, v42  }
0x1de: {  	v14 =	vadd.f32 $1.000000050e-03, v31;
	[tilespmem:s14+$0x2200] =	vst v7;
	v13 =	vsub.f32 v13, v18;
	v16 =	vcvt.s32.f32 v16  }
0x1df: {  	v17 =	vadd.f32 $1.000000050e-03, v23;
	vm3 =	vmmov vm7;
	v7 =	vld [tilespmem:$0x1FFF0];
	v10 =	vadd.f32 $-1.666805740e-01, v10  }
0x1e0: {  	v8 =	vsel vm0, v8, v15;
	v5 =	vadd.f32 v13, v63;
	v13 =	vmul.f32 $6.931471820e-01, v16  }
0x1e1: {  	v15 =	vadd.f32 $1.000000050e-03, v26;
	v8 =	vsel vm1, v9, v8;
	v10 =	vmul.f32 v10, v42  }
0x1e2: {  	vm1 =	vmmov vm12;
	v4 =	vadd.f32 v5, v13;
	v13 =	vadd.f32 $-3.000000000e+00, v14  }
0x1e3: {  	v9 =	vld [tilespmem:s15+$0x2200];
	v8 =	vsel vm3, v12, v8;
	v14 =	vadd.f32 $1.000000050e-03, v30;
	v5 =	vadd.f32 $2.000071410e-01, v10  }
0x1e4: {  	vm2 =	vnez.u8 v7;
	v23 =	vsel vm15, $0x1, v1;
	v16 =	vmul.f32 v33, v39  }
0x1e5: {  	v10 =	vand.u32 $0x7FFFFFFF, v3;
	v12 =	vadd.f32 v13, v14;
	v5 =	vmul.f32 v5, v42  }
0x1e6: {  	v13 =	vnsel vm11, $0xC0400000, v13;
	v14 =	vmul.f32 v42, v42;
	vm0 =	vge.f32 v10, $3.000000000e+00  }
0x1e7: {  	v10 =	vadd.f32 $1.000000050e-03, v27;
	v4 =	vsel vm0, $0x0, v4;
	v5 =	vadd.f32 $-2.499999400e-01, v5  }
0x1e8: {  	v18 =	vmul.f32 v14, v42;
	v4 =	vadd.f32 v4, v9;
	v9 =	vmul.f32 v19, v11  }
0x1e9: {  	v11 =	vadd.f32 $1.000000050e-03, v25;
	v10 =	vadd.f32 v12, v10;
	v5 =	vmul.f32 v5, v42  }
0x1ea: {  	v14 =	vmul.f32 $5.000000000e-01, v14;
	v19 =	vshrl.u32 v40, $0x17;
	v12 =	vsel vm13, v12, v13  }
0x1eb: {  	v13 =	vmul.f32 v32, v59;
	v11 =	vadd.f32 v10, v11;
	v5 =	vadd.f32 $3.333333130e-01, v5  }
0x1ec: {  	v19 =	vadd.s32 v23, v19;
	v10 =	vsel vm9, v10, v12;
	v12 =	vadd.f32 $1.000000050e-03, v21  }
0x1ed: {  	v13 =	vadd.f32 v16, v13;
	v15 =	vadd.f32 v11, v15;
	v5 =	vmul.f32 v5, v18  }
0x1ee: {  	v8 =	vadd.f32 v9, v8;
	v10 =	vsel vm10, v11, v10;
	v18 =	vadd.s32 $0xFFFFFF81, v19  }
0x1ef: {  	v17 =	vadd.f32 v15, v17;
	v5 =	vsub.f32 v5, v14;
	v14 =	vcvt.s32.f32 v18  }
0x1f0: {  	v9 =	vand.u32 $0x7FFFFFFF, v6;
	v13 =	vmul.f32 v13, v22;
	v10 =	vsel vm14, v15, v10  }
0x1f1: {  	v12 =	vadd.f32 v17, v12;
	v5 =	vadd.f32 v5, v42;
	v11 =	vmul.f32 $6.931471820e-01, v14;
	v14 =	vld [tilespmem:s17+$0x2200]  }
0x1f2: {  	v7 =	vsel vm2, v17, v10;
	vm2 =	vge.f32 v9, $3.000000000e+00;
	v9 =	vmul.f32 v20, v13  }
0x1f3: {  	s19 =	sshll.u32 s11, $0xD;
	[tilespmem:s14+$0x2100] =	vst v2;
	v2 =	vsel vm1, v12, v7;
	v5 =	vadd.f32 v5, v11  }
0x1f4: {  	s19 =	sand.u32 $0x38000, s19;
	v2 =	vadd.f32 v9, v2  }
0x1f5: {  	s14 =	sor.u32 s19, s18;
	[tilespmem:s15+$0x2200] =	vst v4;
	v3 =	vsel vm0, v3, v8;
	v5 =	vsel vm2, $0x0, v5  }
0x1f6: {  	p1 =	seq.s32 s11, $0x1F;
	s14 =	sor.u32 s8, s14;
	[tilespmem:s15+$0x2100] =	vst v3;
	v2 =	vsel vm2, v6, v2;
	v4 =	vadd.f32 v5, v14  }
0x1f7: {  	s14 =	sshrl.u32 s14, $0x3;
	s15 =	sadd.s32 @!p1 $0x2, s13;
	[tilespmem:s17+$0x2100] =	vst v2  }
0x1f8: {  	s20 =	sadd.s32 s7, s14;
	s18 =	sshll.u32 @!p1 s15, $0xE;
	[tilespmem:s17+$0x2200] =	vst v4;
	s17 =	sshll.u32 @!p1 s15, $0x7  }
0x1f9: {  	[hbm4b:s20+s6] =	stream.linear.scatter [tilespmem:s5], [sflag:$0x3], $0x80, $0x38;
	[tilespmem:$0x2280] =	vst v63  }
0x1fa: {  	s18 =	sand.u32 @!p1 $0x1E0000, s18;
	s17 =	sand.u32 @!p1 $0x300, s17  }
0x1fb: {  	s17 =	sor.u32 @!p1 s18, s17  }
0x1fc: {  	s15 =	sshll.u32 @!p1 s15, $0x11;
	s17 =	sor.u32 @!p1 s8, s17  }
0x1fd: {  	s15 =	sor.u32 @!p1 s8, s15;
	s17 =	sshrl.u32 @!p1 s17, $0x3  }
0x1fe: {  	s19 =	simm.s32 @!p1 $0x0;
	s15 =	sshrl.u32 @!p1 s15, $0x3;
	s18 =	sadd.s32 @!p1 s1, s17  }
0x1ff: {  	[tilespmem:s19], [sflag:$0x1] =	stream.linear.gather @!p1 [hbm4b:s18+s19], $0x80, $0x38;
	[tilespmem:$0x2280] =	vst v63  }
0x200: {  	s20 =	simm.s32 @!p1 $0x100;
	s18 =	sadd.s32 @!p1 s2, s15  }
0x201: {  	[tilespmem:s20], [sflag:$0x1] =	stream.linear.gather @!p1 [hbm4b:s18+s19], $0x400, $0x38;
	[tilespmem:$0x2280] =	vst v63  }
0x202: {  	s15 =	sadd.s32 @!p1 s3, s15;
	s18 =	simm.s32 @!p1 $0x900;
	s20 =	simm.s32 @!p1 $0x1100  }
0x203: {  	[tilespmem:s18], [sflag:$0x1] =	stream.linear.gather @!p1 [hbm4b:s15+s19], $0x400, $0x38;
	[tilespmem:$0x2280] =	vst v63  }
0x204: {  	s15 =	sadd.s32 @!p1 s4, s17;
	s17 =	simm.s32 @!p1 $0x80;
	s18 =	simm.s32 @!p1 $0x100000  }
0x205: {  	[tilespmem:s20], [sflag:$0x1] =	stream.strided.gather @!p1 [hbm4b:s15+s17], $0x400, s18, s17, $0x38;
	[tilespmem:$0x2280] =	vst v63  }
0x206: {  	s15 =	sadd.s32 @!p1 $0x100000, s15;
	s17 =	simm.s32 @!p1 $0x1900  }
0x207: {  	[tilespmem:s17], [sflag:$0x1] =	stream.linear.gather @!p1 [hbm4b:s15+s19], $0x80, $0x38;
	[tilespmem:$0x2280] =	vst v63  }
0x208: {  	_ =	swait.ge [sflag:s21], $0x80  }
0x209: {  	[sflag:s21] =	ssyncset.done $0x0  }
0x20a: {  	[sflag:s21] =	ssyncadd.s32 $0xFFFFFF80  }
0x20b: {  	_ =	swait.ge [sflag:s21], $0x400  }
0x20c: {  	[sflag:s21] =	ssyncset.done $0x0  }
0x20d: {  	[sflag:s21] =	ssyncadd.s32 $0xFFFFFC00  }
0x20e: {  	_ =	swait.ge [sflag:s21], $0x400  }
0x20f: {  	[sflag:s21] =	ssyncset.done $0x0  }
0x210: {  	[sflag:s21] =	ssyncadd.s32 $0xFFFFFC00  }
0x211: {  	_ =	swait.ge [sflag:s21], $0x480  }
0x212: {  	[sflag:s21] =	ssyncset.done $0x0  }
0x213: {  	s15 =	simm.s32 @!p0 $0x4;
	[sflag:s21] =	ssyncadd.s32 $0xFFFFFB80  }
0x214: {  	_ =	swait.ge @!p0 [sflag:s15], $0x80  }
0x215: {  	[sflag:s15] =	ssyncset.done @!p0 $0x0  }
0x216: {  	[sflag:s15] =	ssyncadd.s32 @!p0 $0xFFFFFF80;
	s15 =	simm.s32 $0x0  }
0x217: {  	v2 =	vld [tilespmem:s15+$0x500]  }
0x218: {  	v3 =	vld [tilespmem:s15+$0x580]  }
0x219: {  	v4 =	vld [tilespmem:s15+$0x880]  }
0x21a: {  	v5 =	vld [tilespmem:s15+$0x800]  }
0x21b: {  	v6 =	vld [tilespmem:s15+$0x780]  }
0x21c: {  	v7 =	vld [tilespmem:s15+$0x700];
	v2 =	vmul.f32 $1.442695020e+00, v2  }
0x21d: {  	v8 =	vld [tilespmem:s15+$0x680];
	v3 =	vmul.f32 $1.442695020e+00, v3  }
0x21e: {  	v4 =	vmul.f32 $1.442695020e+00, v4;
	(erf) = vpow2.f32 v2;
	v2 =	vld [tilespmem:s15+$0x600]  }
0x21f: {  	(erf) = vpow2.f32 v3;
	v3 =	vmul.f32 $1.442695020e+00, v5  }
0x220: {  	v5 =	vmul.f32 $1.442695020e+00, v6;
	(erf) = vpow2.f32 v4  }
0x221: {  	v4 =	vmul.f32 $1.442695020e+00, v7;
	(erf) = vpow2.f32 v3  }
0x222: {  	v3 =	vmul.f32 $1.442695020e+00, v8;
	(erf) = vpow2.f32 v5  }
0x223: {  	v2 =	vmul.f32 $1.442695020e+00, v2;
	(erf) = vpow2.f32 v4  }
0x224: {  	(erf) = vpow2.f32 v3  }
0x225: {  	(erf) = vpow2.f32 v2;
	_ =	sdelay $0x1  }
0x226: {  	v2 =	vpop (erf)  }
0x227: {  	v5 =	vpop (erf)  }
0x228: {  	v3 =	vpop (erf)  }
0x229: {  	v7 =	vpop (erf)  }
0x22a: {  	v8 =	vpop (erf)  }
0x22b: {  	v10 =	vpop (erf)  }
0x22c: {  	v4 =	vadd.f32 v5, v2;
	v9 =	vpop (erf)  }
0x22d: {  	v6 =	vpop (erf)  }
0x22e: {  	v4 =	vadd.f32 v6, v4;
	_ =	sdelay $0x1  }
0x22f: {  	v4 =	vadd.f32 v9, v4;
	_ =	sdelay $0x1  }
0x230: {  	v4 =	vadd.f32 v10, v4;
	_ =	sdelay $0x1  }
0x231: {  	v4 =	vadd.f32 v8, v4;
	_ =	sdelay $0x1  }
0x232: {  	v4 =	vadd.f32 v7, v4;
	_ =	sdelay $0x1  }
0x233: {  	v4 =	vadd.f32 v3, v4;
	_ =	sdelay $0x1  }
0x234: {  	(erf) = vrcp.f32 v4;
	_ =	sdelay $0x3  }
0x235: {  	v4 =	vld [tilespmem:s15+$0xD00]  }
0x236: {  	v12 =	vld [tilespmem:s15+$0xD80]  }
0x237: {  	v11 =	vld [tilespmem:s15+$0xE00];
	_ =	sdelay $0x1  }
0x238: {  	v13 =	vld [tilespmem:s15+$0x1080]  }
0x239: {  	v16 =	vld [tilespmem:s15+$0x1000];
	v15 =	vmul.f32 $1.442695020e+00, v4;
	v14 =	vpop (erf)  }
0x23a: {  	v12 =	vmul.f32 $1.442695020e+00, v12;
	v4 =	vmul.f32 $5.992000100e+00, v14  }
0x23b: {  	v11 =	vmul.f32 $1.442695020e+00, v11;
	(erf) = vpow2.f32 v15;
	v15 =	vld [tilespmem:s15+$0xF80]  }
0x23c: {  	(erf) = vpow2.f32 v12;
	v14 =	vmul.f32 v4, v2  }
0x23d: {  	(erf) = vpow2.f32 v11;
	v2 =	vmul.f32 $1.442695020e+00, v13  }
0x23e: {  	v19 =	vld [tilespmem:s15+$0x1580];
	v11 =	vmul.f32 $1.442695020e+00, v16;
	v17 =	vmul.f32 v4, v5;
	v5 =	vadd.f32 $1.000000050e-03, v14  }
0x23f: {  	v12 =	vld [tilespmem:s15+$0xF00];
	v18 =	vmul.f32 v4, v6;
	(erf) = vpow2.f32 v2  }
0x240: {  	v13 =	vld [tilespmem:s15+$0xE80];
	v15 =	vmul.f32 $1.442695020e+00, v15;
	v6 =	vadd.f32 $-3.000000000e+00, v5;
	v5 =	vadd.f32 $1.000000050e-03, v17  }
0x241: {  	v20 =	vmul.f32 v4, v9;
	v2 =	vld [tilespmem:s15+$0x80];
	(erf) = vpow2.f32 v11  }
0x242: {  	(erf) = vpow2.f32 v15;
	v15 =	vld [tilespmem:s15+$0x1600];
	v9 =	vadd.f32 v6, v5;
	v5 =	vadd.f32 $1.000000050e-03, v18  }
0x243: {  	v16 =	vld [tilespmem:s15+$0x1500];
	v21 =	vmul.f32 v4, v10  }
0x244: {  	v10 =	vld [tilespmem:s15+$0x1680];
	v22 =	vadd.f32 $1.000000050e-03, v20;
	v11 =	vadd.f32 v9, v5  }
0x245: {  	v23 =	vmul.f32 v4, v8;
	v8 =	vadd.f32 $1.000000050e-03, v21;
	v12 =	vmul.f32 $1.442695020e+00, v12  }
0x246: {  	v24 =	vld [tilespmem:s15+$0x1700];
	v13 =	vmul.f32 $1.442695020e+00, v13;
	vm5 =	vle.f32 v6, v2;
	v5 =	vadd.f32 v11, v22  }
0x247: {  	v25 =	vld [tilespmem:s15+$0x1780];
	(erf) = vpow2.f32 v12;
	vm4 =	vle.f32 v9, v2;
	v12 =	vsel vm5, v15, v19  }
0x248: {  	v26 =	vld [tilespmem:s15+$0x1800];
	v22 =	vmul.f32 v4, v7;
	v7 =	vadd.f32 $1.000000050e-03, v23;
	v8 =	vadd.f32 v5, v8  }
0x249: {  	(erf) = vpow2.f32 v13;
	v13 =	vsel vm5, v19, v16;
	v19 =	vld [tilespmem:s15+$0x1880];
	v16 =	vsel vm4, v10, v12  }
0x24a: {  	v28 =	vld [tilespmem:s15+$0x1D00];
	vm3 =	vle.f32 v11, v2;
	v27 =	vadd.f32 $1.000000050e-03, v22;
	v12 =	vadd.f32 v8, v7  }
0x24b: {  	vm0 =	vle.f32 v5, v2;
	v7 =	vsel vm4, v15, v13;
	v13 =	vsel vm3, v24, v16  }
0x24c: {  	vm1 =	vle.f32 v8, v2;
	v15 =	vsel vm0, v25, v13;
	v13 =	vadd.f32 v12, v27  }
0x24d: {  	v7 =	vsel vm3, v10, v7;
	vm7 =	vle.f32 v12, v2;
	v15 =	vsel vm1, v26, v15  }
0x24e: {  	s17 =	simm.s32 $0x10;
	v16 =	vpop (erf);
	v7 =	vsel vm0, v24, v7;
	v15 =	vsel vm7, v19, v15;
	vm6 =	vle.f32 v13, v2  }
0x24f: {  	v10 =	vld [tilespmem:s17+$0x500];
	v27 =	vpop (erf);
	v7 =	vsel vm1, v25, v7;
	v15 =	vsel vm6, v28, v15  }
0x250: {  	v24 =	vpop (erf);
	v7 =	vsel vm7, v26, v7;
	v26 =	vand.u32 $0x7FFFFFFF, v15  }
0x251: {  	v25 =	vpop (erf)  }
0x252: {  	v28 =	vadd.f32 v27, v16;
	v29 =	vpop (erf)  }
0x253: {  	v19 =	vsel vm6, v19, v7;
	v7 =	vsub.f32 $0.0e+00, v26;
	v26 =	vpop (erf)  }
0x254: {  	v30 =	vand.u32 $0x7FFFFFFF, v19;
	v10 =	vmul.f32 $1.442695020e+00, v10;
	v28 =	vadd.f32 v24, v28;
	v31 =	vpop (erf)  }
0x255: {  	v30 =	vsub.f32 $0.0e+00, v30;
	v59 =	vpop (erf)  }
0x256: {  	(erf) = vpow2.f32 v10;
	v7 =	vmul.f32 $1.442695020e+00, v7;
	v10 =	vadd.f32 v59, v28;
	_ =	sdelay $0x1  }
0x257: {  	(erf) = vpow2.f32 v7;
	v28 =	vmul.f32 $1.442695020e+00, v30;
	v7 =	vadd.f32 v31, v10;
	_ =	sdelay $0x1  }
0x258: {  	(erf) = vpow2.f32 v28;
	v7 =	vadd.f32 v26, v7;
	_ =	sdelay $0x1  }
0x259: {  	v10 =	vld [tilespmem:s17+$0x580];
	v7 =	vadd.f32 v29, v7;
	_ =	sdelay $0x1  }
0x25a: {  	v28 =	vld [tilespmem:s17+$0x880];
	_ =	sdelay $0x1  }
0x25b: {  	v30 =	vld [tilespmem:s17+$0x800];
	v61 =	vadd.f32 v25, v7;
	v7 =	vpop (erf)  }
0x25c: {  	v10 =	vmul.f32 $1.442695020e+00, v10;
	v63 =	vpop (erf)  }
0x25d: {  	v62 =	vld [tilespmem:s17+$0x700];
	(erf) = vrcp.f32 v61;
	v43 =	vmul.f32 $1.024382840e-02, v63  }
0x25e: {  	v60 =	vld [tilespmem:s17+$0x780];
	(erf) = vpow2.f32 v10;
	v10 =	vmul.f32 $1.442695020e+00, v28;
	v28 =	vpop (erf)  }
0x25f: {  	v42 =	vld [tilespmem:s17+$0x680];
	v14 =	vsel vm5, v17, v14;
	v45 =	vmul.f32 $1.024382840e-02, v28;
	v34 =	vadd.f32 $-5.326747890e-02, v43  }
0x260: {  	v14 =	vsel vm4, v18, v14;
	v30 =	vmul.f32 $1.442695020e+00, v30  }
0x261: {  	(erf) = vpow2.f32 v10;
	v10 =	vadd.f32 $-5.326747890e-02, v45;
	v34 =	vmul.f32 v34, v63  }
0x262: {  	v35 =	vmul.f32 $1.442695020e+00, v62;
	v14 =	vsel vm3, v20, v14  }
0x263: {  	v44 =	vld [tilespmem:s17+$0x600];
	(erf) = vpow2.f32 v30;
	v10 =	vmul.f32 v10, v28;
	v30 =	vadd.f32 $1.319896580e-01, v34  }
0x264: {  	v33 =	vmul.f32 $1.442695020e+00, v60;
	v37 =	vmul.f32 $1.442695020e+00, v42;
	v14 =	vsel vm0, v21, v14  }
0x265: {  	vm2 =	vmmov vm1;
	v47 =	vadd.f32 $1.319896580e-01, v10;
	v30 =	vmul.f32 v30, v63  }
0x266: {  	v3 =	vmul.f32 v4, v3;
	v14 =	vsel vm2, v23, v14;
	vm1 =	vmmov vm7  }
0x267: {  	v4 =	vsel vm1, v22, v14;
	v17 =	vmul.f32 v47, v28;
	v30 =	vadd.f32 $-2.239668970e-01, v30  }
0x268: {  	v46 =	vmul.f32 $1.442695020e+00, v44;
	v3 =	vsel vm6, v3, v4;
	(erf) = vpow2.f32 v33  }
0x269: {  	(erf) = vpow2.f32 v35;
	v48 =	vpop (erf);
	v17 =	vadd.f32 $-2.239668970e-01, v17;
	v18 =	vmul.f32 v30, v63  }
0x26a: {  	v3 =	vadd.f32 $1.000000050e-03, v3;
	(erf) = vpow2.f32 v37;
	v49 =	vmul.f32 $5.992000100e+00, v48  }
0x26b: {  	(erf) = vpow2.f32 v46;
	v17 =	vmul.f32 v17, v28;
	v18 =	vadd.f32 $3.275117280e-01, v18  }
0x26c: {  	v10 =	vpop (erf);
	(erf) = vrcp.f32 v3;
	v20 =	vmul.f32 v49, v25  }
0x26d: {  	v14 =	vmul.f32 v49, v16;
	v16 =	vadd.f32 $3.275117280e-01, v17;
	v17 =	vmul.f32 v18, v63  }
0x26e: {  	v4 =	vmul.f32 v49, v27;
	v22 =	vmul.f32 v49, v24;
	v18 =	vnsel vm5, $0xC0400000, v6  }
0x26f: {  	v16 =	vmul.f32 v16, v28;
	v9 =	vsel vm4, v9, v18;
	v17 =	vadd.f32 $-4.993339480e-01, v17  }
0x270: {  	v21 =	vmul.f32 v49, v59;
	v18 =	vsel vm5, v4, v14;
	v9 =	vsel vm3, v11, v9  }
0x271: {  	v11 =	vsel vm4, v22, v18;
	v16 =	vadd.f32 $-4.993339480e-01, v16;
	v17 =	vmul.f32 v17, v63  }
0x272: {  	v25 =	vmul.f32 v49, v26;
	v3 =	vmul.f32 v49, v31;
	v6 =	vpop (erf);
	v11 =	vsel vm3, v21, v11  }
0x273: {  	v23 =	vpop (erf);
	v5 =	vsel vm0, v5, v9;
	v16 =	vmul.f32 v16, v28;
	v17 =	vadd.f32 $9.999702570e-01, v17  }
0x274: {  	v29 =	vmul.f32 v49, v29;
	v24 =	vpop (erf);
	v9 =	vsel vm0, v3, v11;
	v5 =	vsel vm2, v8, v5  }
0x275: {  	v18 =	vpop (erf);
	v9 =	vsel vm2, v25, v9;
	v11 =	vadd.f32 $9.999702570e-01, v16;
	v16 =	vmul.f32 v17, v63  }
0x276: {  	v50 =	vadd.f32 v10, v7;
	v27 =	vpop (erf);
	v12 =	vsel vm1, v12, v5;
	v8 =	vsel vm1, v29, v9  }
0x277: {  	v30 =	vpop (erf);
	v8 =	vsel vm6, v20, v8;
	v9 =	vmul.f32 v11, v28;
	v11 =	vadd.f32 $2.215976450e-07, v16  }
0x278: {  	v17 =	vadd.f32 v30, v50;
	v5 =	vadd.f32 $1.000000050e-03, v8;
	v8 =	vmax.f32 v15, $0.0e+00  }
0x279: {  	v12 =	vsel vm6, v13, v12;
	v9 =	vadd.f32 $2.215976450e-07, v9;
	v8 =	vadd.f32 v11, v8  }
0x27a: {  	v13 =	vmax.f32 v19, $0.0e+00;
	v12 =	vsub.f32 v2, v12;
	v19 =	vpop (erf);
	v11 =	vadd.f32 v27, v17  }
0x27b: {  	v9 =	vadd.f32 v9, v13;
	v13 =	vadd.f32 $1.000000050e-03, v8;
	v8 =	vmul.f32 v5, v19  }
0x27c: {  	v14 =	vadd.f32 $1.000000050e-03, v14;
	v12 =	vmul.f32 v19, v12;
	v11 =	vadd.f32 v18, v11  }
0x27d: {  	v15 =	vadd.f32 $1.000000050e-03, v9;
	v9 =	vsub.f32 v13, v8  }
0x27e: {  	v4 =	vadd.f32 $1.000000050e-03, v4;
	v20 =	vld [tilespmem:s17+$0xE00];
	v17 =	vsub.f32 $1.000000000e+00, v12  }
0x27f: {  	v16 =	vld [tilespmem:s17+$0xD00];
	v11 =	vadd.f32 v24, v11;
	v9 =	vadd.f32 v9, v15  }
0x280: {  	v22 =	vadd.f32 $1.000000050e-03, v22;
	v14 =	vadd.f32 $-3.000000000e+00, v14  }
0x281: {  	v26 =	vld [tilespmem:s17+$0xD80];
	v28 =	vmul.f32 v17, v12;
	v11 =	vadd.f32 v23, v11;
	v9 =	vsub.f32 v9, v8  }
0x282: {  	v21 =	vadd.f32 $1.000000050e-03, v21;
	v31 =	vnsel vm5, $0xC0400000, v14;
	v4 =	vadd.f32 v14, v4  }
0x283: {  	v35 =	vmul.f32 v12, v12;
	v11 =	vadd.f32 v6, v11;
	v14 =	vmul.f32 v9, v28  }
0x284: {  	v51 =	vld [tilespmem:s17+$0x1080];
	v22 =	vadd.f32 v4, v22;
	v20 =	vmul.f32 $1.442695020e+00, v20;
	v16 =	vmul.f32 $1.442695020e+00, v16  }
0x285: {  	v53 =	vld [tilespmem:s17+$0xF80];
	v13 =	vmul.f32 v13, v35;
	(erf) = vrcp.f32 v11;
	v11 =	vadd.f32 v14, v8  }
0x286: {  	v52 =	vld [tilespmem:s17+$0x1000];
	(erf) = vpow2.f32 v16;
	v16 =	vadd.f32 v8, v8;
	v14 =	vmul.f32 $1.442695020e+00, v26  }
0x287: {  	v3 =	vadd.f32 $1.000000050e-03, v3;
	v12 =	vld [tilespmem:s17+$0xF00];
	v9 =	vmul.f32 v15, v28;
	(erf) = vrcp.f32 v11  }
0x288: {  	v26 =	vadd.f32 v22, v21;
	v11 =	vmul.f32 v16, v28;
	(erf) = vpow2.f32 v14  }
0x289: {  	v16 =	vmul.f32 $1.442695020e+00, v51;
	v14 =	vmul.f32 v15, v17  }
0x28a: {  	v28 =	vadd.f32 v26, v3;
	v3 =	vmul.f32 $1.442695020e+00, v53;
	(erf) = vpow2.f32 v20  }
0x28b: {  	v21 =	vmul.f32 $1.442695020e+00, v52;
	v20 =	vld [tilespmem:s17+$0xE80];
	v11 =	vadd.f32 v13, v11;
	v13 =	vmul.f32 v14, v17  }
0x28c: {  	v4 =	vsel vm4, v4, v31;
	v12 =	vmul.f32 $1.442695020e+00, v12;
	(erf) = vpow2.f32 v16  }
0x28d: {  	v14 =	vmul.f32 v8, v8;
	(erf) = vpow2.f32 v21;
	v16 =	vadd.f32 v11, v13  }
0x28e: {  	v38 =	vadd.f32 $1.000000050e-03, v29;
	(erf) = vpow2.f32 v3;
	v3 =	vpop (erf)  }
0x28f: {  	v15 =	vadd.f32 $1.000000050e-03, v25;
	v13 =	vmul.f32 $5.992000100e+00, v3;
	v11 =	vpop (erf);
	v3 =	vmul.f32 v16, v14  }
0x290: {  	v37 =	vsel vm3, v22, v4;
	(erf) = vpow2.f32 v12;
	v14 =	vmul.f32 $1.442695020e+00, v20;
	v4 =	vpop (erf)  }
0x291: {  	v34 =	vadd.f32 v28, v15;
	v29 =	vmul.f32 v13, v7;
	v12 =	vpop (erf);
	v3 =	vmul.f32 v4, v3  }
0x292: {  	v15 =	vmul.f32 v13, v23;
	v10 =	vmul.f32 v13, v10;
	v17 =	vadd.f32 v12, v11  }
0x293: {  	v31 =	vmul.f32 v13, v30;
	v20 =	vadd.f32 $1.000000050e-03, v29;
	v16 =	vpop (erf);
	v21 =	vmul.f32 v3, v4  }
0x294: {  	v7 =	vld [tilespmem:s17+$0x1500];
	v24 =	vmul.f32 v13, v24;
	v32 =	vmul.f32 v13, v27;
	v23 =	vadd.f32 v16, v17  }
0x295: {  	v3 =	vld [tilespmem:s17+$0x80];
	v17 =	vadd.f32 $-3.000000000e+00, v20;
	v20 =	vadd.f32 $1.000000050e-03, v10;
	v19 =	vmul.f32 v21, v19  }
0x296: {  	vm8 =	vmmov vm6;
	v33 =	vmul.f32 v13, v18;
	(erf) = vpow2.f32 v14;
	v14 =	vld [tilespmem:s17+$0x1580]  }
0x297: {  	v22 =	vld [tilespmem:s17+$0x1600];
	v18 =	vadd.f32 v17, v20;
	v20 =	vadd.f32 $1.000000050e-03, v31;
	v36 =	vand.u32 $0x7FFFFFFF, v19  }
0x298: {  	v27 =	vadd.f32 $1.000000050e-03, v24;
	v25 =	vadd.f32 $1.000000050e-03, v33;
	v54 =	vand.u32 $0x7FFFFF, v36  }
0x299: {  	v30 =	vld [tilespmem:s17+$0x1680];
	v21 =	vadd.f32 $1.000000050e-03, v32;
	v19 =	vadd.f32 v18, v20;
	v39 =	vor.u32 $0x3F800000, v54  }
0x29a: {  	vm6 =	vle.f32 v17, v3;
	vm4 =	vle.f32 v18, v3;
	v57 =	vmul.f32 $5.000000000e-01, v39  }
0x29b: {  	v55 =	vld [tilespmem:s17+$0x1700];
	v7 =	vsel vm6, v14, v7;
	v20 =	vadd.f32 v19, v21;
	vm13 =	vgt.f32 v39, $1.414213540e+00  }
0x29c: {  	v58 =	vld [tilespmem:s17+$0x1780];
	v56 =	vsel vm6, v22, v14;
	v22 =	vsel vm4, v22, v7;
	v7 =	vsel vm13, v57, v39  }
0x29d: {  	v43 =	vpop (erf);
	vm3 =	vle.f32 v19, v3;
	v21 =	vadd.f32 v20, v25;
	v7 =	vadd.f32 $-1.000000000e+00, v7  }
0x29e: {  	v59 =	vld [tilespmem:s17+$0x1800];
	v8 =	vmul.f32 v8, v35;
	v14 =	vpop (erf);
	v41 =	vsel vm4, v30, v56;
	v30 =	vsel vm3, v30, v22  }
0x29f: {  	v60 =	vld [tilespmem:s17+$0x1880];
	v42 =	vpop (erf);
	vm5 =	vle.f32 v20, v3;
	v22 =	vadd.f32 v21, v27;
	v27 =	vmul.f32 $7.037683580e-02, v7  }
0x2a0: {  	v62 =	vld [tilespmem:s17+$0x1D00];
	v61 =	vadd.f32 $1.000000050e-03, v15;
	v41 =	vsel vm3, v55, v41;
	v25 =	vpop (erf);
	v30 =	vsel vm5, v55, v30  }
0x2a1: {  	v47 =	vpop (erf);
	v52 =	vsel vm5, v58, v41;
	vm14 =	vle.f32 v21, v3;
	v27 =	vadd.f32 $-1.151461010e-01, v27  }
0x2a2: {  	s18 =	simm.s32 $0x20;
	v63 =	vadd.f32 v47, v23;
	v30 =	vsel vm14, v58, v30;
	v23 =	vadd.f32 v22, v61  }
0x2a3: {  	v53 =	vld [tilespmem:s18+$0x500];
	v40 =	vsel vm14, v59, v52;
	vm15 =	vle.f32 v22, v3;
	v54 =	vmul.f32 v27, v7  }
0x2a4: {  	v55 =	vadd.f32 v25, v63;
	v40 =	vsel vm15, v60, v40;
	vm7 =	vle.f32 v23, v3  }
0x2a5: {  	v27 =	vsel vm15, v59, v30;
	v30 =	vsel vm7, v62, v40;
	v44 =	vadd.f32 $1.167699840e-01, v54  }
0x2a6: {  	v57 =	vadd.f32 v42, v55;
	v27 =	vsel vm7, v60, v27;
	v40 =	vand.u32 $0x7FFFFFFF, v30  }
0x2a7: {  	v58 =	vand.u32 $0x7FFFFFFF, v27;
	v40 =	vsub.f32 $0.0e+00, v40;
	v44 =	vmul.f32 v44, v7  }
0x2a8: {  	v8 =	vadd.f32 v9, v8;
	v9 =	vld [tilespmem:s18+$0x680];
	v41 =	vmul.f32 $1.442695020e+00, v53;
	v46 =	vsub.f32 $0.0e+00, v58  }
0x2a9: {  	v56 =	vld [tilespmem:s18+$0x580];
	v45 =	vadd.f32 v14, v57;
	v40 =	vmul.f32 $1.442695020e+00, v40;
	v44 =	vadd.f32 $-1.242014100e-01, v44  }
0x2aa: {  	(erf) = vpow2.f32 v41;
	v63 =	vld [tilespmem:s18+$0x700];
	v61 =	vmul.f32 $1.442695020e+00, v46  }
0x2ab: {  	v59 =	vld [tilespmem:s18+$0x880];
	v45 =	vadd.f32 v43, v45;
	(erf) = vpow2.f32 v40;
	v44 =	vmul.f32 v44, v7  }
0x2ac: {  	v26 =	vsel vm0, v26, v37;
	v60 =	vld [tilespmem:s18+$0x800];
	(erf) = vpow2.f32 v61  }
0x2ad: {  	v26 =	vsel vm2, v28, v26;
	v62 =	vld [tilespmem:s18+$0x780];
	(erf) = vrcp.f32 v45;
	v45 =	vadd.f32 $1.424932330e-01, v44  }
0x2ae: {  	v28 =	vld [tilespmem:s18+$0x600];
	v38 =	vadd.f32 v34, v38;
	v8 =	vmul.f32 v8, v5;
	v9 =	vmul.f32 $1.442695020e+00, v9  }
0x2af: {  	v5 =	vsel vm1, v34, v26;
	v39 =	vmul.f32 $1.442695020e+00, v56;
	v26 =	vmul.f32 v45, v7  }
0x2b0: {  	v5 =	vsel vm8, v38, v5;
	v51 =	vmul.f32 $1.442695020e+00, v63;
	v49 =	vmul.f32 $1.442695020e+00, v59  }
0x2b1: {  	v36 =	vshrl.u32 v36, $0x17;
	v50 =	vmul.f32 $1.442695020e+00, v60;
	(erf) = vpow2.f32 v39  }
0x2b2: {  	v52 =	vmul.f32 $1.442695020e+00, v62;
	(erf) = vpow2.f32 v49;
	v53 =	vadd.f32 $-1.666805740e-01, v26  }
0x2b3: {  	v10 =	vsel vm6, v10, v29;
	v54 =	vmul.f32 $1.442695020e+00, v28;
	(erf) = vpow2.f32 v50;
	v26 =	vpop (erf)  }
0x2b4: {  	v10 =	vsel vm4, v31, v10;
	(erf) = vpow2.f32 v52;
	v28 =	vmul.f32 v53, v7;
	v41 =	vpop (erf)  }
0x2b5: {  	vm0 =	vmmov vm14;
	(erf) = vpow2.f32 v51;
	v56 =	vmul.f32 $1.024382840e-02, v41;
	v40 =	vpop (erf)  }
0x2b6: {  	(erf) = vpow2.f32 v9;
	v58 =	vadd.f32 $2.000071410e-01, v28;
	v9 =	vmul.f32 $1.024382840e-02, v40  }
0x2b7: {  	vm1 =	vmmov vm15;
	(erf) = vpow2.f32 v54;
	v59 =	vadd.f32 $-5.326747890e-02, v56  }
0x2b8: {  	v55 =	vand.u32 $0x7FFFFFFF, v2;
	v57 =	vpop (erf);
	v60 =	vmul.f32 v58, v7;
	v9 =	vadd.f32 $-5.326747890e-02, v9  }
0x2b9: {  	vm2 =	vge.f32 v55, $3.000000000e+00;
	v44 =	vmul.f32 $5.992000100e+00, v57;
	v29 =	vmul.f32 v59, v41  }
0x2ba: {  	v62 =	vsel vm3, v32, v10;
	v28 =	vpop (erf);
	v35 =	vadd.f32 $-2.499999400e-01, v60;
	v61 =	vmul.f32 v9, v40  }
0x2bb: {  	v46 =	vsel vm5, v33, v62;
	v39 =	vpop (erf);
	v43 =	vmul.f32 v44, v43;
	v63 =	vadd.f32 $1.319896580e-01, v29  }
0x2bc: {  	v31 =	vpop (erf);
	v29 =	vmul.f32 v7, v7;
	v35 =	vmul.f32 v35, v7;
	v34 =	vadd.f32 $1.319896580e-01, v61  }
0x2bd: {  	v45 =	vadd.f32 v28, v26;
	v10 =	vmul.f32 v44, v47;
	v32 =	vpop (erf);
	v38 =	vmul.f32 v63, v41  }
0x2be: {  	v33 =	vpop (erf);
	v47 =	vmul.f32 v34, v40;
	v34 =	vadd.f32 $3.333333130e-01, v35;
	v35 =	vmul.f32 v29, v7  }
0x2bf: {  	s19 =	simm.s32 $0xC0;
	v9 =	vmul.f32 v44, v42;
	v37 =	vpop (erf);
	v48 =	vadd.f32 $-2.239668970e-01, v38;
	v38 =	vsel vm13, $0x1, v1  }
.LBB2_7:
0x2c0: {  	p0 =	sne.s32 s19, $0x1C0;
	v42 =	vpop (erf);
	v36 =	vadd.s32 v38, v36;
	v34 =	vmul.f32 v34, v35;
	v29 =	vmul.f32 $5.000000000e-01, v29  }
0x2c1: {  	v24 =	vsel vm0, v24, v46;
	v35 =	vadd.f32 $-2.239668970e-01, v47;
	v36 =	vadd.s32 $0xFFFFFF81, v36  }
0x2c2: {  	v38 =	vmul.f32 v48, v41;
	v29 =	vsub.f32 v34, v29;
	v34 =	vcvt.s32.f32 v36  }
0x2c3: {  	v13 =	vmul.f32 v13, v6;
	v6 =	vmovc v39;
	v15 =	vsel vm1, v15, v24;
	v24 =	vmul.f32 v35, v40  }
0x2c4: {  	v35 =	vadd.f32 $3.275117280e-01, v38;
	v7 =	vadd.f32 v29, v7;
	v29 =	vmul.f32 $6.931471820e-01, v34;
	v34 =	vld [tilespmem:s15+$0x2200]  }
0x2c5: {  	v11 =	vmul.f32 v44, v11;
	v16 =	vmul.f32 v44, v16;
	v13 =	vsel vm7, v13, v15  }
0x2c6: {  	v15 =	vadd.f32 $3.275117280e-01, v24;
	v24 =	vmul.f32 v35, v41;
	v7 =	vadd.f32 v7, v29  }
0x2c7: {  	v12 =	vmul.f32 v44, v12;
	v17 =	vnsel vm6, $0xC0400000, v17;
	v13 =	vadd.f32 $1.000000050e-03, v13  }
0x2c8: {  	v15 =	vmul.f32 v15, v40;
	v24 =	vadd.f32 $-4.993339480e-01, v24;
	v7 =	vsel vm2, $0x0, v7  }
0x2c9: {  	v17 =	vsel vm4, v18, v17;
	v18 =	vsel vm6, v12, v11;
	v7 =	vadd.f32 v7, v34  }
0x2ca: {  	v15 =	vadd.f32 $-4.993339480e-01, v15;
	v24 =	vmul.f32 v24, v41;
	(erf) = vrcp.f32 v13  }
0x2cb: {  	v17 =	vsel vm3, v19, v17;
	v18 =	vsel vm4, v16, v18;
	v13 =	vmul.f32 v44, v25;
	[tilespmem:s15+$0x2200] =	vst v7  }
0x2cc: {  	v15 =	vmul.f32 v15, v40;
	v7 =	vsel vm3, v10, v18;
	v18 =	vadd.f32 $9.999702570e-01, v24  }
0x2cd: {  	v14 =	vmul.f32 v44, v14;
	v17 =	vsel vm5, v20, v17;
	v7 =	vsel vm5, v13, v7  }
0x2ce: {  	v15 =	vadd.f32 $9.999702570e-01, v15;
	v7 =	vsel vm0, v9, v7;
	v18 =	vmul.f32 v18, v41  }
0x2cf: {  	v19 =	vadd.f32 v42, v45;
	v17 =	vsel vm0, v21, v17;
	v7 =	vsel vm1, v14, v7  }
0x2d0: {  	v15 =	vmul.f32 v15, v40;
	v7 =	vsel vm7, v43, v7;
	v18 =	vadd.f32 $2.215976450e-07, v18  }
0x2d1: {  	v17 =	vsel vm1, v22, v17;
	v29 =	vadd.f32 $1.000000050e-03, v7;
	v7 =	vmax.f32 v30, $0.0e+00  }
0x2d2: {  	v17 =	vsel vm7, v23, v17;
	v15 =	vadd.f32 $2.215976450e-07, v15;
	v7 =	vadd.f32 v18, v7  }
0x2d3: {  	v17 =	vsub.f32 v3, v17;
	v18 =	vadd.f32 v37, v19;
	v19 =	vmax.f32 v27, $0.0e+00;
	v20 =	vpop (erf)  }
0x2d4: {  	v15 =	vadd.f32 v15, v19;
	v7 =	vadd.f32 $1.000000050e-03, v7;
	v34 =	vmul.f32 v29, v20  }
0x2d5: {  	v8 =	vmul.f32 v4, v8;
	v11 =	vadd.f32 $1.000000050e-03, v11;
	v18 =	vadd.f32 v33, v18  }
0x2d6: {  	v4 =	vadd.f32 $1.000000050e-03, v15;
	v15 =	vmul.f32 v20, v17;
	v17 =	vsub.f32 v7, v34  }
0x2d7: {  	vm8 =	vmmov vm7;
	v11 =	vadd.f32 $-3.000000000e+00, v11;
	v18 =	vadd.f32 v32, v18  }
0x2d8: {  	v21 =	vsub.f32 $1.000000000e+00, v15;
	v19 =	vld [tilespmem:s18+$0xD00];
	v17 =	vadd.f32 v17, v4  }
0x2d9: {  	v12 =	vadd.f32 $1.000000050e-03, v12;
	v16 =	vadd.f32 $1.000000050e-03, v16;
	v23 =	vnsel vm6, $0xC0400000, v11;
	v22 =	vld [tilespmem:s18+$0xE00]  }
0x2da: {  	v18 =	vadd.f32 v31, v18;
	v25 =	vmul.f32 v21, v15;
	v24 =	vld [tilespmem:s18+$0xD80];
	v17 =	vsub.f32 v17, v34  }
0x2db: {  	v11 =	vadd.f32 v11, v12;
	v12 =	vadd.f32 $1.000000050e-03, v10  }
0x2dc: {  	v13 =	vadd.f32 $1.000000050e-03, v13;
	v18 =	vadd.f32 v6, v18;
	v17 =	vmul.f32 v17, v25  }
0x2dd: {  	v16 =	vadd.f32 v11, v16;
	v10 =	vmul.f32 v4, v25;
	v19 =	vmul.f32 $1.442695020e+00, v19  }
0x2de: {  	v22 =	vmul.f32 $1.442695020e+00, v22;
	v27 =	vld [tilespmem:s18+$0x1080];
	(erf) = vrcp.f32 v18;
	v17 =	vadd.f32 v17, v34  }
0x2df: {  	v18 =	vmul.f32 $1.442695020e+00, v24;
	v24 =	vld [tilespmem:s18+$0x1000];
	(erf) = vpow2.f32 v19;
	v19 =	vadd.f32 v34, v34  }
0x2e0: {  	v12 =	vadd.f32 v16, v12;
	v41 =	vmul.f32 v15, v15;
	v30 =	vld [tilespmem:s18+$0xF80];
	(erf) = vrcp.f32 v17  }
0x2e1: {  	v9 =	vadd.f32 $1.000000050e-03, v9;
	(erf) = vpow2.f32 v18;
	v15 =	vmul.f32 v19, v25  }
0x2e2: {  	v38 =	vadd.f32 v12, v13;
	v7 =	vmul.f32 v7, v41;
	v4 =	vmul.f32 v4, v21;
	v17 =	vld [tilespmem:s18+$0xF00]  }
0x2e3: {  	v11 =	vsel vm4, v11, v23;
	v13 =	vmul.f32 $1.442695020e+00, v27;
	(erf) = vpow2.f32 v22  }
0x2e4: {  	v4 =	vmul.f32 v4, v21;
	v7 =	vadd.f32 v7, v15;
	v18 =	vld [tilespmem:s18+$0xE80];
	v19 =	vmul.f32 $1.442695020e+00, v24  }
0x2e5: {  	v40 =	vadd.f32 v38, v9;
	v15 =	vmul.f32 $1.442695020e+00, v30;
	(erf) = vpow2.f32 v13  }
0x2e6: {  	v9 =	vmul.f32 v34, v34;
	(erf) = vpow2.f32 v19;
	v19 =	vadd.f32 v7, v4  }
0x2e7: {  	v7 =	vmul.f32 $1.442695020e+00, v17;
	(erf) = vpow2.f32 v15;
	v13 =	vpop (erf);
	v15 =	vsel vm3, v16, v11  }
0x2e8: {  	v14 =	vadd.f32 $1.000000050e-03, v14;
	v13 =	vmul.f32 $5.992000100e+00, v13;
	v11 =	vpop (erf);
	v16 =	vmul.f32 v19, v9  }
0x2e9: {  	v43 =	vsel vm5, v12, v15;
	v17 =	vmul.f32 $1.442695020e+00, v18;
	(erf) = vpow2.f32 v7;
	v4 =	vpop (erf)  }
0x2ea: {  	v9 =	vmul.f32 v13, v26;
	v12 =	vpop (erf);
	v26 =	vadd.f32 v40, v14;
	v7 =	vmul.f32 v4, v16  }
0x2eb: {  	v15 =	vmul.f32 v13, v31;
	v21 =	vld [tilespmem:s18+$0x1500];
	v14 =	vadd.f32 v12, v11;
	(erf) = vpow2.f32 v17  }
0x2ec: {  	v31 =	vmul.f32 v13, v28;
	v22 =	vld [tilespmem:s18+$0x1580];
	v17 =	vadd.f32 $1.000000050e-03, v9;
	v16 =	vpop (erf);
	v7 =	vmul.f32 v7, v4  }
0x2ed: {  	v35 =	vmul.f32 v13, v42;
	v24 =	vmul.f32 v13, v32;
	v28 =	vld [tilespmem:s18+$0x80];
	v23 =	vadd.f32 v16, v14  }
0x2ee: {  	v18 =	vadd.f32 $1.000000050e-03, v31;
	v27 =	vld [tilespmem:s18+$0x1600];
	v17 =	vadd.f32 $-3.000000000e+00, v17;
	v39 =	vpop (erf);
	v7 =	vmul.f32 v7, v20  }
0x2ef: {  	v32 =	vmul.f32 v13, v37;
	v33 =	vmul.f32 v13, v33;
	v30 =	vadd.f32 $1.000000050e-03, v24;
	v14 =	vpop (erf)  }
0x2f0: {  	v19 =	vadd.f32 $1.000000050e-03, v35;
	v44 =	vld [tilespmem:s18+$0x1680];
	v18 =	vadd.f32 v17, v18;
	v37 =	vpop (erf);
	v36 =	vand.u32 $0x7FFFFFFF, v7  }
0x2f1: {  	v45 =	vadd.f32 $1.000000050e-03, v33;
	v7 =	vadd.f32 $1.000000050e-03, v32;
	v20 =	vand.u32 $0x7FFFFF, v36  }
0x2f2: {  	v46 =	vld [tilespmem:s18+$0x1700];
	v19 =	vadd.f32 v18, v19;
	vm6 =	vle.f32 v17, v28;
	v25 =	vpop (erf);
	v47 =	vor.u32 $0x3F800000, v20  }
0x2f3: {  	v21 =	vsel vm6, v22, v21;
	v22 =	vsel vm6, v27, v22;
	v48 =	vmul.f32 $5.000000000e-01, v47  }
0x2f4: {  	vm4 =	vle.f32 v18, v28;
	vm9 =	vgt.f32 v47, $1.414213540e+00;
	v49 =	vld [tilespmem:s18+$0x1780];
	v20 =	vadd.f32 v19, v7;
	v42 =	vpop (erf)  }
0x2f5: {  	v27 =	vsel vm4, v27, v21;
	v22 =	vsel vm4, v44, v22;
	v7 =	vsel vm9, v48, v47  }
0x2f6: {  	vm3 =	vle.f32 v19, v28;
	v47 =	vld [tilespmem:s18+$0x1800];
	v21 =	vadd.f32 v20, v45;
	v7 =	vadd.f32 $-1.000000000e+00, v7  }
0x2f7: {  	v48 =	vadd.f32 $1.000000050e-03, v15;
	v27 =	vsel vm3, v44, v27;
	v45 =	vld [tilespmem:s18+$0x1880];
	v44 =	vsel vm3, v46, v22  }
0x2f8: {  	vm5 =	vle.f32 v20, v28;
	v50 =	vld [tilespmem:s18+$0x1D00];
	v22 =	vadd.f32 v21, v30;
	v30 =	vmul.f32 $7.037683580e-02, v7  }
0x2f9: {  	v51 =	vadd.f32 v42, v23;
	v27 =	vsel vm5, v46, v27;
	v44 =	vsel vm5, v49, v44  }
0x2fa: {  	s20 =	sshra.s32 s19, $0x2;
	vm11 =	vle.f32 v21, v28;
	v23 =	vadd.f32 v22, v48;
	v30 =	vadd.f32 $-1.151461010e-01, v30  }
0x2fb: {  	v27 =	vsel vm11, v49, v27;
	vm10 =	vle.f32 v22, v28;
	v46 =	vld [tilespmem:s20+$0x500];
	v44 =	vsel vm11, v47, v44  }
0x2fc: {  	vm7 =	vle.f32 v23, v28;
	v44 =	vsel vm10, v45, v44;
	v48 =	vmul.f32 v30, v7  }
0x2fd: {  	v49 =	vadd.f32 v25, v51;
	v27 =	vsel vm10, v47, v27;
	v30 =	vsel vm7, v50, v44  }
0x2fe: {  	v27 =	vsel vm7, v45, v27;
	v44 =	vld [tilespmem:s20+$0x580];
	v45 =	vand.u32 $0x7FFFFFFF, v30;
	v47 =	vadd.f32 $1.167699840e-01, v48  }
0x2ff: {  	v48 =	vadd.f32 v37, v49;
	v49 =	vand.u32 $0x7FFFFFFF, v27;
	v45 =	vsub.f32 $0.0e+00, v45  }
0x300: {  	v49 =	vsub.f32 $0.0e+00, v49;
	v46 =	vmul.f32 $1.442695020e+00, v46;
	v47 =	vmul.f32 v47, v7  }
0x301: {  	v34 =	vmul.f32 v34, v41;
	v48 =	vadd.f32 v14, v48;
	v50 =	vld [tilespmem:s20+$0x880];
	v45 =	vmul.f32 $1.442695020e+00, v45  }
0x302: {  	v41 =	vld [tilespmem:s20+$0x800];
	(erf) = vpow2.f32 v46;
	v46 =	vmul.f32 $1.442695020e+00, v49;
	v47 =	vadd.f32 $-1.242014100e-01, v47  }
0x303: {  	v48 =	vadd.f32 v39, v48;
	v44 =	vmul.f32 $1.442695020e+00, v44;
	v49 =	vld [tilespmem:s20+$0x780];
	(erf) = vpow2.f32 v45  }
0x304: {  	v10 =	vadd.f32 v10, v34;
	v45 =	vld [tilespmem:s20+$0x700];
	(erf) = vpow2.f32 v46;
	v34 =	vmul.f32 v47, v7  }
0x305: {  	v5 =	vadd.f32 v8, v5;
	v38 =	vsel vm0, v38, v43;
	v46 =	vld [tilespmem:s20+$0x680];
	(erf) = vrcp.f32 v48  }
0x306: {  	v8 =	vmul.f32 v10, v29;
	v43 =	vld [tilespmem:s20+$0x600];
	(erf) = vpow2.f32 v44;
	v10 =	vadd.f32 $1.424932330e-01, v34  }
0x307: {  	v29 =	vmul.f32 $1.442695020e+00, v50;
	v34 =	vsel vm1, v40, v38;
	v38 =	vsel vm2, v2, v5;
	v2 =	vmovc v3;
	v3 =	vmovc v28  }
0x308: {  	v28 =	vmul.f32 $1.442695020e+00, v41;
	v5 =	vsel vm8, v26, v34;
	v10 =	vmul.f32 v10, v7;
	[tilespmem:s15+$0x2180] =	vst v38;
	s15 =	smov.u32 s17;
	s17 =	smov.u32 s18;
	s18 =	smov.u32 s20  }
0x309: {  	vm0 =	vmmov vm11;
	v38 =	vmul.f32 $1.442695020e+00, v49;
	v34 =	vmul.f32 $1.442695020e+00, v45  }
0x30a: {  	v44 =	vmul.f32 $1.442695020e+00, v46;
	(erf) = vpow2.f32 v29;
	v10 =	vadd.f32 $-1.666805740e-01, v10  }
0x30b: {  	vm1 =	vmmov vm10;
	v29 =	vmul.f32 $1.442695020e+00, v43;
	v26 =	vpop (erf);
	(erf) = vpow2.f32 v28  }
0x30c: {  	v28 =	vand.u32 $0x7FFFFFFF, v2;
	(erf) = vpow2.f32 v38;
	v41 =	vpop (erf);
	v10 =	vmul.f32 v10, v7  }
0x30d: {  	vm2 =	vge.f32 v28, $3.000000000e+00;
	(erf) = vpow2.f32 v34;
	v34 =	vmul.f32 $1.024382840e-02, v41;
	v40 =	vpop (erf)  }
0x30e: {  	(erf) = vpow2.f32 v44;
	v38 =	vmul.f32 $1.024382840e-02, v40;
	v43 =	vpop (erf);
	v10 =	vadd.f32 $2.000071410e-01, v10  }
0x30f: {  	v28 =	vpop (erf);
	(erf) = vpow2.f32 v29;
	v44 =	vmul.f32 $5.992000100e+00, v43;
	v29 =	vadd.f32 $-5.326747890e-02, v34  }
0x310: {  	v45 =	vadd.f32 v28, v26;
	v34 =	vadd.f32 $-5.326747890e-02, v38;
	v10 =	vmul.f32 v10, v7  }
0x311: {  	v9 =	vsel vm6, v31, v9;
	v43 =	vmul.f32 v44, v39;
	v29 =	vmul.f32 v29, v41  }
0x312: {  	v38 =	vsel vm4, v35, v9;
	v34 =	vmul.f32 v34, v40;
	v10 =	vadd.f32 $-2.499999400e-01, v10  }
.Ltmp4:
0x313: {  	v9 =	vmul.f32 v44, v37;
	v35 =	vsel vm3, v32, v38;
	v39 =	vpop (erf);
	v37 =	vadd.f32 $1.319896580e-01, v29;
	(pc) =	sbr.rel @p0 .LBB2_7-.Ltmp4, $4  }
0x314: {  	v29 =	vmul.f32 v7, v7;
	v31 =	vpop (erf);
	v34 =	vadd.f32 $1.319896580e-01, v34;
	v38 =	vmul.f32 v10, v7  }
0x315: {  	v46 =	vsel vm5, v33, v35;
	v10 =	vmul.f32 v44, v42;
	v32 =	vpop (erf);
	v42 =	vmul.f32 v37, v41  }
0x316: {  	v35 =	vmul.f32 v29, v7;
	v33 =	vpop (erf);
	v47 =	vmul.f32 v34, v40;
	v34 =	vadd.f32 $3.333333130e-01, v38  }
0x317: {  	s19 =	sadd.s32 $0x40, s19;
	v36 =	vshrl.u32 v36, $0x17;
	v38 =	vsel vm9, $0x1, v1;
	v37 =	vpop (erf);
	v48 =	vadd.f32 $-2.239668970e-01, v42  }
0x318: {  	v42 =	vadd.f32 $-2.239668970e-01, v47;
	_ =	sdelay $0x1  }
0x319: {  	v42 =	vmul.f32 v42, v40;
	_ =	sdelay $0x1  }
0x31a: {  	v24 =	vsel vm0, v24, v46;
	v52 =	vmul.f32 v48, v41  }
0x31b: {  	v6 =	vmul.f32 v13, v6;
	v55 =	vnsel vm6, $0xC0400000, v17;
	v46 =	vsel vm1, v15, v24  }
0x31c: {  	v24 =	vmul.f32 v44, v11;
	v53 =	vadd.f32 $3.275117280e-01, v52;
	v54 =	vadd.f32 $3.275117280e-01, v42;
	v42 =	vpop (erf)  }
0x31d: {  	v15 =	vmul.f32 v44, v16;
	v16 =	vmul.f32 v44, v12;
	v56 =	vadd.f32 v42, v45  }
0x31e: {  	v12 =	vsel vm4, v18, v55;
	v6 =	vsel vm7, v6, v46;
	v13 =	vmul.f32 v53, v41  }
0x31f: {  	v60 =	vsel vm3, v19, v12;
	v6 =	vadd.f32 $1.000000050e-03, v6;
	v59 =	vadd.f32 v37, v56  }
0x320: {  	v12 =	vmul.f32 v44, v14;
	v11 =	vmul.f32 v54, v40;
	v13 =	vadd.f32 $-4.993339480e-01, v13  }
0x321: {  	v57 =	vsel vm6, v16, v24;
	(erf) = vrcp.f32 v6;
	v6 =	vadd.f32 v33, v59  }
0x322: {  	v17 =	vsel vm5, v20, v60;
	v11 =	vadd.f32 $-4.993339480e-01, v11;
	v58 =	vmul.f32 v13, v41  }
0x323: {  	v61 =	vsel vm4, v15, v57;
	v13 =	vmul.f32 v44, v25;
	v6 =	vadd.f32 v32, v6  }
0x324: {  	v18 =	vsel vm3, v10, v61;
	v11 =	vmul.f32 v11, v40;
	v62 =	vadd.f32 $9.999702570e-01, v58  }
0x325: {  	v17 =	vsel vm0, v21, v17;
	v63 =	vsel vm5, v13, v18;
	v6 =	vadd.f32 v31, v6  }
0x326: {  	v14 =	vsel vm0, v9, v63;
	v11 =	vadd.f32 $9.999702570e-01, v11;
	v25 =	vmul.f32 v62, v41  }
0x327: {  	v17 =	vsel vm1, v22, v17;
	v14 =	vsel vm1, v12, v14;
	v6 =	vadd.f32 v39, v6  }
0x328: {  	v14 =	vsel vm7, v43, v14;
	v40 =	vmul.f32 v11, v40;
	v18 =	vadd.f32 $2.215976450e-07, v25  }
0x329: {  	v41 =	vmax.f32 v30, $0.0e+00;
	v11 =	vadd.f32 $1.000000050e-03, v14;
	(erf) = vrcp.f32 v6  }
0x32a: {  	v17 =	vsel vm7, v23, v17;
	v19 =	vadd.f32 $2.215976450e-07, v40;
	v14 =	vadd.f32 v18, v41  }
0x32b: {  	v44 =	vsub.f32 v3, v17;
	v43 =	vmax.f32 v27, $0.0e+00;
	v20 =	vpop (erf)  }
0x32c: {  	v47 =	vld [tilespmem:s18+$0xD00];
	v45 =	vadd.f32 v19, v43;
	v21 =	vadd.f32 $1.000000050e-03, v14;
	v14 =	vmul.f32 v11, v20  }
0x32d: {  	v49 =	vld [tilespmem:s18+$0xE00]  }
0x32e: {  	v54 =	vld [tilespmem:s18+$0xF80];
	v23 =	vmul.f32 v20, v44;
	v17 =	vadd.f32 $1.000000050e-03, v45;
	v46 =	vsub.f32 v21, v14  }
0x32f: {  	v48 =	vld [tilespmem:s18+$0xD80]  }
0x330: {  	v51 =	vld [tilespmem:s18+$0x1080];
	v22 =	vsub.f32 $1.000000000e+00, v23;
	v6 =	vadd.f32 v46, v17  }
0x331: {  	v52 =	vld [tilespmem:s18+$0x1000]  }
0x332: {  	v53 =	vmul.f32 $1.442695020e+00, v49;
	v18 =	vmul.f32 v22, v23;
	v6 =	vsub.f32 v6, v14;
	v50 =	vpop (erf)  }
0x333: {  	v60 =	vld [tilespmem:s18+$0xE80];
	v27 =	vmul.f32 $1.442695020e+00, v54;
	v30 =	vmul.f32 $5.992000100e+00, v50  }
0x334: {  	v25 =	vmul.f32 $1.442695020e+00, v48;
	v6 =	vmul.f32 v6, v18  }
0x335: {  	v19 =	vmul.f32 $1.442695020e+00, v47;
	v26 =	vmul.f32 v30, v26  }
0x336: {  	v40 =	vmul.f32 $1.442695020e+00, v51;
	v41 =	vmul.f32 $1.442695020e+00, v52;
	v6 =	vadd.f32 v6, v14  }
0x337: {  	(erf) = vpow2.f32 v19;
	v28 =	vmul.f32 v30, v28;
	v59 =	vadd.f32 $1.000000050e-03, v26  }
0x338: {  	v19 =	vmul.f32 $1.442695020e+00, v60;
	(erf) = vrcp.f32 v6  }
0x339: {  	v55 =	vld [tilespmem:s18+$0xF00];
	v42 =	vmul.f32 v30, v42;
	v62 =	vadd.f32 $1.000000050e-03, v28;
	v44 =	vadd.f32 $-3.000000000e+00, v59  }
0x33a: {  	v61 =	vld [tilespmem:s18+$0x1500];
	v37 =	vmul.f32 v30, v37;
	(erf) = vpow2.f32 v25  }
0x33b: {  	v6 =	vld [tilespmem:s18+$0x80];
	(erf) = vpow2.f32 v53;
	v56 =	vadd.f32 $1.000000050e-03, v42;
	v45 =	vadd.f32 v44, v62  }
0x33c: {  	v63 =	vld [tilespmem:s18+$0x1580];
	v33 =	vmul.f32 v30, v33;
	(erf) = vpow2.f32 v40  }
0x33d: {  	v58 =	vadd.f32 $1.000000050e-03, v37;
	(erf) = vpow2.f32 v41;
	v41 =	vld [tilespmem:s18+$0x1600];
	v46 =	vadd.f32 v45, v56  }
0x33e: {  	v57 =	vld [tilespmem:s18+$0x1680];
	v32 =	vmul.f32 v30, v32;
	v31 =	vmul.f32 v30, v31  }
0x33f: {  	v49 =	vld [tilespmem:s18+$0x1700];
	v25 =	vmul.f32 $1.442695020e+00, v55;
	v59 =	vadd.f32 $1.000000050e-03, v33;
	v48 =	vadd.f32 v46, v58  }
0x340: {  	v51 =	vld [tilespmem:s18+$0x1780];
	v50 =	vadd.f32 $1.000000050e-03, v32;
	(erf) = vpow2.f32 v27;
	vm11 =	vle.f32 v44, v6  }
0x341: {  	v53 =	vld [tilespmem:s18+$0x1800];
	v60 =	vsel vm11, v63, v61;
	vm13 =	vle.f32 v45, v6;
	v54 =	vadd.f32 v48, v59  }
0x342: {  	v62 =	vld [tilespmem:s18+$0x1880];
	v52 =	vsel vm11, v41, v63;
	v63 =	vadd.f32 $1.000000050e-03, v31;
	v27 =	vsel vm13, v41, v60  }
0x343: {  	v55 =	vld [tilespmem:s18+$0x1D00];
	v61 =	vsel vm13, v57, v52;
	vm9 =	vle.f32 v46, v6;
	v50 =	vadd.f32 v54, v50  }
0x344: {  	v40 =	vsel vm9, v49, v61;
	v27 =	vsel vm9, v57, v27;
	vm10 =	vle.f32 v48, v6  }
0x345: {  	v40 =	vsel vm10, v51, v40;
	vm14 =	vle.f32 v54, v6;
	v41 =	vadd.f32 v50, v63  }
0x346: {  	v27 =	vsel vm10, v49, v27;
	v40 =	vsel vm14, v53, v40;
	vm8 =	vle.f32 v50, v6  }
0x347: {  	v56 =	vsel vm14, v51, v27;
	v40 =	vsel vm8, v62, v40;
	vm12 =	vle.f32 v41, v6  }
0x348: {  	(erf) = vpow2.f32 v25;
	v57 =	vsel vm8, v53, v56;
	v40 =	vsel vm12, v55, v40  }
0x349: {  	(erf) = vpow2.f32 v19;
	v43 =	vsel vm12, v62, v57;
	v58 =	vand.u32 $0x7FFFFFFF, v40  }
0x34a: {  	v27 =	vpop (erf);
	v59 =	vand.u32 $0x7FFFFFFF, v43;
	v25 =	vsub.f32 $0.0e+00, v58  }
0x34b: {  	v19 =	vpop (erf);
	v47 =	vsub.f32 $0.0e+00, v59  }
0x34c: {  	v49 =	vpop (erf);
	v25 =	vmul.f32 $1.442695020e+00, v25  }
0x34d: {  	v51 =	vpop (erf);
	v47 =	vmul.f32 $1.442695020e+00, v47  }
0x34e: {  	v52 =	vpop (erf);
	(erf) = vpow2.f32 v25  }
0x34f: {  	v60 =	vadd.f32 v49, v27;
	v53 =	vpop (erf)  }
0x350: {  	v55 =	vpop (erf);
	(erf) = vpow2.f32 v47  }
0x351: {  	v25 =	vadd.f32 v51, v60;
	v47 =	vpop (erf)  }
0x352: {  	v56 =	vpop (erf)  }
0x353: {  	v25 =	vadd.f32 v56, v25;
	_ =	sdelay $0x1  }
0x354: {  	v25 =	vadd.f32 v47, v25;
	_ =	sdelay $0x1  }
0x355: {  	v25 =	vadd.f32 v55, v25;
	v57 =	vpop (erf)  }
0x356: {  	v58 =	vmul.f32 $1.024382840e-02, v57  }
0x357: {  	v25 =	vadd.f32 v53, v25;
	v59 =	vpop (erf)  }
0x358: {  	v60 =	vmul.f32 $1.024382840e-02, v59;
	v58 =	vadd.f32 $-5.326747890e-02, v58  }
0x359: {  	v25 =	vadd.f32 v52, v25  }
0x35a: {  	v26 =	vsel vm11, v28, v26;
	v61 =	vadd.f32 $-5.326747890e-02, v60;
	v58 =	vmul.f32 v58, v57  }
0x35b: {  	v62 =	vsel vm13, v42, v26;
	(erf) = vrcp.f32 v25  }
0x35c: {  	v25 =	vsel vm9, v37, v62;
	v63 =	vmul.f32 v61, v59;
	v37 =	vadd.f32 $1.319896580e-01, v58  }
0x35d: {  	v30 =	vmul.f32 v30, v39;
	vm14 =	vmmov vm14;
	vm8 =	vmmov vm8  }
0x35e: {  	v25 =	vsel vm10, v33, v25;
	v26 =	vadd.f32 $1.319896580e-01, v63;
	v28 =	vmul.f32 v37, v57  }
0x35f: {  	v42 =	vimm.s32 $0x0;
	v61 =	vmul.f32 v17, v22;
	v25 =	vsel vm14, v32, v25  }
0x360: {  	v26 =	vmul.f32 v26, v59;
	v39 =	vadd.f32 $-2.239668970e-01, v28;
	v28 =	vsel vm8, $0xFFFFFFFF, v42  }
0x361: {  	v58 =	vadd.f32 v14, v14;
	v25 =	vsel vm8, v31, v25;
	[tilespmem:$0x1FFE0] =	vst v28;
	v28 =	vmul.f32 v23, v23  }
0x362: {  	v32 =	vmul.f32 v61, v22;
	v26 =	vadd.f32 $-2.239668970e-01, v26;
	v62 =	vmul.f32 v39, v57  }
0x363: {  	v60 =	vsel vm12, v30, v25;
	v31 =	vmul.f32 v58, v18;
	v21 =	vmul.f32 v21, v28  }
0x364: {  	v23 =	vadd.f32 $1.000000050e-03, v60;
	v63 =	vpop (erf);
	v37 =	vmul.f32 v26, v59;
	v39 =	vadd.f32 $3.275117280e-01, v62  }
0x365: {  	v60 =	vnsel vm11, $0xC0400000, v44;
	v33 =	vadd.f32 v21, v31;
	v21 =	vmul.f32 $5.992000100e+00, v63  }
0x366: {  	v61 =	vsel vm13, v45, v60;
	v42 =	vadd.f32 $3.275117280e-01, v37;
	v58 =	vmul.f32 v39, v57  }
0x367: {  	(erf) = vrcp.f32 v23;
	v63 =	vsel vm9, v46, v61;
	v31 =	vmul.f32 v21, v27  }
0x368: {  	v30 =	vmul.f32 v21, v49;
	v22 =	vmul.f32 v42, v59;
	v23 =	vadd.f32 $-4.993339480e-01, v58  }
0x369: {  	v39 =	vsel vm10, v48, v63;
	v25 =	vmul.f32 v21, v56;
	v27 =	vmul.f32 v21, v51  }
0x36a: {  	v49 =	vsel vm11, v30, v31;
	v22 =	vadd.f32 $-4.993339480e-01, v22;
	v51 =	vmul.f32 v23, v57  }
0x36b: {  	v26 =	vmul.f32 v21, v47;
	v23 =	vmul.f32 v21, v55;
	v42 =	vsel vm13, v27, v49  }
0x36c: {  	v42 =	vsel vm9, v25, v42;
	v22 =	vmul.f32 v22, v59;
	v44 =	vadd.f32 $9.999702570e-01, v51  }
0x36d: {  	v62 =	vmul.f32 v21, v52;
	v21 =	vmul.f32 v21, v53;
	v42 =	vsel vm10, v26, v42  }
0x36e: {  	v42 =	vsel vm14, v23, v42;
	v22 =	vadd.f32 $9.999702570e-01, v22;
	v44 =	vmul.f32 v44, v57  }
0x36f: {  	v39 =	vsel vm14, v54, v39;
	v52 =	vmul.f32 v14, v14;
	v42 =	vsel vm8, v21, v42  }
0x370: {  	v37 =	vsel vm12, v62, v42;
	v53 =	vmul.f32 v22, v59;
	v44 =	vadd.f32 $2.215976450e-07, v44  }
0x371: {  	v54 =	vmax.f32 v40, $0.0e+00;
	v39 =	vsel vm8, v50, v39;
	v22 =	vadd.f32 $1.000000050e-03, v37  }
0x372: {  	v39 =	vsel vm12, v41, v39;
	v55 =	vadd.f32 $2.215976450e-07, v53;
	v37 =	vadd.f32 v44, v54  }
0x373: {  	v33 =	vadd.f32 v33, v32;
	v56 =	vmax.f32 v43, $0.0e+00;
	v39 =	vsub.f32 v6, v39;
	v41 =	vpop (erf)  }
0x374: {  	v32 =	vmul.f32 v22, v41;
	v40 =	vadd.f32 v55, v56;
	v57 =	vadd.f32 $1.000000050e-03, v37  }
0x375: {  	v58 =	vmul.f32 v33, v52  }
0x376: {  	v59 =	vmul.f32 v41, v39;
	v33 =	vadd.f32 $1.000000050e-03, v40;
	v60 =	vsub.f32 v57, v32;
	_ =	sdelay $0x1  }
0x377: {  	v61 =	vsub.f32 $1.000000000e+00, v59;
	v62 =	vadd.f32 v60, v33;
	_ =	sdelay $0x1  }
0x378: {  	v39 =	vmul.f32 v61, v59;
	v44 =	vsub.f32 v62, v32  }
0x379: {  	v37 =	vmul.f32 v19, v58  }
0x37a: {  	v63 =	vmul.f32 v44, v39  }
0x37b: {  	v37 =	vmul.f32 v37, v19  }
0x37c: {  	v48 =	vadd.f32 v63, v32  }
0x37d: {  	v50 =	vadd.f32 v32, v32;
	v20 =	vmul.f32 v37, v20  }
0x37e: {  	v37 =	vmul.f32 v59, v59;
	(erf) = vrcp.f32 v48  }
0x37f: {  	v53 =	vmul.f32 v50, v39;
	v44 =	vand.u32 $0x7FFFFFFF, v20  }
0x380: {  	v54 =	vmul.f32 v33, v61;
	v42 =	vmul.f32 v57, v37;
	v49 =	vand.u32 $0x7FFFFF, v44  }
0x381: {  	v51 =	vor.u32 $0x3F800000, v49  }
0x382: {  	v55 =	vmul.f32 v54, v61;
	v40 =	vadd.f32 v42, v53;
	v52 =	vmul.f32 $5.000000000e-01, v51  }
0x383: {  	vm8 =	vgt.f32 v51, $1.414213540e+00  }
0x384: {  	v56 =	vmul.f32 v32, v32;
	v40 =	vadd.f32 v40, v55;
	v20 =	vsel vm8, v52, v51;
	_ =	sdelay $0x1  }
0x385: {  	v40 =	vmul.f32 v40, v56;
	v43 =	vadd.f32 $-1.000000000e+00, v20  }
0x386: {  	v20 =	vpop (erf)  }
0x387: {  	v57 =	vmul.f32 $7.037683580e-02, v43;
	v40 =	vmul.f32 v20, v40;
	_ =	sdelay $0x1  }
0x388: {  	v42 =	vadd.f32 $-1.151461010e-01, v57;
	v40 =	vmul.f32 v40, v20;
	_ =	sdelay $0x1  }
0x389: {  	v42 =	vmul.f32 v42, v43;
	v40 =	vmul.f32 v40, v41;
	_ =	sdelay $0x1  }
0x38a: {  	v42 =	vadd.f32 $1.167699840e-01, v42;
	v40 =	vand.u32 $0x7FFFFFFF, v40  }
0x38b: {  	v59 =	vand.u32 $0x7FFFFF, v40  }
0x38c: {  	v34 =	vmul.f32 v34, v35;
	v58 =	vmul.f32 v42, v43;
	v42 =	vor.u32 $0x3F800000, v59  }
0x38d: {  	v29 =	vmul.f32 $5.000000000e-01, v29;
	v60 =	vmul.f32 $5.000000000e-01, v42  }
0x38e: {  	v4 =	vmul.f32 v4, v8;
	v41 =	vadd.f32 $-1.242014100e-01, v58;
	vm15 =	vgt.f32 v42, $1.414213540e+00  }
0x38f: {  	v29 =	vsub.f32 v34, v29;
	v24 =	vadd.f32 $1.000000050e-03, v24;
	v42 =	vsel vm15, v60, v42  }
0x390: {  	v4 =	vadd.f32 v4, v5;
	v41 =	vmul.f32 v41, v43;
	v42 =	vadd.f32 $-1.000000000e+00, v42  }
0x391: {  	v36 =	vadd.s32 v38, v36;
	v16 =	vadd.f32 $1.000000050e-03, v16;
	v24 =	vadd.f32 $-3.000000000e+00, v24  }
0x392: {  	v15 =	vadd.f32 $1.000000050e-03, v15;
	v41 =	vadd.f32 $1.424932330e-01, v41;
	v63 =	vmul.f32 $7.037683580e-02, v42  }
0x393: {  	v36 =	vadd.s32 $0xFFFFFF81, v36;
	v7 =	vadd.f32 v29, v7;
	v16 =	vadd.f32 v24, v16  }
0x394: {  	v2 =	vsel vm2, v2, v4;
	v62 =	vmul.f32 v41, v43;
	v41 =	vadd.f32 $-1.151461010e-01, v63  }
0x395: {  	v15 =	vadd.f32 v16, v15;
	v17 =	vmul.f32 v17, v18;
	v14 =	vmul.f32 v14, v28  }
0x396: {  	v12 =	vadd.f32 $1.000000050e-03, v12;
	v61 =	vnsel vm6, $0xC0400000, v24;
	v24 =	vmul.f32 v41, v42  }
0x397: {  	vm7 =	vmmov vm7;
	v14 =	vadd.f32 v17, v14;
	v34 =	vadd.f32 $1.000000050e-03, v31  }
0x398: {  	v46 =	vcvt.s32.f32 v36;
	v38 =	vadd.f32 $-1.666805740e-01, v62;
	v24 =	vadd.f32 $1.167699840e-01, v24  }
0x399: {  	v11 =	vmul.f32 v14, v11;
	v54 =	vadd.f32 $1.000000050e-03, v13;
	v16 =	vsel vm4, v16, v61  }
0x39a: {  	v61 =	vshrl.u32 v44, $0x17;
	v47 =	vmul.f32 v38, v43;
	v24 =	vmul.f32 v24, v42  }
0x39b: {  	v44 =	vadd.f32 $1.000000050e-03, v27;
	v49 =	vmul.f32 $6.931471820e-01, v46;
	v48 =	vadd.f32 $1.000000050e-03, v10  }
0x39c: {  	vm12 =	vmmov vm12;
	v50 =	vadd.f32 $2.000071410e-01, v47;
	v55 =	vadd.f32 $-1.242014100e-01, v24  }
0x39d: {  	v46 =	vmul.f32 v19, v11;
	v7 =	vadd.f32 v7, v49;
	v10 =	vadd.f32 v15, v48  }
0x39e: {  	v53 =	vsel vm8, $0x1, v1;
	v51 =	vld [tilespmem:s15+$0x2200];
	v52 =	vmul.f32 v50, v43;
	v58 =	vmul.f32 v55, v42  }
0x39f: {  	v15 =	vsel vm3, v15, v16;
	v8 =	vadd.f32 v10, v54;
	v57 =	vadd.f32 $1.000000050e-03, v9  }
0x3a0: {  	v15 =	vsel vm5, v10, v15;
	v16 =	vadd.f32 $-2.499999400e-01, v52;
	v10 =	vadd.f32 $1.424932330e-01, v58  }
0x3a1: {  	v49 =	vadd.f32 $1.000000050e-03, v26;
	v56 =	vmul.f32 v43, v43;
	v9 =	vadd.f32 v8, v57  }
0x3a2: {  	v7 =	vsel vm2, $0x0, v7;
	v16 =	vmul.f32 v16, v43;
	v10 =	vmul.f32 v10, v42  }
0x3a3: {  	v7 =	vadd.f32 v7, v51;
	v8 =	vsel vm0, v8, v15;
	v12 =	vadd.f32 v9, v12  }
0x3a4: {  	v60 =	vmul.f32 v56, v43;
	v59 =	vadd.f32 $3.333333130e-01, v16;
	v10 =	vadd.f32 $-1.666805740e-01, v10  }
0x3a5: {  	v51 =	vadd.f32 $1.000000050e-03, v23;
	v8 =	vsel vm1, v9, v8;
	v63 =	vmul.f32 $5.000000000e-01, v56  }
0x3a6: {  	v8 =	vsel vm7, v12, v8;
	v13 =	vmul.f32 v59, v60;
	v10 =	vmul.f32 v10, v42  }
0x3a7: {  	v8 =	vadd.f32 v46, v8;
	v54 =	vsel vm15, $0x1, v1;
	v62 =	vadd.s32 v53, v61  }
0x3a8: {  	v53 =	vshrl.u32 v40, $0x17;
	v13 =	vsub.f32 v13, v63;
	v36 =	vadd.f32 $2.000071410e-01, v10  }
0x3a9: {  	v61 =	vand.u32 $0x7FFFFFFF, v6;
	v48 =	vmul.f32 v42, v42;
	v41 =	vadd.f32 $-3.000000000e+00, v34  }
0x3aa: {  	v24 =	vadd.f32 v13, v43;
	v43 =	vadd.f32 $1.000000050e-03, v30;
	v5 =	vmul.f32 v36, v42  }
0x3ab: {  	v19 =	vadd.s32 v54, v53;
	vm15 =	vge.f32 v61, $3.000000000e+00;
	v14 =	vmul.f32 $5.000000000e-01, v48  }
0x3ac: {  	v56 =	vadd.s32 $0xFFFFFF81, v19;
	v45 =	vadd.f32 v41, v43;
	v5 =	vadd.f32 $-2.499999400e-01, v5  }
0x3ad: {  	v47 =	vadd.f32 $1.000000050e-03, v25;
	v57 =	vcvt.s32.f32 v56;
	v50 =	vmul.f32 v33, v39  }
0x3ae: {  	v16 =	vadd.s32 $0xFFFFFF81, v62;
	v10 =	vadd.f32 v45, v44;
	v5 =	vmul.f32 v5, v42  }
0x3af: {  	v38 =	vand.u32 $0x7FFFFFFF, v3;
	v52 =	vmul.f32 v48, v42;
	v16 =	vcvt.s32.f32 v16  }
0x3b0: {  	[tilespmem:s15+$0x2200] =	vst v7;
	v55 =	vmul.f32 v32, v37;
	v11 =	vadd.f32 v10, v47;
	v5 =	vadd.f32 $3.333333130e-01, v5  }
0x3b1: {  	v7 =	vld [tilespmem:$0x1FFE0];
	v59 =	vmul.f32 $6.931471820e-01, v57;
	v28 =	vmul.f32 $6.931471820e-01, v16;
	v13 =	vnsel vm11, $0xC0400000, v41  }
0x3b2: {  	v12 =	vsel vm13, v45, v13;
	v15 =	vadd.f32 v11, v49;
	v5 =	vmul.f32 v5, v52  }
0x3b3: {  	v58 =	vadd.f32 $1.000000050e-03, v21;
	v13 =	vadd.f32 v50, v55;
	v10 =	vsel vm9, v10, v12  }
0x3b4: {  	v29 =	vld [tilespmem:s17+$0x2200];
	v10 =	vsel vm10, v11, v10;
	v17 =	vadd.f32 v15, v51;
	v5 =	vsub.f32 v5, v14  }
0x3b5: {  	v35 =	vadd.f32 v24, v28;
	v13 =	vmul.f32 v13, v22;
	v10 =	vsel vm14, v15, v10  }
0x3b6: {  	v60 =	vld [tilespmem:s18+$0x2200];
	vm14 =	vnez.u8 v7;
	v12 =	vadd.f32 v17, v58;
	v5 =	vadd.f32 v5, v42  }
0x3b7: {  	vm8 =	vge.f32 v38, $3.000000000e+00;
	v62 =	vmul.f32 v20, v13;
	v7 =	vsel vm14, v17, v10  }
0x3b8: {  	[tilespmem:s15+$0x2180] =	vst v2;
	v4 =	vsel vm8, $0x0, v35;
	v2 =	vsel vm12, v12, v7;
	v5 =	vadd.f32 v5, v59  }
0x3b9: {  	v3 =	vsel vm8, v3, v8;
	v4 =	vadd.f32 v4, v29;
	v2 =	vadd.f32 v62, v2  }
.Ltmp5:
0x3ba: {  	[tilespmem:s17+$0x2180] =	vst v3;
	v5 =	vsel vm15, $0x0, v5;
	(pc) =	sbr.rel @p1 .LBB2_10-.Ltmp5, $4  }
0x3bb: {  	[tilespmem:s17+$0x2200] =	vst v4;
	v2 =	vsel vm15, v6, v2;
	v63 =	vadd.f32 v5, v60  }
0x3bc: {  	s14 =	sadd.s32 s14, s7;
	[tilespmem:s18+$0x2180] =	vst v2  }
0x3bd: {  	s14 =	sadd.s32 $0x10, s14;
	[tilespmem:s18+$0x2200] =	vst v63  }
0x3be: {  	[hbm4b:s14+s6] =	stream.linear.scatter [tilespmem:s22], [sflag:$0x4], $0x80, $0x38;
	[tilespmem:$0x2280] =	vst v63  }
0x3bf: {  	s13 =	sadd.s32 $0x3, s13  }
0x3c0: {  	s14 =	sshll.u32 s13, $0x7;
	s15 =	sshll.u32 s13, $0xE  }
0x3c1: {  	s14 =	sand.u32 $0x380, s14;
	s15 =	sand.u32 $0x1E0000, s15  }
0x3c2: {  	s14 =	sor.u32 s15, s14  }
0x3c3: {  	s13 =	sshll.u32 s13, $0x11;
	s14 =	sor.u32 s8, s14  }
0x3c4: {  	s13 =	sor.u32 s8, s13;
	s14 =	sshrl.u32 s14, $0x3  }
0x3c5: {  	s13 =	sshrl.u32 s13, $0x3;
	s18 =	sadd.s32 s1, s14  }
0x3c6: {  	[tilespmem:s23], [sflag:$0x2] =	stream.linear.gather [hbm4b:s18+s6], $0x80, $0x38;
	[tilespmem:$0x2280] =	vst v63  }
0x3c7: {  	s19 =	sadd.s32 s2, s13  }
0x3c8: {  	[tilespmem:s28], [sflag:$0x2] =	stream.linear.gather [hbm4b:s19+s6], $0x400, $0x38;
	[tilespmem:$0x2280] =	vst v63  }
0x3c9: {  	s13 =	sadd.s32 s3, s13  }
0x3ca: {  	[tilespmem:s29], [sflag:$0x2] =	stream.linear.gather [hbm4b:s13+s6], $0x400, $0x38;
	[tilespmem:$0x2280] =	vst v63  }
.Ltmp6:
0x3cb: {  	_ = 	snop;
	(pc) =	sbr.rel .LBB2_4-.Ltmp6, $4  }
0x3cc: {  	s20 =	sadd.s32 s4, s14  }
0x3cd: {  	[tilespmem:s30], [sflag:$0x2] =	stream.strided.gather [hbm4b:s20+s23], $0x400, s24, s23, $0x38;
	[tilespmem:$0x2280] =	vst v63  }
0x3ce: {  	s11 =	sadd.s32 $0x1, s11;
	s13 =	sadd.s32 $0x100000, s20  }
0x3cf: {  	[tilespmem:s31], [sflag:$0x2] =	stream.linear.gather [hbm4b:s13+s6], $0x80, $0x38;
	[tilespmem:$0x2280] =	vst v63  }
.LBB2_11:
0x3d0: {  	_ =	sfence.sel $0x180000  }
0x3d1: {  	[bflag:$0x0] =	sbarrier.arrive $0xFFFF  }
0x3d2: {  	_ =	strace $0x90000047  }
0x3d3: {  	s0 =	stileid.u32;
	[bflag:$0x2] =	sbarrier.arrive $0xFFFF  }
0x3d4: {  	p0 =	sne.s32 s0, $0x0;
	s0 =	rddreg [dreg:$0x6]  }
0x3d5: {  	s0 =	sadd.s32 @!p0 $0x100000, s0  }
0x3d6: {  	[sflag:s0] =	ssyncadd.tile.s32 @!p0 $0x1;
	_ =	shalt  }
.Lfunc_end2:
_tile_overlayer_lowered:
.L_overlay_start_2:
0x3d7: {  	(tag) =	ssettag $0x2  }
0x3d8: {  	s0 =	rddreg [dreg:$0x0];
	s2 =	stileid.u32  }
0x3d9: {  	s1 =	rddreg [dreg:$0x1];
	p0 =	sne.s32 s2, $0x0  }
0x3da: {  	s3 =	rddreg [dreg:$0x2];
	[bflag:$0x3] =	sbarrier.arrive $0xFFFF;
	s2 =	simm.s32 @!p0 $0x1C05  }
0x3db: {  	[timem:s3], [sflag:s2] =	dma.local @!p0 [hbm:s0], s1  }
0x3dc: {  	s0 =	simm.s32 @!p0 $0x5  }
0x3dd: {  	_ =	swait.ge @!p0 [sflag:s0], s1  }
0x3de: {  	s1 =	ssub.s32 @!p0 $0x0, s1;
	[sflag:s0] =	ssyncset.done @!p0 $0x0  }
0x3df: {  	[sflag:s0] =	ssyncadd.s32 @!p0 s1  }
0x3e0: {  	[bflag:$0x3] =	sbarrier.arrive $0xFFFF  }
0x3e1: {  	_ =	shalt  }

</sc_bundles>
